<compile_context>
chip_gen: v7x
topology: tpu7x:2x2x1
jax: 0.10.2.dev20260603
libtpu: 0.0.44.dev20260713+nightly
codegen_flags: <defaults>
</compile_context>

<pallas_src>
import dataclasses
import functools

import jax
import jax.numpy as jnp
from jax import lax
from jax.experimental import pallas as pl
from jax.experimental.pallas import tpu as pltpu
from jax.experimental.pallas import tpu_sc as plsc

N = 100000
E = 1600000
DF = 128
DH = 16
DO = 2

NC = 2
NS = 16
NW = NC * NS

CHUNK = 128
ROWS_PER_W = 400
E_PAD = NW * ROWS_PER_W * CHUNK
R2D = E_PAD // CHUNK
BLK_ROWS = 8
BE = BLK_ROWS * CHUNK
N_ITERS = ROWS_PER_W // BLK_ROWS

EPT = E_PAD // NW
BDEG = 2048
N_PAD = 100096
RP = N_PAD // NS
ZROWS = 16

_mesh = plsc.VectorSubcoreMesh(core_axis_name="c", subcore_axis_name="s")

_sc_params = pltpu.CompilerParams()
if "needs_layout_passes" in pltpu.CompilerParams.__dataclass_fields__:
    _sc_params = dataclasses.replace(_sc_params, needs_layout_passes=False)
if "use_tc_tiling_on_sc" in pltpu.CompilerParams.__dataclass_fields__:
    _sc_params = dataclasses.replace(_sc_params, use_tc_tiling_on_sc=False)


@functools.partial(
    pl.kernel,
    out_type=jax.ShapeDtypeStruct((NW, 1, N), jnp.float32),
    mesh=_mesh,
    compiler_params=_sc_params,
    scratch_types=[
        pltpu.VMEM((N,), jnp.float32),
        pltpu.VMEM((BDEG,), jnp.int32),
        pltpu.VMEM((BDEG,), jnp.float32),
    ],
)
def _deg_kernel(dst_hbm, w_hbm, out_hbm, deg_v, dst_v, w_v):
    wid = lax.axis_index("s") * NC + lax.axis_index("c")

    @pl.loop(0, N, step=16)
    def _zero(i):
        deg_v[pl.ds(i, 16)] = jnp.zeros((16,), jnp.float32)

    base = wid * EPT

    @pl.loop(0, EPT, step=BDEG)
    def _block(off):
        pltpu.sync_copy(dst_hbm.at[pl.ds(base + off, BDEG)], dst_v)
        pltpu.sync_copy(w_hbm.at[pl.ds(base + off, BDEG)], w_v)

        @pl.loop(0, BDEG, step=16, unroll=4)
        def _scat(j):
            plsc.addupdate_scatter(
                deg_v, [dst_v[pl.ds(j, 16)]], w_v[pl.ds(j, 16)]
            )

    pltpu.sync_copy(deg_v, out_hbm.at[wid, 0])


@functools.partial(
    pl.kernel,
    out_type=jax.ShapeDtypeStruct((NC, N_PAD, DH), jnp.float32),
    mesh=_mesh,
    compiler_params=_sc_params,
    scratch_types=[
        pltpu.VMEM((BLK_ROWS, CHUNK), jnp.int32),
        pltpu.VMEM((BLK_ROWS, CHUNK), jnp.int32),
        pltpu.VMEM((BE,), jnp.float32),
        pltpu.VMEM((BE, DH), jnp.float32),
        pltpu.VMEM((ZROWS, DH), jnp.float32),
        pltpu.VMEM_SHARED((N_PAD, DH), jnp.float32),
        pltpu.SemaphoreType.DMA,
        pltpu.SemaphoreType.DMA,
    ],
)
def _agg_kernel(src2_hbm, dst2_hbm, w_hbm, y_hbm, out_hbm,
                src_v, dst_v, w_v, rows_v, zero_v, acc_sh, gsem, ssem):
    cid = lax.axis_index("c")
    sid = lax.axis_index("s")
    wid = sid * NC + cid

    @pl.loop(0, ZROWS)
    def _zrow(i):
        zero_v[i] = jnp.zeros((DH,), jnp.float32)

    @pl.loop(0, RP, step=ZROWS)
    def _zacc(r):
        pltpu.sync_copy(zero_v, acc_sh.at[pl.ds(sid * RP + r, ZROWS)])

    plsc.subcore_barrier()

    base_row = wid * ROWS_PER_W

    @pl.loop(0, N_ITERS)
    def _block(blk):
        row0 = base_row + blk * BLK_ROWS
        pltpu.sync_copy(src2_hbm.at[pl.ds(row0, BLK_ROWS)], src_v)
        pltpu.sync_copy(dst2_hbm.at[pl.ds(row0, BLK_ROWS)], dst_v)
        pltpu.sync_copy(w_hbm.at[pl.ds(row0 * CHUNK, BE)], w_v)

        gathers = []
        for j in range(BLK_ROWS):
            gathers.append(pltpu.async_copy(
                y_hbm.at[src_v.at[j]],
                rows_v.at[pl.ds(j * CHUNK, CHUNK)],
                gsem,
            ))
        for g in gathers:
            g.wait()

        @pl.loop(0, BE, step=8, unroll=1)
        def _scale(e0):
            for u in range(8):
                j = e0 + u
                wj = plsc.load_gather(w_v, [jnp.full((16,), j, jnp.int32)])
                rows_v[j] = rows_v[j] * wj

        scatters = []
        for j in range(BLK_ROWS):
            scatters.append(pltpu.async_copy(
                rows_v.at[pl.ds(j * CHUNK, CHUNK)],
                acc_sh.at[dst_v.at[j]],
                ssem,
                add=True,
            ))
        for s in scatters:
            s.wait()

    plsc.subcore_barrier()
    pltpu.sync_copy(acc_sh.at[pl.ds(sid * RP, RP)],
                    out_hbm.at[cid, pl.ds(sid * RP, RP)])


BLK = 1024
GRID = pl.cdiv(N, BLK)


def _mm1_body(x_ref, w_ref, o_ref):
    o_ref[...] = jax.lax.dot_general(
        x_ref[...], w_ref[...], (((1,), (0,)), ((), ())),
        preferred_element_type=jnp.float32)


def _mm1(x, W1):
    return pl.pallas_call(
        _mm1_body,
        grid=(GRID,),
        in_specs=[
            pl.BlockSpec((BLK, DF), lambda i: (i, 0)),
            pl.BlockSpec((DF, DH), lambda i: (0, 0)),
        ],
        out_specs=pl.BlockSpec((BLK, DH), lambda i: (i, 0)),
        out_shape=jax.ShapeDtypeStruct((N, DH), jnp.float32),
    )(x, W1)


def _prep_body(degp_ref, xw_ref, dis_ref, y1_ref):
    deg = 1.0 + jnp.sum(degp_ref[...], axis=0)
    dis = jax.lax.rsqrt(deg)
    dis_ref[...] = dis[:, None]
    y1_ref[...] = xw_ref[...] * dis[:, None]


def _prep(degp, xw):
    return pl.pallas_call(
        _prep_body,
        grid=(GRID,),
        in_specs=[
            pl.BlockSpec((NW, BLK), lambda i: (0, i)),
            pl.BlockSpec((BLK, DH), lambda i: (i, 0)),
        ],
        out_specs=[
            pl.BlockSpec((BLK, 1), lambda i: (i, 0)),
            pl.BlockSpec((BLK, DH), lambda i: (i, 0)),
        ],
        out_shape=[
            jax.ShapeDtypeStruct((N, 1), jnp.float32),
            jax.ShapeDtypeStruct((N, DH), jnp.float32),
        ],
    )(degp, xw)


def _comb1_body(accp_ref, xw_ref, dis_ref, b1_ref, h_ref, y2_ref):
    dis = dis_ref[...]
    acc = accp_ref[0] + accp_ref[1]
    pre = acc * dis + xw_ref[...] * (dis * dis) + b1_ref[...]
    h = jnp.maximum(pre, 0.0)
    h_ref[...] = h
    y2_ref[...] = h * dis


def _comb1(accp, xw, dis, b1):
    return pl.pallas_call(
        _comb1_body,
        grid=(GRID,),
        in_specs=[
            pl.BlockSpec((NC, BLK, DH), lambda i: (0, i, 0)),
            pl.BlockSpec((BLK, DH), lambda i: (i, 0)),
            pl.BlockSpec((BLK, 1), lambda i: (i, 0)),
            pl.BlockSpec((1, DH), lambda i: (0, 0)),
        ],
        out_specs=[
            pl.BlockSpec((BLK, DH), lambda i: (i, 0)),
            pl.BlockSpec((BLK, DH), lambda i: (i, 0)),
        ],
        out_shape=[
            jax.ShapeDtypeStruct((N, DH), jnp.float32),
            jax.ShapeDtypeStruct((N, DH), jnp.float32),
        ],
    )(accp, xw, dis, b1)


def _comb2_body(accp_ref, h_ref, dis_ref, w2_ref, b2_ref, o_ref):
    dis = dis_ref[...]
    acc = accp_ref[0] + accp_ref[1]
    g = acc * dis + h_ref[...] * (dis * dis)
    o_ref[...] = jax.lax.dot_general(
        g, w2_ref[...], (((1,), (0,)), ((), ())),
        preferred_element_type=jnp.float32) + b2_ref[...]


def _comb2(accp, h, dis, W2, b2):
    return pl.pallas_call(
        _comb2_body,
        grid=(GRID,),
        in_specs=[
            pl.BlockSpec((NC, BLK, DH), lambda i: (0, i, 0)),
            pl.BlockSpec((BLK, DH), lambda i: (i, 0)),
            pl.BlockSpec((BLK, 1), lambda i: (i, 0)),
            pl.BlockSpec((DH, DO), lambda i: (0, 0)),
            pl.BlockSpec((1, DO), lambda i: (0, 0)),
        ],
        out_specs=pl.BlockSpec((BLK, DO), lambda i: (i, 0)),
        out_shape=jax.ShapeDtypeStruct((N, DO), jnp.float32),
    )(accp, h, dis, W2, b2)


def kernel(x, edge_index, edge_weight, W1, b1, W2, b2):
    src = edge_index[0]
    dst = edge_index[1]
    pad = E_PAD - E
    src_p = jnp.pad(src, (0, pad))
    dst_p = jnp.pad(dst, (0, pad))
    w_p = jnp.pad(edge_weight, (0, pad))
    src2 = src_p.reshape(R2D, CHUNK)
    dst2 = dst_p.reshape(R2D, CHUNK)

    degp = _deg_kernel(dst_p, w_p).reshape(NW, N)
    xw = _mm1(x, W1)
    dis, y1 = _prep(degp, xw)

    acc1 = _agg_kernel(src2, dst2, w_p, y1)
    h, y2 = _comb1(acc1, xw, dis, b1.reshape(1, DH))

    acc2 = _agg_kernel(src2, dst2, w_p, y2)
    out = _comb2(acc2, h, dis, W2, b2.reshape(1, DO))
    return (h, out)

# --- scband reference (transcript-rebuilt; emitter-appended) ---
"""Pipeline reference for scband-graph-gcn-54863912239471 (READ-ONLY COPY).

The authoritative reference and input builder live on the scoring server;
editing this copy changes nothing except your own understanding.
"""

import jax, jax.numpy as jnp
import numpy as np

N_NODES = 100000
N_EDGES = 1600000
D_FEAT = 128
D_HID = 16
D_OUT = 2


def gcn_conv(x, src, dst, ew, W, b):
    # Faithful PyG GCNConv: add self-loops (weight 1), symmetric normalization,
    # linear transform, weighted scatter-add aggregation, bias.
    N = x.shape[0]
    loop = jnp.arange(N, dtype=src.dtype)
    s = jnp.concatenate([src, loop])
    d = jnp.concatenate([dst, loop])
    w = jnp.concatenate([ew, jnp.ones((N,), x.dtype)])
    deg = jnp.zeros((N,), x.dtype).at[d].add(w)
    deg_inv_sqrt = jnp.where(deg > 0, 1.0 / jnp.sqrt(deg), 0.0)
    norm = deg_inv_sqrt[s] * w * deg_inv_sqrt[d]
    xw = x @ W
    msg = xw[s] * norm[:, None]
    out = jnp.zeros((N, W.shape[1]), x.dtype).at[d].add(msg)
    return out + b


def setup_inputs(seed: int = 0) -> dict:
    key = jax.random.key(seed)
    ks = jax.random.split(key, 8)
    x = jax.random.normal(ks[0], (N_NODES, D_FEAT), dtype=jnp.float32)
    edge_index = jax.random.randint(ks[1], (2, N_EDGES), 0, N_NODES, dtype=jnp.int32)
    edge_weight = jax.random.uniform(ks[2], (N_EDGES,), dtype=jnp.float32)
    W1 = jax.random.normal(ks[3], (D_FEAT, D_HID), dtype=jnp.float32) * (1.0 / np.sqrt(D_FEAT))
    b1 = jnp.zeros((D_HID,), dtype=jnp.float32)
    W2 = jax.random.normal(ks[4], (D_HID, D_OUT), dtype=jnp.float32) * (1.0 / np.sqrt(D_HID))
    b2 = jnp.zeros((D_OUT,), dtype=jnp.float32)
    return {"x": x, "edge_index": edge_index, "edge_weight": edge_weight,
            "W1": W1, "b1": b1, "W2": W2, "b2": b2}


def reference(x, edge_index, edge_weight, W1, b1, W2, b2):
    src = edge_index[0]
    dst = edge_index[1]
    h = gcn_conv(x, src, dst, edge_weight, W1, b1)
    h = jax.nn.relu(h)
    node_embeddings = h
    # dropout p=0.5 is identity in eval mode (deterministic reference)
    out = gcn_conv(h, src, dst, edge_weight, W2, b2)
    return (node_embeddings, out)

if __name__ == "__main__":
    import jax
    _d = setup_inputs()
    print(jax.jit(kernel)(*tuple(_d.values())))

</pallas_src>

<mosaic_0001>
#map = affine_map<(d0, d1) -> (0)>
#map1 = affine_map<(d0, d1) -> (0, 0, 0)>
module attributes {stable_mosaic.version = 14 : i64} {
  func.func @_deg_kernel(%arg0: i32, %arg1: i32, %arg2: memref<1638400xi32, #tpu.memory_space<hbm>>, %arg3: memref<1638400xf32, #tpu.memory_space<hbm>>, %arg4: memref<32x1x100000xf32, #tpu.memory_space<hbm>>, %arg5: memref<100000xf32, #tpu.memory_space<vmem>>, %arg6: memref<2048xi32, #tpu.memory_space<vmem>>, %arg7: memref<2048xf32, #tpu.memory_space<vmem>>) attributes {dimension_semantics = [#tpu.dimension_semantics<core_parallel>, #tpu.dimension_semantics<subcore_parallel>], iteration_bounds = array<i64: 2, 16>, scalar_prefetch = 0 : i64, scratch_operands = 3 : i64, tpu.core_type = #tpu.core_type<sc_vector_subcore>, window_params = [{transform_indices = #map}, {transform_indices = #map}, {transform_indices = #map1}]} {
    %mul3A = arith.constant 2 : i32
    %mul3A_0 = arith.muli %arg1, %mul3A : i32
    %add3A = arith.addi %mul3A_0, %arg0 : i32
    %scan3A = arith.constant 0 : i32
    %scan3A_1 = arith.constant 6250 : i32
    %scan3A_2 = arith.addi %scan3A, %scan3A_1 : i32
    %scan3A_3 = arith.constant 1 : i32
    scf.for %scan3A_12 = %scan3A to %scan3A_2 step %scan3A_3  : i32 {
      %mul3A_13 = arith.constant 16 : i32
      %mul3A_14 = arith.muli %scan3A_12, %mul3A_13 : i32
      %add3A_15 = arith.constant 0 : i32
      %add3A_16 = arith.addi %add3A_15, %mul3A_14 : i32
      %broadcast_in_dim3A = arith.constant 0.000000e+00 : f32
      %broadcast_in_dim3A_17 = vector.broadcast %broadcast_in_dim3A : f32 to vector<16xf32>
      %swap3A = arith.index_cast %add3A_16 : i32 to index
      %swap3A_18 = tpu.vector_load %arg5[%swap3A] {strides = array<i32>} : memref<100000xf32, #tpu.memory_space<vmem>>, vector<16xf32>,
      tpu.vector_store %arg5[%swap3A], %broadcast_in_dim3A_17 {strides = array<i32>} : memref<100000xf32, #tpu.memory_space<vmem>>, vector<16xf32>,
    }
    %scan3A_4 = arith.constant 6250 : i32
    %mul3A_5 = arith.constant 51200 : i32
    %mul3A_6 = arith.muli %add3A, %mul3A_5 : i32
    %scan3A_7 = arith.constant 0 : i32
    %scan3A_8 = arith.constant 25 : i32
    %scan3A_9 = arith.addi %scan3A_7, %scan3A_8 : i32
    %scan3A_10 = arith.constant 1 : i32
    scf.for %scan3A_12 = %scan3A_7 to %scan3A_9 step %scan3A_10  : i32 {
      %mul3A_13 = arith.constant 2048 : i32
      %mul3A_14 = arith.muli %scan3A_12, %mul3A_13 : i32
      %add3A_15 = arith.constant 0 : i32
      %add3A_16 = arith.addi %add3A_15, %mul3A_14 : i32
      %add3A_17 = arith.addi %mul3A_6, %add3A_16 : i32
      "tpu.region"() ({
        %run_scoped3A_24 = tpu.sem_alloc : memref<!tpu.dma_semaphore, #tpu.memory_space<semaphore_mem>>
        %dma_start3A = tpu.memref_slice %arg2[%add3A_17] : memref<1638400xi32, #tpu.memory_space<hbm>> -> memref<2048xi32, #tpu.memory_space<hbm>>
        %dma_start3A_25 = tpu.memref_slice %arg2[%add3A_17] : memref<1638400xi32, #tpu.memory_space<hbm>> -> memref<2048xi32, #tpu.memory_space<hbm>>
        tpu.enqueue_dma source(%dma_start3A_25 : memref<2048xi32, #tpu.memory_space<hbm>>) target(%arg6 : memref<2048xi32, #tpu.memory_space<vmem>>) target_semaphore(%run_scoped3A_24 : memref<!tpu.dma_semaphore, #tpu.memory_space<semaphore_mem>>)
        %dma_wait3A = tpu.memref_slice %arg2[%add3A_17] : memref<1638400xi32, #tpu.memory_space<hbm>> -> memref<2048xi32, #tpu.memory_space<hbm>>
        %dma_wait3A_26 = tpu.memref_slice %arg2[%add3A_17] : memref<1638400xi32, #tpu.memory_space<hbm>> -> memref<2048xi32, #tpu.memory_space<hbm>>
        tpu.wait_dma2 semaphore(%run_scoped3A_24 : memref<!tpu.dma_semaphore, #tpu.memory_space<semaphore_mem>>) src(%dma_wait3A_26 : memref<2048xi32, #tpu.memory_space<hbm>>) dst(%arg6 : memref<2048xi32, #tpu.memory_space<vmem>>)
        tpu.yield
      }) : () -> ()
      %add3A_18 = arith.addi %mul3A_6, %add3A_16 : i32
      "tpu.region"() ({
        %run_scoped3A_24 = tpu.sem_alloc : memref<!tpu.dma_semaphore, #tpu.memory_space<semaphore_mem>>
        %dma_start3A = tpu.memref_slice %arg3[%add3A_18] : memref<1638400xf32, #tpu.memory_space<hbm>> -> memref<2048xf32, #tpu.memory_space<hbm>>
        %dma_start3A_25 = tpu.memref_slice %arg3[%add3A_18] : memref<1638400xf32, #tpu.memory_space<hbm>> -> memref<2048xf32, #tpu.memory_space<hbm>>
        tpu.enqueue_dma source(%dma_start3A_25 : memref<2048xf32, #tpu.memory_space<hbm>>) target(%arg7 : memref<2048xf32, #tpu.memory_space<vmem>>) target_semaphore(%run_scoped3A_24 : memref<!tpu.dma_semaphore, #tpu.memory_space<semaphore_mem>>)
        %dma_wait3A = tpu.memref_slice %arg3[%add3A_18] : memref<1638400xf32, #tpu.memory_space<hbm>> -> memref<2048xf32, #tpu.memory_space<hbm>>
        %dma_wait3A_26 = tpu.memref_slice %arg3[%add3A_18] : memref<1638400xf32, #tpu.memory_space<hbm>> -> memref<2048xf32, #tpu.memory_space<hbm>>
        tpu.wait_dma2 semaphore(%run_scoped3A_24 : memref<!tpu.dma_semaphore, #tpu.memory_space<semaphore_mem>>) src(%dma_wait3A_26 : memref<2048xf32, #tpu.memory_space<hbm>>) dst(%arg7 : memref<2048xf32, #tpu.memory_space<vmem>>)
        tpu.yield
      }) : () -> ()
      %scan3A_19 = arith.constant 0 : i32
      %scan3A_20 = arith.constant 128 : i32
      %scan3A_21 = arith.addi %scan3A_19, %scan3A_20 : i32
      %scan3A_22 = arith.constant 4 : i32
      scf.for %scan3A_24 = %scan3A_19 to %scan3A_21 step %scan3A_22  : i32 {
        %mul3A_25 = arith.constant 16 : i32
        %mul3A_26 = arith.muli %scan3A_24, %mul3A_25 : i32
        %add3A_27 = arith.constant 0 : i32
        %add3A_28 = arith.addi %add3A_27, %mul3A_26 : i32
        %get3A = arith.index_cast %add3A_28 : i32 to index
        %get3A_29 = tpu.vector_load %arg6[%get3A] {strides = array<i32>} : memref<2048xi32, #tpu.memory_space<vmem>>, vector<16xi32>,
        %get3A_30 = arith.index_cast %add3A_28 : i32 to index
        %get3A_31 = tpu.vector_load %arg7[%get3A_30] {strides = array<i32>} : memref<2048xf32, #tpu.memory_space<vmem>>, vector<16xf32>,
        tpu.vector_store_idx %arg5[%get3A_29], %get3A_31 {add = true} : memref<100000xf32, #tpu.memory_space<vmem>>[vector<16xi32>], vector<16xf32>,
        %scan3A_32 = arith.constant 1 : i32
        %scan3A_33 = arith.addi %scan3A_24, %scan3A_32 : i32
        %mul3A_34 = arith.constant 16 : i32
        %mul3A_35 = arith.muli %scan3A_33, %mul3A_34 : i32
        %add3A_36 = arith.constant 0 : i32
        %add3A_37 = arith.addi %add3A_36, %mul3A_35 : i32
        %get3A_38 = arith.index_cast %add3A_37 : i32 to index
        %get3A_39 = tpu.vector_load %arg6[%get3A_38] {strides = array<i32>} : memref<2048xi32, #tpu.memory_space<vmem>>, vector<16xi32>,
        %get3A_40 = arith.index_cast %add3A_37 : i32 to index
        %get3A_41 = tpu.vector_load %arg7[%get3A_40] {strides = array<i32>} : memref<2048xf32, #tpu.memory_space<vmem>>, vector<16xf32>,
        tpu.vector_store_idx %arg5[%get3A_39], %get3A_41 {add = true} : memref<100000xf32, #tpu.memory_space<vmem>>[vector<16xi32>], vector<16xf32>,
        %scan3A_42 = arith.constant 2 : i32
        %scan3A_43 = arith.addi %scan3A_24, %scan3A_42 : i32
        %mul3A_44 = arith.constant 16 : i32
        %mul3A_45 = arith.muli %scan3A_43, %mul3A_44 : i32
        %add3A_46 = arith.constant 0 : i32
        %add3A_47 = arith.addi %add3A_46, %mul3A_45 : i32
        %get3A_48 = arith.index_cast %add3A_47 : i32 to index
        %get3A_49 = tpu.vector_load %arg6[%get3A_48] {strides = array<i32>} : memref<2048xi32, #tpu.memory_space<vmem>>, vector<16xi32>,
        %get3A_50 = arith.index_cast %add3A_47 : i32 to index
        %get3A_51 = tpu.vector_load %arg7[%get3A_50] {strides = array<i32>} : memref<2048xf32, #tpu.memory_space<vmem>>, vector<16xf32>,
        tpu.vector_store_idx %arg5[%get3A_49], %get3A_51 {add = true} : memref<100000xf32, #tpu.memory_space<vmem>>[vector<16xi32>], vector<16xf32>,
        %scan3A_52 = arith.constant 3 : i32
        %scan3A_53 = arith.addi %scan3A_24, %scan3A_52 : i32
        %mul3A_54 = arith.constant 16 : i32
        %mul3A_55 = arith.muli %scan3A_53, %mul3A_54 : i32
        %add3A_56 = arith.constant 0 : i32
        %add3A_57 = arith.addi %add3A_56, %mul3A_55 : i32
        %get3A_58 = arith.index_cast %add3A_57 : i32 to index
        %get3A_59 = tpu.vector_load %arg6[%get3A_58] {strides = array<i32>} : memref<2048xi32, #tpu.memory_space<vmem>>, vector<16xi32>,
        %get3A_60 = arith.index_cast %add3A_57 : i32 to index
        %get3A_61 = tpu.vector_load %arg7[%get3A_60] {strides = array<i32>} : memref<2048xf32, #tpu.memory_space<vmem>>, vector<16xf32>,
        tpu.vector_store_idx %arg5[%get3A_59], %get3A_61 {add = true} : memref<100000xf32, #tpu.memory_space<vmem>>[vector<16xi32>], vector<16xf32>,
      }
      %scan3A_23 = arith.constant 128 : i32
    }
    %scan3A_11 = arith.constant 25 : i32
    %run_scoped3A = arith.constant 0 : i32
    "tpu.region"() ({
      %run_scoped3A_12 = tpu.sem_alloc : memref<!tpu.dma_semaphore, #tpu.memory_space<semaphore_mem>>
      %dma_start3A = arith.constant 0 : i32
      %dma_start3A_13 = tpu.memref_slice %arg4[%add3A, %run_scoped3A, %dma_start3A] : memref<32x1x100000xf32, #tpu.memory_space<hbm>> -> memref<1x1x100000xf32, #tpu.memory_space<hbm>>
      %dma_start3A_14 = tpu.memref_squeeze %dma_start3A_13 : memref<1x1x100000xf32, #tpu.memory_space<hbm>> -> memref<100000xf32, #tpu.memory_space<hbm>>
      %dma_start3A_15 = arith.constant 0 : i32
      %dma_start3A_16 = tpu.memref_slice %arg4[%add3A, %run_scoped3A, %dma_start3A_15] : memref<32x1x100000xf32, #tpu.memory_space<hbm>> -> memref<1x1x100000xf32, #tpu.memory_space<hbm>>
      %dma_start3A_17 = tpu.memref_squeeze %dma_start3A_16 : memref<1x1x100000xf32, #tpu.memory_space<hbm>> -> memref<100000xf32, #tpu.memory_space<hbm>>
      tpu.enqueue_dma source(%arg5 : memref<100000xf32, #tpu.memory_space<vmem>>) target(%dma_start3A_17 : memref<100000xf32, #tpu.memory_space<hbm>>) target_semaphore(%run_scoped3A_12 : memref<!tpu.dma_semaphore, #tpu.memory_space<semaphore_mem>>)
      %dma_wait3A = arith.constant 0 : i32
      %dma_wait3A_18 = tpu.memref_slice %arg4[%add3A, %run_scoped3A, %dma_wait3A] : memref<32x1x100000xf32, #tpu.memory_space<hbm>> -> memref<1x1x100000xf32, #tpu.memory_space<hbm>>
      %dma_wait3A_19 = tpu.memref_squeeze %dma_wait3A_18 : memref<1x1x100000xf32, #tpu.memory_space<hbm>> -> memref<100000xf32, #tpu.memory_space<hbm>>
      %dma_wait3A_20 = arith.constant 0 : i32
      %dma_wait3A_21 = tpu.memref_slice %arg4[%add3A, %run_scoped3A, %dma_wait3A_20] : memref<32x1x100000xf32, #tpu.memory_space<hbm>> -> memref<1x1x100000xf32, #tpu.memory_space<hbm>>
      %dma_wait3A_22 = tpu.memref_squeeze %dma_wait3A_21 : memref<1x1x100000xf32, #tpu.memory_space<hbm>> -> memref<100000xf32, #tpu.memory_space<hbm>>
      tpu.wait_dma2 semaphore(%run_scoped3A_12 : memref<!tpu.dma_semaphore, #tpu.memory_space<semaphore_mem>>) src(%arg5 : memref<100000xf32, #tpu.memory_space<vmem>>) dst(%dma_wait3A_22 : memref<100000xf32, #tpu.memory_space<hbm>>)
      tpu.yield
    }) : () -> ()
    return
  }
}

#map = affine_map<(d0, d1) -> (0, 0)>
#map1 = affine_map<(d0, d1) -> (0)>
#map2 = affine_map<(d0, d1) -> (0, 0, 0)>
module attributes {stable_mosaic.version = 14 : i64} {
  func.func @_agg_kernel(%arg0: i32, %arg1: i32, %arg2: memref<12800x128xi32, #tpu.memory_space<hbm>>, %arg3: memref<12800x128xi32, #tpu.memory_space<hbm>>, %arg4: memref<1638400xf32, #tpu.memory_space<hbm>>, %arg5: memref<100000x16xf32, #tpu.memory_space<hbm>>, %arg6: memref<2x100096x16xf32, #tpu.memory_space<hbm>>, %arg7: memref<8x128xi32, #tpu.memory_space<vmem>>, %arg8: memref<8x128xi32, #tpu.memory_space<vmem>>, %arg9: memref<1024xf32, #tpu.memory_space<vmem>>, %arg10: memref<1024x16xf32, #tpu.memory_space<vmem>>, %arg11: memref<16x16xf32, #tpu.memory_space<vmem>>, %arg12: memref<100096x16xf32, #tpu.memory_space<vmem_shared>>, %arg13: memref<!tpu.dma_semaphore, #tpu.memory_space<semaphore_mem>>, %arg14: memref<!tpu.dma_semaphore, #tpu.memory_space<semaphore_mem>>) attributes {dimension_semantics = [#tpu.dimension_semantics<core_parallel>, #tpu.dimension_semantics<subcore_parallel>], iteration_bounds = array<i64: 2, 16>, scalar_prefetch = 0 : i64, scratch_operands = 8 : i64, tpu.core_type = #tpu.core_type<sc_vector_subcore>, window_params = [{transform_indices = #map}, {transform_indices = #map}, {transform_indices = #map1}, {transform_indices = #map}, {transform_indices = #map2}]} {
    %mul3A = arith.constant 2 : i32
    %mul3A_0 = arith.muli %arg1, %mul3A : i32
    %add3A = arith.addi %mul3A_0, %arg0 : i32
    %scan3A = arith.constant 0 : i32
    %scan3A_1 = arith.constant 16 : i32
    %scan3A_2 = arith.addi %scan3A, %scan3A_1 : i32
    %scan3A_3 = arith.constant 1 : i32
    scf.for %scan3A_22 = %scan3A to %scan3A_2 step %scan3A_3  : i32 {
      %mul3A_23 = arith.constant 1 : i32
      %mul3A_24 = arith.muli %scan3A_22, %mul3A_23 : i32
      %add3A_25 = arith.constant 0 : i32
      %add3A_26 = arith.addi %add3A_25, %mul3A_24 : i32
      %broadcast_in_dim3A = arith.constant 0.000000e+00 : f32
      %broadcast_in_dim3A_27 = vector.broadcast %broadcast_in_dim3A : f32 to vector<16xf32>
      %swap3A = arith.index_cast %add3A_26 : i32 to index
      %swap3A_28 = arith.constant 0 : index
      %swap3A_29 = tpu.vector_load %arg11[%swap3A, %swap3A_28] {strides = array<i32>} : memref<16x16xf32, #tpu.memory_space<vmem>>, vector<16xf32>,
      tpu.vector_store %arg11[%swap3A, %swap3A_28], %broadcast_in_dim3A_27 {strides = array<i32>} : memref<16x16xf32, #tpu.memory_space<vmem>>, vector<16xf32>,
    }
    %scan3A_4 = arith.constant 16 : i32
    %scan3A_5 = arith.constant 0 : i32
    %scan3A_6 = arith.constant 391 : i32
    %scan3A_7 = arith.addi %scan3A_5, %scan3A_6 : i32
    %scan3A_8 = arith.constant 1 : i32
    scf.for %scan3A_22 = %scan3A_5 to %scan3A_7 step %scan3A_8  : i32 {
      %mul3A_23 = arith.constant 16 : i32
      %mul3A_24 = arith.muli %scan3A_22, %mul3A_23 : i32
      %add3A_25 = arith.constant 0 : i32
      %add3A_26 = arith.addi %add3A_25, %mul3A_24 : i32
      %mul3A_27 = arith.constant 6256 : i32
      %mul3A_28 = arith.muli %arg1, %mul3A_27 : i32
      %add3A_29 = arith.addi %mul3A_28, %add3A_26 : i32
      "tpu.region"() ({
        %run_scoped3A = tpu.sem_alloc : memref<!tpu.dma_semaphore, #tpu.memory_space<semaphore_mem>>
        %dma_start3A = arith.constant 0 : i32
        %dma_start3A_30 = tpu.memref_slice %arg12[%add3A_29, %dma_start3A] : memref<100096x16xf32, #tpu.memory_space<vmem_shared>> -> memref<16x16xf32, #tpu.memory_space<vmem_shared>>
        %dma_start3A_31 = arith.constant 0 : i32
        %dma_start3A_32 = tpu.memref_slice %arg12[%add3A_29, %dma_start3A_31] : memref<100096x16xf32, #tpu.memory_space<vmem_shared>> -> memref<16x16xf32, #tpu.memory_space<vmem_shared>>
        tpu.enqueue_dma source(%arg11 : memref<16x16xf32, #tpu.memory_space<vmem>>) target(%dma_start3A_32 : memref<16x16xf32, #tpu.memory_space<vmem_shared>>) target_semaphore(%run_scoped3A : memref<!tpu.dma_semaphore, #tpu.memory_space<semaphore_mem>>)
        %dma_wait3A = arith.constant 0 : i32
        %dma_wait3A_33 = tpu.memref_slice %arg12[%add3A_29, %dma_wait3A] : memref<100096x16xf32, #tpu.memory_space<vmem_shared>> -> memref<16x16xf32, #tpu.memory_space<vmem_shared>>
        %dma_wait3A_34 = arith.constant 0 : i32
        %dma_wait3A_35 = tpu.memref_slice %arg12[%add3A_29, %dma_wait3A_34] : memref<100096x16xf32, #tpu.memory_space<vmem_shared>> -> memref<16x16xf32, #tpu.memory_space<vmem_shared>>
        tpu.wait_dma2 semaphore(%run_scoped3A : memref<!tpu.dma_semaphore, #tpu.memory_space<semaphore_mem>>) src(%arg11 : memref<16x16xf32, #tpu.memory_space<vmem>>) dst(%dma_wait3A_35 : memref<16x16xf32, #tpu.memory_space<vmem_shared>>)
        tpu.yield
      }) : () -> ()
    }
    %scan3A_9 = arith.constant 391 : i32
    %barrier3A = arith.constant 0 : index
    tpu.barrier barrier_id(%barrier3A)
    %mul3A_10 = arith.constant 400 : i32
    %mul3A_11 = arith.muli %add3A, %mul3A_10 : i32
    %scan3A_12 = arith.constant 0 : i32
    %scan3A_13 = arith.constant 50 : i32
    %scan3A_14 = arith.addi %scan3A_12, %scan3A_13 : i32
    %scan3A_15 = arith.constant 1 : i32
    scf.for %scan3A_22 = %scan3A_12 to %scan3A_14 step %scan3A_15  : i32 {
      %mul3A_23 = arith.constant 1 : i32
      %mul3A_24 = arith.muli %scan3A_22, %mul3A_23 : i32
      %add3A_25 = arith.constant 0 : i32
      %add3A_26 = arith.addi %add3A_25, %mul3A_24 : i32
      %mul3A_27 = arith.constant 8 : i32
      %mul3A_28 = arith.muli %add3A_26, %mul3A_27 : i32
      %add3A_29 = arith.addi %mul3A_11, %mul3A_28 : i32
      "tpu.region"() ({
        %run_scoped3A = tpu.sem_alloc : memref<!tpu.dma_semaphore, #tpu.memory_space<semaphore_mem>>
        %dma_start3A_355 = arith.constant 0 : i32
        %dma_start3A_356 = tpu.memref_slice %arg2[%add3A_29, %dma_start3A_355] : memref<12800x128xi32, #tpu.memory_space<hbm>> -> memref<8x128xi32, #tpu.memory_space<hbm>>
        %dma_start3A_357 = arith.constant 0 : i32
        %dma_start3A_358 = tpu.memref_slice %arg2[%add3A_29, %dma_start3A_357] : memref<12800x128xi32, #tpu.memory_space<hbm>> -> memref<8x128xi32, #tpu.memory_space<hbm>>
        tpu.enqueue_dma source(%dma_start3A_358 : memref<8x128xi32, #tpu.memory_space<hbm>>) target(%arg7 : memref<8x128xi32, #tpu.memory_space<vmem>>) target_semaphore(%run_scoped3A : memref<!tpu.dma_semaphore, #tpu.memory_space<semaphore_mem>>)
        %dma_wait3A_359 = arith.constant 0 : i32
        %dma_wait3A_360 = tpu.memref_slice %arg2[%add3A_29, %dma_wait3A_359] : memref<12800x128xi32, #tpu.memory_space<hbm>> -> memref<8x128xi32, #tpu.memory_space<hbm>>
        %dma_wait3A_361 = arith.constant 0 : i32
        %dma_wait3A_362 = tpu.memref_slice %arg2[%add3A_29, %dma_wait3A_361] : memref<12800x128xi32, #tpu.memory_space<hbm>> -> memref<8x128xi32, #tpu.memory_space<hbm>>
        tpu.wait_dma2 semaphore(%run_scoped3A : memref<!tpu.dma_semaphore, #tpu.memory_space<semaphore_mem>>) src(%dma_wait3A_362 : memref<8x128xi32, #tpu.memory_space<hbm>>) dst(%arg7 : memref<8x128xi32, #tpu.memory_space<vmem>>)
        tpu.yield
      }) : () -> ()
      "tpu.region"() ({
        %run_scoped3A = tpu.sem_alloc : memref<!tpu.dma_semaphore, #tpu.memory_space<semaphore_mem>>
        %dma_start3A_355 = arith.constant 0 : i32
        %dma_start3A_356 = tpu.memref_slice %arg3[%add3A_29, %dma_start3A_355] : memref<12800x128xi32, #tpu.memory_space<hbm>> -> memref<8x128xi32, #tpu.memory_space<hbm>>
        %dma_start3A_357 = arith.constant 0 : i32
        %dma_start3A_358 = tpu.memref_slice %arg3[%add3A_29, %dma_start3A_357] : memref<12800x128xi32, #tpu.memory_space<hbm>> -> memref<8x128xi32, #tpu.memory_space<hbm>>
        tpu.enqueue_dma source(%dma_start3A_358 : memref<8x128xi32, #tpu.memory_space<hbm>>) target(%arg8 : memref<8x128xi32, #tpu.memory_space<vmem>>) target_semaphore(%run_scoped3A : memref<!tpu.dma_semaphore, #tpu.memory_space<semaphore_mem>>)
        %dma_wait3A_359 = arith.constant 0 : i32
        %dma_wait3A_360 = tpu.memref_slice %arg3[%add3A_29, %dma_wait3A_359] : memref<12800x128xi32, #tpu.memory_space<hbm>> -> memref<8x128xi32, #tpu.memory_space<hbm>>
        %dma_wait3A_361 = arith.constant 0 : i32
        %dma_wait3A_362 = tpu.memref_slice %arg3[%add3A_29, %dma_wait3A_361] : memref<12800x128xi32, #tpu.memory_space<hbm>> -> memref<8x128xi32, #tpu.memory_space<hbm>>
        tpu.wait_dma2 semaphore(%run_scoped3A : memref<!tpu.dma_semaphore, #tpu.memory_space<semaphore_mem>>) src(%dma_wait3A_362 : memref<8x128xi32, #tpu.memory_space<hbm>>) dst(%arg8 : memref<8x128xi32, #tpu.memory_space<vmem>>)
        tpu.yield
      }) : () -> ()
      %mul3A_30 = arith.constant 128 : i32
      %mul3A_31 = arith.muli %add3A_29, %mul3A_30 : i32
      "tpu.region"() ({
        %run_scoped3A = tpu.sem_alloc : memref<!tpu.dma_semaphore, #tpu.memory_space<semaphore_mem>>
        %dma_start3A_355 = tpu.memref_slice %arg4[%mul3A_31] : memref<1638400xf32, #tpu.memory_space<hbm>> -> memref<1024xf32, #tpu.memory_space<hbm>>
        %dma_start3A_356 = tpu.memref_slice %arg4[%mul3A_31] : memref<1638400xf32, #tpu.memory_space<hbm>> -> memref<1024xf32, #tpu.memory_space<hbm>>
        tpu.enqueue_dma source(%dma_start3A_356 : memref<1024xf32, #tpu.memory_space<hbm>>) target(%arg9 : memref<1024xf32, #tpu.memory_space<vmem>>) target_semaphore(%run_scoped3A : memref<!tpu.dma_semaphore, #tpu.memory_space<semaphore_mem>>)
        %dma_wait3A_357 = tpu.memref_slice %arg4[%mul3A_31] : memref<1638400xf32, #tpu.memory_space<hbm>> -> memref<1024xf32, #tpu.memory_space<hbm>>
        %dma_wait3A_358 = tpu.memref_slice %arg4[%mul3A_31] : memref<1638400xf32, #tpu.memory_space<hbm>> -> memref<1024xf32, #tpu.memory_space<hbm>>
        tpu.wait_dma2 semaphore(%run_scoped3A : memref<!tpu.dma_semaphore, #tpu.memory_space<semaphore_mem>>) src(%dma_wait3A_358 : memref<1024xf32, #tpu.memory_space<hbm>>) dst(%arg9 : memref<1024xf32, #tpu.memory_space<vmem>>)
        tpu.yield
      }) : () -> ()
      %dma_start3A = arith.constant 0 : i32
      %dma_start3A_32 = arith.constant 0 : i32
      %dma_start3A_33 = arith.constant 0 : i32
      %dma_start3A_34 = tpu.memref_slice %arg10[%dma_start3A_32, %dma_start3A_33] : memref<1024x16xf32, #tpu.memory_space<vmem>> -> memref<128x16xf32, #tpu.memory_space<vmem>>
      %dma_start3A_35 = arith.constant 0 : i32
      %dma_start3A_36 = tpu.memref_slice %arg7[%dma_start3A, %dma_start3A_35] : memref<8x128xi32, #tpu.memory_space<vmem>> -> memref<1x128xi32, #tpu.memory_space<vmem>>
      %dma_start3A_37 = tpu.memref_squeeze %dma_start3A_36 : memref<1x128xi32, #tpu.memory_space<vmem>> -> memref<128xi32, #tpu.memory_space<vmem>>
      %dma_start3A_38 = arith.constant 0 : i32
      %dma_start3A_39 = arith.constant 0 : i32
      %dma_start3A_40 = tpu.memref_slice %arg5[%dma_start3A_38, %dma_start3A_39] : memref<100000x16xf32, #tpu.memory_space<hbm>> -> memref<100000x16xf32, #tpu.memory_space<hbm>>
      tpu.enqueue_indirect_dma source(%dma_start3A_40 : memref<100000x16xf32, #tpu.memory_space<hbm>>) target(%dma_start3A_34 : memref<128x16xf32, #tpu.memory_space<vmem>>) offsets(%dma_start3A_37 : memref<128xi32, #tpu.memory_space<vmem>>) semaphore(%arg13 : memref<!tpu.dma_semaphore, #tpu.memory_space<semaphore_mem>>)
      %dma_start3A_41 = arith.constant 1 : i32
      %dma_start3A_42 = arith.constant 128 : i32
      %dma_start3A_43 = arith.constant 0 : i32
      %dma_start3A_44 = tpu.memref_slice %arg10[%dma_start3A_42, %dma_start3A_43] : memref<1024x16xf32, #tpu.memory_space<vmem>> -> memref<128x16xf32, #tpu.memory_space<vmem>>
      %dma_start3A_45 = arith.constant 0 : i32
      %dma_start3A_46 = tpu.memref_slice %arg7[%dma_start3A_41, %dma_start3A_45] : memref<8x128xi32, #tpu.memory_space<vmem>> -> memref<1x128xi32, #tpu.memory_space<vmem>>
      %dma_start3A_47 = tpu.memref_squeeze %dma_start3A_46 : memref<1x128xi32, #tpu.memory_space<vmem>> -> memref<128xi32, #tpu.memory_space<vmem>>
      %dma_start3A_48 = arith.constant 0 : i32
      %dma_start3A_49 = arith.constant 0 : i32
      %dma_start3A_50 = tpu.memref_slice %arg5[%dma_start3A_48, %dma_start3A_49] : memref<100000x16xf32, #tpu.memory_space<hbm>> -> memref<100000x16xf32, #tpu.memory_space<hbm>>
      tpu.enqueue_indirect_dma source(%dma_start3A_50 : memref<100000x16xf32, #tpu.memory_space<hbm>>) target(%dma_start3A_44 : memref<128x16xf32, #tpu.memory_space<vmem>>) offsets(%dma_start3A_47 : memref<128xi32, #tpu.memory_space<vmem>>) semaphore(%arg13 : memref<!tpu.dma_semaphore, #tpu.memory_space<semaphore_mem>>)
      %dma_start3A_51 = arith.constant 2 : i32
      %dma_start3A_52 = arith.constant 256 : i32
      %dma_start3A_53 = arith.constant 0 : i32
      %dma_start3A_54 = tpu.memref_slice %arg10[%dma_start3A_52, %dma_start3A_53] : memref<1024x16xf32, #tpu.memory_space<vmem>> -> memref<128x16xf32, #tpu.memory_space<vmem>>
      %dma_start3A_55 = arith.constant 0 : i32
      %dma_start3A_56 = tpu.memref_slice %arg7[%dma_start3A_51, %dma_start3A_55] : memref<8x128xi32, #tpu.memory_space<vmem>> -> memref<1x128xi32, #tpu.memory_space<vmem>>
      %dma_start3A_57 = tpu.memref_squeeze %dma_start3A_56 : memref<1x128xi32, #tpu.memory_space<vmem>> -> memref<128xi32, #tpu.memory_space<vmem>>
      %dma_start3A_58 = arith.constant 0 : i32
      %dma_start3A_59 = arith.constant 0 : i32
      %dma_start3A_60 = tpu.memref_slice %arg5[%dma_start3A_58, %dma_start3A_59] : memref<100000x16xf32, #tpu.memory_space<hbm>> -> memref<100000x16xf32, #tpu.memory_space<hbm>>
      tpu.enqueue_indirect_dma source(%dma_start3A_60 : memref<100000x16xf32, #tpu.memory_space<hbm>>) target(%dma_start3A_54 : memref<128x16xf32, #tpu.memory_space<vmem>>) offsets(%dma_start3A_57 : memref<128xi32, #tpu.memory_space<vmem>>) semaphore(%arg13 : memref<!tpu.dma_semaphore, #tpu.memory_space<semaphore_mem>>)
      %dma_start3A_61 = arith.constant 3 : i32
      %dma_start3A_62 = arith.constant 384 : i32
      %dma_start3A_63 = arith.constant 0 : i32
      %dma_start3A_64 = tpu.memref_slice %arg10[%dma_start3A_62, %dma_start3A_63] : memref<1024x16xf32, #tpu.memory_space<vmem>> -> memref<128x16xf32, #tpu.memory_space<vmem>>
      %dma_start3A_65 = arith.constant 0 : i32
      %dma_start3A_66 = tpu.memref_slice %arg7[%dma_start3A_61, %dma_start3A_65] : memref<8x128xi32, #tpu.memory_space<vmem>> -> memref<1x128xi32, #tpu.memory_space<vmem>>
      %dma_start3A_67 = tpu.memref_squeeze %dma_start3A_66 : memref<1x128xi32, #tpu.memory_space<vmem>> -> memref<128xi32, #tpu.memory_space<vmem>>
      %dma_start3A_68 = arith.constant 0 : i32
      %dma_start3A_69 = arith.constant 0 : i32
      %dma_start3A_70 = tpu.memref_slice %arg5[%dma_start3A_68, %dma_start3A_69] : memref<100000x16xf32, #tpu.memory_space<hbm>> -> memref<100000x16xf32, #tpu.memory_space<hbm>>
      tpu.enqueue_indirect_dma source(%dma_start3A_70 : memref<100000x16xf32, #tpu.memory_space<hbm>>) target(%dma_start3A_64 : memref<128x16xf32, #tpu.memory_space<vmem>>) offsets(%dma_start3A_67 : memref<128xi32, #tpu.memory_space<vmem>>) semaphore(%arg13 : memref<!tpu.dma_semaphore, #tpu.memory_space<semaphore_mem>>)
      %dma_start3A_71 = arith.constant 4 : i32
      %dma_start3A_72 = arith.constant 512 : i32
      %dma_start3A_73 = arith.constant 0 : i32
      %dma_start3A_74 = tpu.memref_slice %arg10[%dma_start3A_72, %dma_start3A_73] : memref<1024x16xf32, #tpu.memory_space<vmem>> -> memref<128x16xf32, #tpu.memory_space<vmem>>
      %dma_start3A_75 = arith.constant 0 : i32
      %dma_start3A_76 = tpu.memref_slice %arg7[%dma_start3A_71, %dma_start3A_75] : memref<8x128xi32, #tpu.memory_space<vmem>> -> memref<1x128xi32, #tpu.memory_space<vmem>>
      %dma_start3A_77 = tpu.memref_squeeze %dma_start3A_76 : memref<1x128xi32, #tpu.memory_space<vmem>> -> memref<128xi32, #tpu.memory_space<vmem>>
      %dma_start3A_78 = arith.constant 0 : i32
      %dma_start3A_79 = arith.constant 0 : i32
      %dma_start3A_80 = tpu.memref_slice %arg5[%dma_start3A_78, %dma_start3A_79] : memref<100000x16xf32, #tpu.memory_space<hbm>> -> memref<100000x16xf32, #tpu.memory_space<hbm>>
      tpu.enqueue_indirect_dma source(%dma_start3A_80 : memref<100000x16xf32, #tpu.memory_space<hbm>>) target(%dma_start3A_74 : memref<128x16xf32, #tpu.memory_space<vmem>>) offsets(%dma_start3A_77 : memref<128xi32, #tpu.memory_space<vmem>>) semaphore(%arg13 : memref<!tpu.dma_semaphore, #tpu.memory_space<semaphore_mem>>)
      %dma_start3A_81 = arith.constant 5 : i32
      %dma_start3A_82 = arith.constant 640 : i32
      %dma_start3A_83 = arith.constant 0 : i32
      %dma_start3A_84 = tpu.memref_slice %arg10[%dma_start3A_82, %dma_start3A_83] : memref<1024x16xf32, #tpu.memory_space<vmem>> -> memref<128x16xf32, #tpu.memory_space<vmem>>
      %dma_start3A_85 = arith.constant 0 : i32
      %dma_start3A_86 = tpu.memref_slice %arg7[%dma_start3A_81, %dma_start3A_85] : memref<8x128xi32, #tpu.memory_space<vmem>> -> memref<1x128xi32, #tpu.memory_space<vmem>>
      %dma_start3A_87 = tpu.memref_squeeze %dma_start3A_86 : memref<1x128xi32, #tpu.memory_space<vmem>> -> memref<128xi32, #tpu.memory_space<vmem>>
      %dma_start3A_88 = arith.constant 0 : i32
      %dma_start3A_89 = arith.constant 0 : i32
      %dma_start3A_90 = tpu.memref_slice %arg5[%dma_start3A_88, %dma_start3A_89] : memref<100000x16xf32, #tpu.memory_space<hbm>> -> memref<100000x16xf32, #tpu.memory_space<hbm>>
      tpu.enqueue_indirect_dma source(%dma_start3A_90 : memref<100000x16xf32, #tpu.memory_space<hbm>>) target(%dma_start3A_84 : memref<128x16xf32, #tpu.memory_space<vmem>>) offsets(%dma_start3A_87 : memref<128xi32, #tpu.memory_space<vmem>>) semaphore(%arg13 : memref<!tpu.dma_semaphore, #tpu.memory_space<semaphore_mem>>)
      %dma_start3A_91 = arith.constant 6 : i32
      %dma_start3A_92 = arith.constant 768 : i32
      %dma_start3A_93 = arith.constant 0 : i32
      %dma_start3A_94 = tpu.memref_slice %arg10[%dma_start3A_92, %dma_start3A_93] : memref<1024x16xf32, #tpu.memory_space<vmem>> -> memref<128x16xf32, #tpu.memory_space<vmem>>
      %dma_start3A_95 = arith.constant 0 : i32
      %dma_start3A_96 = tpu.memref_slice %arg7[%dma_start3A_91, %dma_start3A_95] : memref<8x128xi32, #tpu.memory_space<vmem>> -> memref<1x128xi32, #tpu.memory_space<vmem>>
      %dma_start3A_97 = tpu.memref_squeeze %dma_start3A_96 : memref<1x128xi32, #tpu.memory_space<vmem>> -> memref<128xi32, #tpu.memory_space<vmem>>
      %dma_start3A_98 = arith.constant 0 : i32
      %dma_start3A_99 = arith.constant 0 : i32
      %dma_start3A_100 = tpu.memref_slice %arg5[%dma_start3A_98, %dma_start3A_99] : memref<100000x16xf32, #tpu.memory_space<hbm>> -> memref<100000x16xf32, #tpu.memory_space<hbm>>
      tpu.enqueue_indirect_dma source(%dma_start3A_100 : memref<100000x16xf32, #tpu.memory_space<hbm>>) target(%dma_start3A_94 : memref<128x16xf32, #tpu.memory_space<vmem>>) offsets(%dma_start3A_97 : memref<128xi32, #tpu.memory_space<vmem>>) semaphore(%arg13 : memref<!tpu.dma_semaphore, #tpu.memory_space<semaphore_mem>>)
      %dma_start3A_101 = arith.constant 7 : i32
      %dma_start3A_102 = arith.constant 896 : i32
      %dma_start3A_103 = arith.constant 0 : i32
      %dma_start3A_104 = tpu.memref_slice %arg10[%dma_start3A_102, %dma_start3A_103] : memref<1024x16xf32, #tpu.memory_space<vmem>> -> memref<128x16xf32, #tpu.memory_space<vmem>>
      %dma_start3A_105 = arith.constant 0 : i32
      %dma_start3A_106 = tpu.memref_slice %arg7[%dma_start3A_101, %dma_start3A_105] : memref<8x128xi32, #tpu.memory_space<vmem>> -> memref<1x128xi32, #tpu.memory_space<vmem>>
      %dma_start3A_107 = tpu.memref_squeeze %dma_start3A_106 : memref<1x128xi32, #tpu.memory_space<vmem>> -> memref<128xi32, #tpu.memory_space<vmem>>
      %dma_start3A_108 = arith.constant 0 : i32
      %dma_start3A_109 = arith.constant 0 : i32
      %dma_start3A_110 = tpu.memref_slice %arg5[%dma_start3A_108, %dma_start3A_109] : memref<100000x16xf32, #tpu.memory_space<hbm>> -> memref<100000x16xf32, #tpu.memory_space<hbm>>
      tpu.enqueue_indirect_dma source(%dma_start3A_110 : memref<100000x16xf32, #tpu.memory_space<hbm>>) target(%dma_start3A_104 : memref<128x16xf32, #tpu.memory_space<vmem>>) offsets(%dma_start3A_107 : memref<128xi32, #tpu.memory_space<vmem>>) semaphore(%arg13 : memref<!tpu.dma_semaphore, #tpu.memory_space<semaphore_mem>>)
      %dma_wait3A = arith.constant 0 : i32
      %dma_wait3A_111 = arith.constant 0 : i32
      %dma_wait3A_112 = arith.constant 0 : i32
      %dma_wait3A_113 = tpu.memref_slice %arg10[%dma_wait3A_111, %dma_wait3A_112] : memref<1024x16xf32, #tpu.memory_space<vmem>> -> memref<128x16xf32, #tpu.memory_space<vmem>>
      %dma_wait3A_114 = arith.constant 0 : i32
      %dma_wait3A_115 = tpu.memref_slice %arg7[%dma_wait3A, %dma_wait3A_114] : memref<8x128xi32, #tpu.memory_space<vmem>> -> memref<1x128xi32, #tpu.memory_space<vmem>>
      %dma_wait3A_116 = tpu.memref_squeeze %dma_wait3A_115 : memref<1x128xi32, #tpu.memory_space<vmem>> -> memref<128xi32, #tpu.memory_space<vmem>>
      %dma_wait3A_117 = arith.constant 0 : i32
      %dma_wait3A_118 = arith.constant 0 : i32
      %dma_wait3A_119 = tpu.memref_slice %arg5[%dma_wait3A_117, %dma_wait3A_118] : memref<100000x16xf32, #tpu.memory_space<hbm>> -> memref<100000x16xf32, #tpu.memory_space<hbm>>
      tpu.wait_indirect_dma semaphore(%arg13 : memref<!tpu.dma_semaphore, #tpu.memory_space<semaphore_mem>>) src(%dma_wait3A_119 : memref<100000x16xf32, #tpu.memory_space<hbm>>) dst(%dma_wait3A_113 : memref<128x16xf32, #tpu.memory_space<vmem>>)
      %dma_wait3A_120 = arith.constant 1 : i32
      %dma_wait3A_121 = arith.constant 128 : i32
      %dma_wait3A_122 = arith.constant 0 : i32
      %dma_wait3A_123 = tpu.memref_slice %arg10[%dma_wait3A_121, %dma_wait3A_122] : memref<1024x16xf32, #tpu.memory_space<vmem>> -> memref<128x16xf32, #tpu.memory_space<vmem>>
      %dma_wait3A_124 = arith.constant 0 : i32
      %dma_wait3A_125 = tpu.memref_slice %arg7[%dma_wait3A_120, %dma_wait3A_124] : memref<8x128xi32, #tpu.memory_space<vmem>> -> memref<1x128xi32, #tpu.memory_space<vmem>>
      %dma_wait3A_126 = tpu.memref_squeeze %dma_wait3A_125 : memref<1x128xi32, #tpu.memory_space<vmem>> -> memref<128xi32, #tpu.memory_space<vmem>>
      %dma_wait3A_127 = arith.constant 0 : i32
      %dma_wait3A_128 = arith.constant 0 : i32
      %dma_wait3A_129 = tpu.memref_slice %arg5[%dma_wait3A_127, %dma_wait3A_128] : memref<100000x16xf32, #tpu.memory_space<hbm>> -> memref<100000x16xf32, #tpu.memory_space<hbm>>
      tpu.wait_indirect_dma semaphore(%arg13 : memref<!tpu.dma_semaphore, #tpu.memory_space<semaphore_mem>>) src(%dma_wait3A_129 : memref<100000x16xf32, #tpu.memory_space<hbm>>) dst(%dma_wait3A_123 : memref<128x16xf32, #tpu.memory_space<vmem>>)
      %dma_wait3A_130 = arith.constant 2 : i32
      %dma_wait3A_131 = arith.constant 256 : i32
      %dma_wait3A_132 = arith.constant 0 : i32
      %dma_wait3A_133 = tpu.memref_slice %arg10[%dma_wait3A_131, %dma_wait3A_132] : memref<1024x16xf32, #tpu.memory_space<vmem>> -> memref<128x16xf32, #tpu.memory_space<vmem>>
      %dma_wait3A_134 = arith.constant 0 : i32
      %dma_wait3A_135 = tpu.memref_slice %arg7[%dma_wait3A_130, %dma_wait3A_134] : memref<8x128xi32, #tpu.memory_space<vmem>> -> memref<1x128xi32, #tpu.memory_space<vmem>>
      %dma_wait3A_136 = tpu.memref_squeeze %dma_wait3A_135 : memref<1x128xi32, #tpu.memory_space<vmem>> -> memref<128xi32, #tpu.memory_space<vmem>>
      %dma_wait3A_137 = arith.constant 0 : i32
      %dma_wait3A_138 = arith.constant 0 : i32
      %dma_wait3A_139 = tpu.memref_slice %arg5[%dma_wait3A_137, %dma_wait3A_138] : memref<100000x16xf32, #tpu.memory_space<hbm>> -> memref<100000x16xf32, #tpu.memory_space<hbm>>
      tpu.wait_indirect_dma semaphore(%arg13 : memref<!tpu.dma_semaphore, #tpu.memory_space<semaphore_mem>>) src(%dma_wait3A_139 : memref<100000x16xf32, #tpu.memory_space<hbm>>) dst(%dma_wait3A_133 : memref<128x16xf32, #tpu.memory_space<vmem>>)
      %dma_wait3A_140 = arith.constant 3 : i32
      %dma_wait3A_141 = arith.constant 384 : i32
      %dma_wait3A_142 = arith.constant 0 : i32
      %dma_wait3A_143 = tpu.memref_slice %arg10[%dma_wait3A_141, %dma_wait3A_142] : memref<1024x16xf32, #tpu.memory_space<vmem>> -> memref<128x16xf32, #tpu.memory_space<vmem>>
      %dma_wait3A_144 = arith.constant 0 : i32
      %dma_wait3A_145 = tpu.memref_slice %arg7[%dma_wait3A_140, %dma_wait3A_144] : memref<8x128xi32, #tpu.memory_space<vmem>> -> memref<1x128xi32, #tpu.memory_space<vmem>>
      %dma_wait3A_146 = tpu.memref_squeeze %dma_wait3A_145 : memref<1x128xi32, #tpu.memory_space<vmem>> -> memref<128xi32, #tpu.memory_space<vmem>>
      %dma_wait3A_147 = arith.constant 0 : i32
      %dma_wait3A_148 = arith.constant 0 : i32
      %dma_wait3A_149 = tpu.memref_slice %arg5[%dma_wait3A_147, %dma_wait3A_148] : memref<100000x16xf32, #tpu.memory_space<hbm>> -> memref<100000x16xf32, #tpu.memory_space<hbm>>
      tpu.wait_indirect_dma semaphore(%arg13 : memref<!tpu.dma_semaphore, #tpu.memory_space<semaphore_mem>>) src(%dma_wait3A_149 : memref<100000x16xf32, #tpu.memory_space<hbm>>) dst(%dma_wait3A_143 : memref<128x16xf32, #tpu.memory_space<vmem>>)
      %dma_wait3A_150 = arith.constant 4 : i32
      %dma_wait3A_151 = arith.constant 512 : i32
      %dma_wait3A_152 = arith.constant 0 : i32
      %dma_wait3A_153 = tpu.memref_slice %arg10[%dma_wait3A_151, %dma_wait3A_152] : memref<1024x16xf32, #tpu.memory_space<vmem>> -> memref<128x16xf32, #tpu.memory_space<vmem>>
      %dma_wait3A_154 = arith.constant 0 : i32
      %dma_wait3A_155 = tpu.memref_slice %arg7[%dma_wait3A_150, %dma_wait3A_154] : memref<8x128xi32, #tpu.memory_space<vmem>> -> memref<1x128xi32, #tpu.memory_space<vmem>>
      %dma_wait3A_156 = tpu.memref_squeeze %dma_wait3A_155 : memref<1x128xi32, #tpu.memory_space<vmem>> -> memref<128xi32, #tpu.memory_space<vmem>>
      %dma_wait3A_157 = arith.constant 0 : i32
      %dma_wait3A_158 = arith.constant 0 : i32
      %dma_wait3A_159 = tpu.memref_slice %arg5[%dma_wait3A_157, %dma_wait3A_158] : memref<100000x16xf32, #tpu.memory_space<hbm>> -> memref<100000x16xf32, #tpu.memory_space<hbm>>
      tpu.wait_indirect_dma semaphore(%arg13 : memref<!tpu.dma_semaphore, #tpu.memory_space<semaphore_mem>>) src(%dma_wait3A_159 : memref<100000x16xf32, #tpu.memory_space<hbm>>) dst(%dma_wait3A_153 : memref<128x16xf32, #tpu.memory_space<vmem>>)
      %dma_wait3A_160 = arith.constant 5 : i32
      %dma_wait3A_161 = arith.constant 640 : i32
      %dma_wait3A_162 = arith.constant 0 : i32
      %dma_wait3A_163 = tpu.memref_slice %arg10[%dma_wait3A_161, %dma_wait3A_162] : memref<1024x16xf32, #tpu.memory_space<vmem>> -> memref<128x16xf32, #tpu.memory_space<vmem>>
      %dma_wait3A_164 = arith.constant 0 : i32
      %dma_wait3A_165 = tpu.memref_slice %arg7[%dma_wait3A_160, %dma_wait3A_164] : memref<8x128xi32, #tpu.memory_space<vmem>> -> memref<1x128xi32, #tpu.memory_space<vmem>>
      %dma_wait3A_166 = tpu.memref_squeeze %dma_wait3A_165 : memref<1x128xi32, #tpu.memory_space<vmem>> -> memref<128xi32, #tpu.memory_space<vmem>>
      %dma_wait3A_167 = arith.constant 0 : i32
      %dma_wait3A_168 = arith.constant 0 : i32
      %dma_wait3A_169 = tpu.memref_slice %arg5[%dma_wait3A_167, %dma_wait3A_168] : memref<100000x16xf32, #tpu.memory_space<hbm>> -> memref<100000x16xf32, #tpu.memory_space<hbm>>
      tpu.wait_indirect_dma semaphore(%arg13 : memref<!tpu.dma_semaphore, #tpu.memory_space<semaphore_mem>>) src(%dma_wait3A_169 : memref<100000x16xf32, #tpu.memory_space<hbm>>) dst(%dma_wait3A_163 : memref<128x16xf32, #tpu.memory_space<vmem>>)
      %dma_wait3A_170 = arith.constant 6 : i32
      %dma_wait3A_171 = arith.constant 768 : i32
      %dma_wait3A_172 = arith.constant 0 : i32
      %dma_wait3A_173 = tpu.memref_slice %arg10[%dma_wait3A_171, %dma_wait3A_172] : memref<1024x16xf32, #tpu.memory_space<vmem>> -> memref<128x16xf32, #tpu.memory_space<vmem>>
      %dma_wait3A_174 = arith.constant 0 : i32
      %dma_wait3A_175 = tpu.memref_slice %arg7[%dma_wait3A_170, %dma_wait3A_174] : memref<8x128xi32, #tpu.memory_space<vmem>> -> memref<1x128xi32, #tpu.memory_space<vmem>>
      %dma_wait3A_176 = tpu.memref_squeeze %dma_wait3A_175 : memref<1x128xi32, #tpu.memory_space<vmem>> -> memref<128xi32, #tpu.memory_space<vmem>>
      %dma_wait3A_177 = arith.constant 0 : i32
      %dma_wait3A_178 = arith.constant 0 : i32
      %dma_wait3A_179 = tpu.memref_slice %arg5[%dma_wait3A_177, %dma_wait3A_178] : memref<100000x16xf32, #tpu.memory_space<hbm>> -> memref<100000x16xf32, #tpu.memory_space<hbm>>
      tpu.wait_indirect_dma semaphore(%arg13 : memref<!tpu.dma_semaphore, #tpu.memory_space<semaphore_mem>>) src(%dma_wait3A_179 : memref<100000x16xf32, #tpu.memory_space<hbm>>) dst(%dma_wait3A_173 : memref<128x16xf32, #tpu.memory_space<vmem>>)
      %dma_wait3A_180 = arith.constant 7 : i32
      %dma_wait3A_181 = arith.constant 896 : i32
      %dma_wait3A_182 = arith.constant 0 : i32
      %dma_wait3A_183 = tpu.memref_slice %arg10[%dma_wait3A_181, %dma_wait3A_182] : memref<1024x16xf32, #tpu.memory_space<vmem>> -> memref<128x16xf32, #tpu.memory_space<vmem>>
      %dma_wait3A_184 = arith.constant 0 : i32
      %dma_wait3A_185 = tpu.memref_slice %arg7[%dma_wait3A_180, %dma_wait3A_184] : memref<8x128xi32, #tpu.memory_space<vmem>> -> memref<1x128xi32, #tpu.memory_space<vmem>>
      %dma_wait3A_186 = tpu.memref_squeeze %dma_wait3A_185 : memref<1x128xi32, #tpu.memory_space<vmem>> -> memref<128xi32, #tpu.memory_space<vmem>>
      %dma_wait3A_187 = arith.constant 0 : i32
      %dma_wait3A_188 = arith.constant 0 : i32
      %dma_wait3A_189 = tpu.memref_slice %arg5[%dma_wait3A_187, %dma_wait3A_188] : memref<100000x16xf32, #tpu.memory_space<hbm>> -> memref<100000x16xf32, #tpu.memory_space<hbm>>
      tpu.wait_indirect_dma semaphore(%arg13 : memref<!tpu.dma_semaphore, #tpu.memory_space<semaphore_mem>>) src(%dma_wait3A_189 : memref<100000x16xf32, #tpu.memory_space<hbm>>) dst(%dma_wait3A_183 : memref<128x16xf32, #tpu.memory_space<vmem>>)
      %scan3A_190 = arith.constant 0 : i32
      %scan3A_191 = arith.constant 128 : i32
      %scan3A_192 = arith.addi %scan3A_190, %scan3A_191 : i32
      %scan3A_193 = arith.constant 1 : i32
      scf.for %scan3A_355 = %scan3A_190 to %scan3A_192 step %scan3A_193  : i32 {
        %mul3A_356 = arith.constant 8 : i32
        %mul3A_357 = arith.muli %scan3A_355, %mul3A_356 : i32
        %add3A_358 = arith.constant 0 : i32
        %add3A_359 = arith.addi %add3A_358, %mul3A_357 : i32
        %add3A_360 = arith.constant 0 : i32
        %add3A_361 = arith.addi %add3A_359, %add3A_360 : i32
        %broadcast_in_dim3A = vector.broadcast %add3A_361 : i32 to vector<16xi32>
        %gather3A = tpu.vector_load_idx %arg9[%broadcast_in_dim3A] : memref<1024xf32, #tpu.memory_space<vmem>>[vector<16xi32>], vector<16xf32>,
        %get3A = arith.index_cast %add3A_361 : i32 to index
        %get3A_362 = arith.constant 0 : index
        %get3A_363 = tpu.vector_load %arg10[%get3A, %get3A_362] {strides = array<i32>} : memref<1024x16xf32, #tpu.memory_space<vmem>>, vector<16xf32>,
        %mul3A_364 = arith.mulf %get3A_363, %gather3A : vector<16xf32>
        %swap3A = arith.index_cast %add3A_361 : i32 to index
        %swap3A_365 = arith.constant 0 : index
        %swap3A_366 = tpu.vector_load %arg10[%swap3A, %swap3A_365] {strides = array<i32>} : memref<1024x16xf32, #tpu.memory_space<vmem>>, vector<16xf32>,
        tpu.vector_store %arg10[%swap3A, %swap3A_365], %mul3A_364 {strides = array<i32>} : memref<1024x16xf32, #tpu.memory_space<vmem>>, vector<16xf32>,
        %add3A_367 = arith.constant 1 : i32
        %add3A_368 = arith.addi %add3A_359, %add3A_367 : i32
        %broadcast_in_dim3A_369 = vector.broadcast %add3A_368 : i32 to vector<16xi32>
        %gather3A_370 = tpu.vector_load_idx %arg9[%broadcast_in_dim3A_369] : memref<1024xf32, #tpu.memory_space<vmem>>[vector<16xi32>], vector<16xf32>,
        %get3A_371 = arith.index_cast %add3A_368 : i32 to index
        %get3A_372 = arith.constant 0 : index
        %get3A_373 = tpu.vector_load %arg10[%get3A_371, %get3A_372] {strides = array<i32>} : memref<1024x16xf32, #tpu.memory_space<vmem>>, vector<16xf32>,
        %mul3A_374 = arith.mulf %get3A_373, %gather3A_370 : vector<16xf32>
        %swap3A_375 = arith.index_cast %add3A_368 : i32 to index
        %swap3A_376 = arith.constant 0 : index
        %swap3A_377 = tpu.vector_load %arg10[%swap3A_375, %swap3A_376] {strides = array<i32>} : memref<1024x16xf32, #tpu.memory_space<vmem>>, vector<16xf32>,
        tpu.vector_store %arg10[%swap3A_375, %swap3A_376], %mul3A_374 {strides = array<i32>} : memref<1024x16xf32, #tpu.memory_space<vmem>>, vector<16xf32>,
        %add3A_378 = arith.constant 2 : i32
        %add3A_379 = arith.addi %add3A_359, %add3A_378 : i32
        %broadcast_in_dim3A_380 = vector.broadcast %add3A_379 : i32 to vector<16xi32>
        %gather3A_381 = tpu.vector_load_idx %arg9[%broadcast_in_dim3A_380] : memref<1024xf32, #tpu.memory_space<vmem>>[vector<16xi32>], vector<16xf32>,
        %get3A_382 = arith.index_cast %add3A_379 : i32 to index
        %get3A_383 = arith.constant 0 : index
        %get3A_384 = tpu.vector_load %arg10[%get3A_382, %get3A_383] {strides = array<i32>} : memref<1024x16xf32, #tpu.memory_space<vmem>>, vector<16xf32>,
        %mul3A_385 = arith.mulf %get3A_384, %gather3A_381 : vector<16xf32>
        %swap3A_386 = arith.index_cast %add3A_379 : i32 to index
        %swap3A_387 = arith.constant 0 : index
        %swap3A_388 = tpu.vector_load %arg10[%swap3A_386, %swap3A_387] {strides = array<i32>} : memref<1024x16xf32, #tpu.memory_space<vmem>>, vector<16xf32>,
        tpu.vector_store %arg10[%swap3A_386, %swap3A_387], %mul3A_385 {strides = array<i32>} : memref<1024x16xf32, #tpu.memory_space<vmem>>, vector<16xf32>,
        %add3A_389 = arith.constant 3 : i32
        %add3A_390 = arith.addi %add3A_359, %add3A_389 : i32
        %broadcast_in_dim3A_391 = vector.broadcast %add3A_390 : i32 to vector<16xi32>
        %gather3A_392 = tpu.vector_load_idx %arg9[%broadcast_in_dim3A_391] : memref<1024xf32, #tpu.memory_space<vmem>>[vector<16xi32>], vector<16xf32>,
        %get3A_393 = arith.index_cast %add3A_390 : i32 to index
        %get3A_394 = arith.constant 0 : index
        %get3A_395 = tpu.vector_load %arg10[%get3A_393, %get3A_394] {strides = array<i32>} : memref<1024x16xf32, #tpu.memory_space<vmem>>, vector<16xf32>,
        %mul3A_396 = arith.mulf %get3A_395, %gather3A_392 : vector<16xf32>
        %swap3A_397 = arith.index_cast %add3A_390 : i32 to index
        %swap3A_398 = arith.constant 0 : index
        %swap3A_399 = tpu.vector_load %arg10[%swap3A_397, %swap3A_398] {strides = array<i32>} : memref<1024x16xf32, #tpu.memory_space<vmem>>, vector<16xf32>,
        tpu.vector_store %arg10[%swap3A_397, %swap3A_398], %mul3A_396 {strides = array<i32>} : memref<1024x16xf32, #tpu.memory_space<vmem>>, vector<16xf32>,
        %add3A_400 = arith.constant 4 : i32
        %add3A_401 = arith.addi %add3A_359, %add3A_400 : i32
        %broadcast_in_dim3A_402 = vector.broadcast %add3A_401 : i32 to vector<16xi32>
        %gather3A_403 = tpu.vector_load_idx %arg9[%broadcast_in_dim3A_402] : memref<1024xf32, #tpu.memory_space<vmem>>[vector<16xi32>], vector<16xf32>,
        %get3A_404 = arith.index_cast %add3A_401 : i32 to index
        %get3A_405 = arith.constant 0 : index
        %get3A_406 = tpu.vector_load %arg10[%get3A_404, %get3A_405] {strides = array<i32>} : memref<1024x16xf32, #tpu.memory_space<vmem>>, vector<16xf32>,
        %mul3A_407 = arith.mulf %get3A_406, %gather3A_403 : vector<16xf32>
        %swap3A_408 = arith.index_cast %add3A_401 : i32 to index
        %swap3A_409 = arith.constant 0 : index
        %swap3A_410 = tpu.vector_load %arg10[%swap3A_408, %swap3A_409] {strides = array<i32>} : memref<1024x16xf32, #tpu.memory_space<vmem>>, vector<16xf32>,
        tpu.vector_store %arg10[%swap3A_408, %swap3A_409], %mul3A_407 {strides = array<i32>} : memref<1024x16xf32, #tpu.memory_space<vmem>>, vector<16xf32>,
        %add3A_411 = arith.constant 5 : i32
        %add3A_412 = arith.addi %add3A_359, %add3A_411 : i32
        %broadcast_in_dim3A_413 = vector.broadcast %add3A_412 : i32 to vector<16xi32>
        %gather3A_414 = tpu.vector_load_idx %arg9[%broadcast_in_dim3A_413] : memref<1024xf32, #tpu.memory_space<vmem>>[vector<16xi32>], vector<16xf32>,
        %get3A_415 = arith.index_cast %add3A_412 : i32 to index
        %get3A_416 = arith.constant 0 : index
        %get3A_417 = tpu.vector_load %arg10[%get3A_415, %get3A_416] {strides = array<i32>} : memref<1024x16xf32, #tpu.memory_space<vmem>>, vector<16xf32>,
        %mul3A_418 = arith.mulf %get3A_417, %gather3A_414 : vector<16xf32>
        %swap3A_419 = arith.index_cast %add3A_412 : i32 to index
        %swap3A_420 = arith.constant 0 : index
        %swap3A_421 = tpu.vector_load %arg10[%swap3A_419, %swap3A_420] {strides = array<i32>} : memref<1024x16xf32, #tpu.memory_space<vmem>>, vector<16xf32>,
        tpu.vector_store %arg10[%swap3A_419, %swap3A_420], %mul3A_418 {strides = array<i32>} : memref<1024x16xf32, #tpu.memory_space<vmem>>, vector<16xf32>,
        %add3A_422 = arith.constant 6 : i32
        %add3A_423 = arith.addi %add3A_359, %add3A_422 : i32
        %broadcast_in_dim3A_424 = vector.broadcast %add3A_423 : i32 to vector<16xi32>
        %gather3A_425 = tpu.vector_load_idx %arg9[%broadcast_in_dim3A_424] : memref<1024xf32, #tpu.memory_space<vmem>>[vector<16xi32>], vector<16xf32>,
        %get3A_426 = arith.index_cast %add3A_423 : i32 to index
        %get3A_427 = arith.constant 0 : index
        %get3A_428 = tpu.vector_load %arg10[%get3A_426, %get3A_427] {strides = array<i32>} : memref<1024x16xf32, #tpu.memory_space<vmem>>, vector<16xf32>,
        %mul3A_429 = arith.mulf %get3A_428, %gather3A_425 : vector<16xf32>
        %swap3A_430 = arith.index_cast %add3A_423 : i32 to index
        %swap3A_431 = arith.constant 0 : index
        %swap3A_432 = tpu.vector_load %arg10[%swap3A_430, %swap3A_431] {strides = array<i32>} : memref<1024x16xf32, #tpu.memory_space<vmem>>, vector<16xf32>,
        tpu.vector_store %arg10[%swap3A_430, %swap3A_431], %mul3A_429 {strides = array<i32>} : memref<1024x16xf32, #tpu.memory_space<vmem>>, vector<16xf32>,
        %add3A_433 = arith.constant 7 : i32
        %add3A_434 = arith.addi %add3A_359, %add3A_433 : i32
        %broadcast_in_dim3A_435 = vector.broadcast %add3A_434 : i32 to vector<16xi32>
        %gather3A_436 = tpu.vector_load_idx %arg9[%broadcast_in_dim3A_435] : memref<1024xf32, #tpu.memory_space<vmem>>[vector<16xi32>], vector<16xf32>,
        %get3A_437 = arith.index_cast %add3A_434 : i32 to index
        %get3A_438 = arith.constant 0 : index
        %get3A_439 = tpu.vector_load %arg10[%get3A_437, %get3A_438] {strides = array<i32>} : memref<1024x16xf32, #tpu.memory_space<vmem>>, vector<16xf32>,
        %mul3A_440 = arith.mulf %get3A_439, %gather3A_436 : vector<16xf32>
        %swap3A_441 = arith.index_cast %add3A_434 : i32 to index
        %swap3A_442 = arith.constant 0 : index
        %swap3A_443 = tpu.vector_load %arg10[%swap3A_441, %swap3A_442] {strides = array<i32>} : memref<1024x16xf32, #tpu.memory_space<vmem>>, vector<16xf32>,
        tpu.vector_store %arg10[%swap3A_441, %swap3A_442], %mul3A_440 {strides = array<i32>} : memref<1024x16xf32, #tpu.memory_space<vmem>>, vector<16xf32>,
      }
      %scan3A_194 = arith.constant 128 : i32
      %dma_start3A_195 = arith.constant 0 : i32
      %dma_start3A_196 = arith.constant 0 : i32
      %dma_start3A_197 = arith.constant 0 : i32
      %dma_start3A_198 = tpu.memref_slice %arg10[%dma_start3A_196, %dma_start3A_197] : memref<1024x16xf32, #tpu.memory_space<vmem>> -> memref<128x16xf32, #tpu.memory_space<vmem>>
      %dma_start3A_199 = arith.constant 0 : i32
      %dma_start3A_200 = tpu.memref_slice %arg8[%dma_start3A_195, %dma_start3A_199] : memref<8x128xi32, #tpu.memory_space<vmem>> -> memref<1x128xi32, #tpu.memory_space<vmem>>
      %dma_start3A_201 = tpu.memref_squeeze %dma_start3A_200 : memref<1x128xi32, #tpu.memory_space<vmem>> -> memref<128xi32, #tpu.memory_space<vmem>>
      %dma_start3A_202 = arith.constant 0 : i32
      %dma_start3A_203 = arith.constant 0 : i32
      %dma_start3A_204 = tpu.memref_slice %arg12[%dma_start3A_202, %dma_start3A_203] : memref<100096x16xf32, #tpu.memory_space<vmem_shared>> -> memref<100096x16xf32, #tpu.memory_space<vmem_shared>>
      tpu.enqueue_indirect_dma source(%dma_start3A_198 : memref<128x16xf32, #tpu.memory_space<vmem>>) target(%dma_start3A_204 : memref<100096x16xf32, #tpu.memory_space<vmem_shared>>) offsets(%dma_start3A_201 : memref<128xi32, #tpu.memory_space<vmem>>) semaphore(%arg14 : memref<!tpu.dma_semaphore, #tpu.memory_space<semaphore_mem>>) {add = true}
      %dma_start3A_205 = arith.constant 1 : i32
      %dma_start3A_206 = arith.constant 128 : i32
      %dma_start3A_207 = arith.constant 0 : i32
      %dma_start3A_208 = tpu.memref_slice %arg10[%dma_start3A_206, %dma_start3A_207] : memref<1024x16xf32, #tpu.memory_space<vmem>> -> memref<128x16xf32, #tpu.memory_space<vmem>>
      %dma_start3A_209 = arith.constant 0 : i32
      %dma_start3A_210 = tpu.memref_slice %arg8[%dma_start3A_205, %dma_start3A_209] : memref<8x128xi32, #tpu.memory_space<vmem>> -> memref<1x128xi32, #tpu.memory_space<vmem>>
      %dma_start3A_211 = tpu.memref_squeeze %dma_start3A_210 : memref<1x128xi32, #tpu.memory_space<vmem>> -> memref<128xi32, #tpu.memory_space<vmem>>
      %dma_start3A_212 = arith.constant 0 : i32
      %dma_start3A_213 = arith.constant 0 : i32
      %dma_start3A_214 = tpu.memref_slice %arg12[%dma_start3A_212, %dma_start3A_213] : memref<100096x16xf32, #tpu.memory_space<vmem_shared>> -> memref<100096x16xf32, #tpu.memory_space<vmem_shared>>
      tpu.enqueue_indirect_dma source(%dma_start3A_208 : memref<128x16xf32, #tpu.memory_space<vmem>>) target(%dma_start3A_214 : memref<100096x16xf32, #tpu.memory_space<vmem_shared>>) offsets(%dma_start3A_211 : memref<128xi32, #tpu.memory_space<vmem>>) semaphore(%arg14 : memref<!tpu.dma_semaphore, #tpu.memory_space<semaphore_mem>>) {add = true}
      %dma_start3A_215 = arith.constant 2 : i32
      %dma_start3A_216 = arith.constant 256 : i32
      %dma_start3A_217 = arith.constant 0 : i32
      %dma_start3A_218 = tpu.memref_slice %arg10[%dma_start3A_216, %dma_start3A_217] : memref<1024x16xf32, #tpu.memory_space<vmem>> -> memref<128x16xf32, #tpu.memory_space<vmem>>
      %dma_start3A_219 = arith.constant 0 : i32
      %dma_start3A_220 = tpu.memref_slice %arg8[%dma_start3A_215, %dma_start3A_219] : memref<8x128xi32, #tpu.memory_space<vmem>> -> memref<1x128xi32, #tpu.memory_space<vmem>>
      %dma_start3A_221 = tpu.memref_squeeze %dma_start3A_220 : memref<1x128xi32, #tpu.memory_space<vmem>> -> memref<128xi32, #tpu.memory_space<vmem>>
      %dma_start3A_222 = arith.constant 0 : i32
      %dma_start3A_223 = arith.constant 0 : i32
      %dma_start3A_224 = tpu.memref_slice %arg12[%dma_start3A_222, %dma_start3A_223] : memref<100096x16xf32, #tpu.memory_space<vmem_shared>> -> memref<100096x16xf32, #tpu.memory_space<vmem_shared>>
      tpu.enqueue_indirect_dma source(%dma_start3A_218 : memref<128x16xf32, #tpu.memory_space<vmem>>) target(%dma_start3A_224 : memref<100096x16xf32, #tpu.memory_space<vmem_shared>>) offsets(%dma_start3A_221 : memref<128xi32, #tpu.memory_space<vmem>>) semaphore(%arg14 : memref<!tpu.dma_semaphore, #tpu.memory_space<semaphore_mem>>) {add = true}
      %dma_start3A_225 = arith.constant 3 : i32
      %dma_start3A_226 = arith.constant 384 : i32
      %dma_start3A_227 = arith.constant 0 : i32
      %dma_start3A_228 = tpu.memref_slice %arg10[%dma_start3A_226, %dma_start3A_227] : memref<1024x16xf32, #tpu.memory_space<vmem>> -> memref<128x16xf32, #tpu.memory_space<vmem>>
      %dma_start3A_229 = arith.constant 0 : i32
      %dma_start3A_230 = tpu.memref_slice %arg8[%dma_start3A_225, %dma_start3A_229] : memref<8x128xi32, #tpu.memory_space<vmem>> -> memref<1x128xi32, #tpu.memory_space<vmem>>
      %dma_start3A_231 = tpu.memref_squeeze %dma_start3A_230 : memref<1x128xi32, #tpu.memory_space<vmem>> -> memref<128xi32, #tpu.memory_space<vmem>>
      %dma_start3A_232 = arith.constant 0 : i32
      %dma_start3A_233 = arith.constant 0 : i32
      %dma_start3A_234 = tpu.memref_slice %arg12[%dma_start3A_232, %dma_start3A_233] : memref<100096x16xf32, #tpu.memory_space<vmem_shared>> -> memref<100096x16xf32, #tpu.memory_space<vmem_shared>>
      tpu.enqueue_indirect_dma source(%dma_start3A_228 : memref<128x16xf32, #tpu.memory_space<vmem>>) target(%dma_start3A_234 : memref<100096x16xf32, #tpu.memory_space<vmem_shared>>) offsets(%dma_start3A_231 : memref<128xi32, #tpu.memory_space<vmem>>) semaphore(%arg14 : memref<!tpu.dma_semaphore, #tpu.memory_space<semaphore_mem>>) {add = true}
      %dma_start3A_235 = arith.constant 4 : i32
      %dma_start3A_236 = arith.constant 512 : i32
      %dma_start3A_237 = arith.constant 0 : i32
      %dma_start3A_238 = tpu.memref_slice %arg10[%dma_start3A_236, %dma_start3A_237] : memref<1024x16xf32, #tpu.memory_space<vmem>> -> memref<128x16xf32, #tpu.memory_space<vmem>>
      %dma_start3A_239 = arith.constant 0 : i32
      %dma_start3A_240 = tpu.memref_slice %arg8[%dma_start3A_235, %dma_start3A_239] : memref<8x128xi32, #tpu.memory_space<vmem>> -> memref<1x128xi32, #tpu.memory_space<vmem>>
      %dma_start3A_241 = tpu.memref_squeeze %dma_start3A_240 : memref<1x128xi32, #tpu.memory_space<vmem>> -> memref<128xi32, #tpu.memory_space<vmem>>
      %dma_start3A_242 = arith.constant 0 : i32
      %dma_start3A_243 = arith.constant 0 : i32
      %dma_start3A_244 = tpu.memref_slice %arg12[%dma_start3A_242, %dma_start3A_243] : memref<100096x16xf32, #tpu.memory_space<vmem_shared>> -> memref<100096x16xf32, #tpu.memory_space<vmem_shared>>
      tpu.enqueue_indirect_dma source(%dma_start3A_238 : memref<128x16xf32, #tpu.memory_space<vmem>>) target(%dma_start3A_244 : memref<100096x16xf32, #tpu.memory_space<vmem_shared>>) offsets(%dma_start3A_241 : memref<128xi32, #tpu.memory_space<vmem>>) semaphore(%arg14 : memref<!tpu.dma_semaphore, #tpu.memory_space<semaphore_mem>>) {add = true}
      %dma_start3A_245 = arith.constant 5 : i32
      %dma_start3A_246 = arith.constant 640 : i32
      %dma_start3A_247 = arith.constant 0 : i32
      %dma_start3A_248 = tpu.memref_slice %arg10[%dma_start3A_246, %dma_start3A_247] : memref<1024x16xf32, #tpu.memory_space<vmem>> -> memref<128x16xf32, #tpu.memory_space<vmem>>
      %dma_start3A_249 = arith.constant 0 : i32
      %dma_start3A_250 = tpu.memref_slice %arg8[%dma_start3A_245, %dma_start3A_249] : memref<8x128xi32, #tpu.memory_space<vmem>> -> memref<1x128xi32, #tpu.memory_space<vmem>>
      %dma_start3A_251 = tpu.memref_squeeze %dma_start3A_250 : memref<1x128xi32, #tpu.memory_space<vmem>> -> memref<128xi32, #tpu.memory_space<vmem>>
      %dma_start3A_252 = arith.constant 0 : i32
      %dma_start3A_253 = arith.constant 0 : i32
      %dma_start3A_254 = tpu.memref_slice %arg12[%dma_start3A_252, %dma_start3A_253] : memref<100096x16xf32, #tpu.memory_space<vmem_shared>> -> memref<100096x16xf32, #tpu.memory_space<vmem_shared>>
      tpu.enqueue_indirect_dma source(%dma_start3A_248 : memref<128x16xf32, #tpu.memory_space<vmem>>) target(%dma_start3A_254 : memref<100096x16xf32, #tpu.memory_space<vmem_shared>>) offsets(%dma_start3A_251 : memref<128xi32, #tpu.memory_space<vmem>>) semaphore(%arg14 : memref<!tpu.dma_semaphore, #tpu.memory_space<semaphore_mem>>) {add = true}
      %dma_start3A_255 = arith.constant 6 : i32
      %dma_start3A_256 = arith.constant 768 : i32
      %dma_start3A_257 = arith.constant 0 : i32
      %dma_start3A_258 = tpu.memref_slice %arg10[%dma_start3A_256, %dma_start3A_257] : memref<1024x16xf32, #tpu.memory_space<vmem>> -> memref<128x16xf32, #tpu.memory_space<vmem>>
      %dma_start3A_259 = arith.constant 0 : i32
      %dma_start3A_260 = tpu.memref_slice %arg8[%dma_start3A_255, %dma_start3A_259] : memref<8x128xi32, #tpu.memory_space<vmem>> -> memref<1x128xi32, #tpu.memory_space<vmem>>
      %dma_start3A_261 = tpu.memref_squeeze %dma_start3A_260 : memref<1x128xi32, #tpu.memory_space<vmem>> -> memref<128xi32, #tpu.memory_space<vmem>>
      %dma_start3A_262 = arith.constant 0 : i32
      %dma_start3A_263 = arith.constant 0 : i32
      %dma_start3A_264 = tpu.memref_slice %arg12[%dma_start3A_262, %dma_start3A_263] : memref<100096x16xf32, #tpu.memory_space<vmem_shared>> -> memref<100096x16xf32, #tpu.memory_space<vmem_shared>>
      tpu.enqueue_indirect_dma source(%dma_start3A_258 : memref<128x16xf32, #tpu.memory_space<vmem>>) target(%dma_start3A_264 : memref<100096x16xf32, #tpu.memory_space<vmem_shared>>) offsets(%dma_start3A_261 : memref<128xi32, #tpu.memory_space<vmem>>) semaphore(%arg14 : memref<!tpu.dma_semaphore, #tpu.memory_space<semaphore_mem>>) {add = true}
      %dma_start3A_265 = arith.constant 7 : i32
      %dma_start3A_266 = arith.constant 896 : i32
      %dma_start3A_267 = arith.constant 0 : i32
      %dma_start3A_268 = tpu.memref_slice %arg10[%dma_start3A_266, %dma_start3A_267] : memref<1024x16xf32, #tpu.memory_space<vmem>> -> memref<128x16xf32, #tpu.memory_space<vmem>>
      %dma_start3A_269 = arith.constant 0 : i32
      %dma_start3A_270 = tpu.memref_slice %arg8[%dma_start3A_265, %dma_start3A_269] : memref<8x128xi32, #tpu.memory_space<vmem>> -> memref<1x128xi32, #tpu.memory_space<vmem>>
      %dma_start3A_271 = tpu.memref_squeeze %dma_start3A_270 : memref<1x128xi32, #tpu.memory_space<vmem>> -> memref<128xi32, #tpu.memory_space<vmem>>
      %dma_start3A_272 = arith.constant 0 : i32
      %dma_start3A_273 = arith.constant 0 : i32
      %dma_start3A_274 = tpu.memref_slice %arg12[%dma_start3A_272, %dma_start3A_273] : memref<100096x16xf32, #tpu.memory_space<vmem_shared>> -> memref<100096x16xf32, #tpu.memory_space<vmem_shared>>
      tpu.enqueue_indirect_dma source(%dma_start3A_268 : memref<128x16xf32, #tpu.memory_space<vmem>>) target(%dma_start3A_274 : memref<100096x16xf32, #tpu.memory_space<vmem_shared>>) offsets(%dma_start3A_271 : memref<128xi32, #tpu.memory_space<vmem>>) semaphore(%arg14 : memref<!tpu.dma_semaphore, #tpu.memory_space<semaphore_mem>>) {add = true}
      %dma_wait3A_275 = arith.constant 0 : i32
      %dma_wait3A_276 = arith.constant 0 : i32
      %dma_wait3A_277 = arith.constant 0 : i32
      %dma_wait3A_278 = tpu.memref_slice %arg10[%dma_wait3A_276, %dma_wait3A_277] : memref<1024x16xf32, #tpu.memory_space<vmem>> -> memref<128x16xf32, #tpu.memory_space<vmem>>
      %dma_wait3A_279 = arith.constant 0 : i32
      %dma_wait3A_280 = tpu.memref_slice %arg8[%dma_wait3A_275, %dma_wait3A_279] : memref<8x128xi32, #tpu.memory_space<vmem>> -> memref<1x128xi32, #tpu.memory_space<vmem>>
      %dma_wait3A_281 = tpu.memref_squeeze %dma_wait3A_280 : memref<1x128xi32, #tpu.memory_space<vmem>> -> memref<128xi32, #tpu.memory_space<vmem>>
      %dma_wait3A_282 = arith.constant 0 : i32
      %dma_wait3A_283 = arith.constant 0 : i32
      %dma_wait3A_284 = tpu.memref_slice %arg12[%dma_wait3A_282, %dma_wait3A_283] : memref<100096x16xf32, #tpu.memory_space<vmem_shared>> -> memref<100096x16xf32, #tpu.memory_space<vmem_shared>>
      tpu.wait_indirect_dma semaphore(%arg14 : memref<!tpu.dma_semaphore, #tpu.memory_space<semaphore_mem>>) src(%dma_wait3A_278 : memref<128x16xf32, #tpu.memory_space<vmem>>) dst(%dma_wait3A_284 : memref<100096x16xf32, #tpu.memory_space<vmem_shared>>)
      %dma_wait3A_285 = arith.constant 1 : i32
      %dma_wait3A_286 = arith.constant 128 : i32
      %dma_wait3A_287 = arith.constant 0 : i32
      %dma_wait3A_288 = tpu.memref_slice %arg10[%dma_wait3A_286, %dma_wait3A_287] : memref<1024x16xf32, #tpu.memory_space<vmem>> -> memref<128x16xf32, #tpu.memory_space<vmem>>
      %dma_wait3A_289 = arith.constant 0 : i32
      %dma_wait3A_290 = tpu.memref_slice %arg8[%dma_wait3A_285, %dma_wait3A_289] : memref<8x128xi32, #tpu.memory_space<vmem>> -> memref<1x128xi32, #tpu.memory_space<vmem>>
      %dma_wait3A_291 = tpu.memref_squeeze %dma_wait3A_290 : memref<1x128xi32, #tpu.memory_space<vmem>> -> memref<128xi32, #tpu.memory_space<vmem>>
      %dma_wait3A_292 = arith.constant 0 : i32
      %dma_wait3A_293 = arith.constant 0 : i32
      %dma_wait3A_294 = tpu.memref_slice %arg12[%dma_wait3A_292, %dma_wait3A_293] : memref<100096x16xf32, #tpu.memory_space<vmem_shared>> -> memref<100096x16xf32, #tpu.memory_space<vmem_shared>>
      tpu.wait_indirect_dma semaphore(%arg14 : memref<!tpu.dma_semaphore, #tpu.memory_space<semaphore_mem>>) src(%dma_wait3A_288 : memref<128x16xf32, #tpu.memory_space<vmem>>) dst(%dma_wait3A_294 : memref<100096x16xf32, #tpu.memory_space<vmem_shared>>)
      %dma_wait3A_295 = arith.constant 2 : i32
      %dma_wait3A_296 = arith.constant 256 : i32
      %dma_wait3A_297 = arith.constant 0 : i32
      %dma_wait3A_298 = tpu.memref_slice %arg10[%dma_wait3A_296, %dma_wait3A_297] : memref<1024x16xf32, #tpu.memory_space<vmem>> -> memref<128x16xf32, #tpu.memory_space<vmem>>
      %dma_wait3A_299 = arith.constant 0 : i32
      %dma_wait3A_300 = tpu.memref_slice %arg8[%dma_wait3A_295, %dma_wait3A_299] : memref<8x128xi32, #tpu.memory_space<vmem>> -> memref<1x128xi32, #tpu.memory_space<vmem>>
      %dma_wait3A_301 = tpu.memref_squeeze %dma_wait3A_300 : memref<1x128xi32, #tpu.memory_space<vmem>> -> memref<128xi32, #tpu.memory_space<vmem>>
      %dma_wait3A_302 = arith.constant 0 : i32
      %dma_wait3A_303 = arith.constant 0 : i32
      %dma_wait3A_304 = tpu.memref_slice %arg12[%dma_wait3A_302, %dma_wait3A_303] : memref<100096x16xf32, #tpu.memory_space<vmem_shared>> -> memref<100096x16xf32, #tpu.memory_space<vmem_shared>>
      tpu.wait_indirect_dma semaphore(%arg14 : memref<!tpu.dma_semaphore, #tpu.memory_space<semaphore_mem>>) src(%dma_wait3A_298 : memref<128x16xf32, #tpu.memory_space<vmem>>) dst(%dma_wait3A_304 : memref<100096x16xf32, #tpu.memory_space<vmem_shared>>)
      %dma_wait3A_305 = arith.constant 3 : i32
      %dma_wait3A_306 = arith.constant 384 : i32
      %dma_wait3A_307 = arith.constant 0 : i32
      %dma_wait3A_308 = tpu.memref_slice %arg10[%dma_wait3A_306, %dma_wait3A_307] : memref<1024x16xf32, #tpu.memory_space<vmem>> -> memref<128x16xf32, #tpu.memory_space<vmem>>
      %dma_wait3A_309 = arith.constant 0 : i32
      %dma_wait3A_310 = tpu.memref_slice %arg8[%dma_wait3A_305, %dma_wait3A_309] : memref<8x128xi32, #tpu.memory_space<vmem>> -> memref<1x128xi32, #tpu.memory_space<vmem>>
      %dma_wait3A_311 = tpu.memref_squeeze %dma_wait3A_310 : memref<1x128xi32, #tpu.memory_space<vmem>> -> memref<128xi32, #tpu.memory_space<vmem>>
      %dma_wait3A_312 = arith.constant 0 : i32
      %dma_wait3A_313 = arith.constant 0 : i32
      %dma_wait3A_314 = tpu.memref_slice %arg12[%dma_wait3A_312, %dma_wait3A_313] : memref<100096x16xf32, #tpu.memory_space<vmem_shared>> -> memref<100096x16xf32, #tpu.memory_space<vmem_shared>>
      tpu.wait_indirect_dma semaphore(%arg14 : memref<!tpu.dma_semaphore, #tpu.memory_space<semaphore_mem>>) src(%dma_wait3A_308 : memref<128x16xf32, #tpu.memory_space<vmem>>) dst(%dma_wait3A_314 : memref<100096x16xf32, #tpu.memory_space<vmem_shared>>)
      %dma_wait3A_315 = arith.constant 4 : i32
      %dma_wait3A_316 = arith.constant 512 : i32
      %dma_wait3A_317 = arith.constant 0 : i32
      %dma_wait3A_318 = tpu.memref_slice %arg10[%dma_wait3A_316, %dma_wait3A_317] : memref<1024x16xf32, #tpu.memory_space<vmem>> -> memref<128x16xf32, #tpu.memory_space<vmem>>
      %dma_wait3A_319 = arith.constant 0 : i32
      %dma_wait3A_320 = tpu.memref_slice %arg8[%dma_wait3A_315, %dma_wait3A_319] : memref<8x128xi32, #tpu.memory_space<vmem>> -> memref<1x128xi32, #tpu.memory_space<vmem>>
      %dma_wait3A_321 = tpu.memref_squeeze %dma_wait3A_320 : memref<1x128xi32, #tpu.memory_space<vmem>> -> memref<128xi32, #tpu.memory_space<vmem>>
      %dma_wait3A_322 = arith.constant 0 : i32
      %dma_wait3A_323 = arith.constant 0 : i32
      %dma_wait3A_324 = tpu.memref_slice %arg12[%dma_wait3A_322, %dma_wait3A_323] : memref<100096x16xf32, #tpu.memory_space<vmem_shared>> -> memref<100096x16xf32, #tpu.memory_space<vmem_shared>>
      tpu.wait_indirect_dma semaphore(%arg14 : memref<!tpu.dma_semaphore, #tpu.memory_space<semaphore_mem>>) src(%dma_wait3A_318 : memref<128x16xf32, #tpu.memory_space<vmem>>) dst(%dma_wait3A_324 : memref<100096x16xf32, #tpu.memory_space<vmem_shared>>)
      %dma_wait3A_325 = arith.constant 5 : i32
      %dma_wait3A_326 = arith.constant 640 : i32
      %dma_wait3A_327 = arith.constant 0 : i32
      %dma_wait3A_328 = tpu.memref_slice %arg10[%dma_wait3A_326, %dma_wait3A_327] : memref<1024x16xf32, #tpu.memory_space<vmem>> -> memref<128x16xf32, #tpu.memory_space<vmem>>
      %dma_wait3A_329 = arith.constant 0 : i32
      %dma_wait3A_330 = tpu.memref_slice %arg8[%dma_wait3A_325, %dma_wait3A_329] : memref<8x128xi32, #tpu.memory_space<vmem>> -> memref<1x128xi32, #tpu.memory_space<vmem>>
      %dma_wait3A_331 = tpu.memref_squeeze %dma_wait3A_330 : memref<1x128xi32, #tpu.memory_space<vmem>> -> memref<128xi32, #tpu.memory_space<vmem>>
      %dma_wait3A_332 = arith.constant 0 : i32
      %dma_wait3A_333 = arith.constant 0 : i32
      %dma_wait3A_334 = tpu.memref_slice %arg12[%dma_wait3A_332, %dma_wait3A_333] : memref<100096x16xf32, #tpu.memory_space<vmem_shared>> -> memref<100096x16xf32, #tpu.memory_space<vmem_shared>>
      tpu.wait_indirect_dma semaphore(%arg14 : memref<!tpu.dma_semaphore, #tpu.memory_space<semaphore_mem>>) src(%dma_wait3A_328 : memref<128x16xf32, #tpu.memory_space<vmem>>) dst(%dma_wait3A_334 : memref<100096x16xf32, #tpu.memory_space<vmem_shared>>)
      %dma_wait3A_335 = arith.constant 6 : i32
      %dma_wait3A_336 = arith.constant 768 : i32
      %dma_wait3A_337 = arith.constant 0 : i32
      %dma_wait3A_338 = tpu.memref_slice %arg10[%dma_wait3A_336, %dma_wait3A_337] : memref<1024x16xf32, #tpu.memory_space<vmem>> -> memref<128x16xf32, #tpu.memory_space<vmem>>
      %dma_wait3A_339 = arith.constant 0 : i32
      %dma_wait3A_340 = tpu.memref_slice %arg8[%dma_wait3A_335, %dma_wait3A_339] : memref<8x128xi32, #tpu.memory_space<vmem>> -> memref<1x128xi32, #tpu.memory_space<vmem>>
      %dma_wait3A_341 = tpu.memref_squeeze %dma_wait3A_340 : memref<1x128xi32, #tpu.memory_space<vmem>> -> memref<128xi32, #tpu.memory_space<vmem>>
      %dma_wait3A_342 = arith.constant 0 : i32
      %dma_wait3A_343 = arith.constant 0 : i32
      %dma_wait3A_344 = tpu.memref_slice %arg12[%dma_wait3A_342, %dma_wait3A_343] : memref<100096x16xf32, #tpu.memory_space<vmem_shared>> -> memref<100096x16xf32, #tpu.memory_space<vmem_shared>>
      tpu.wait_indirect_dma semaphore(%arg14 : memref<!tpu.dma_semaphore, #tpu.memory_space<semaphore_mem>>) src(%dma_wait3A_338 : memref<128x16xf32, #tpu.memory_space<vmem>>) dst(%dma_wait3A_344 : memref<100096x16xf32, #tpu.memory_space<vmem_shared>>)
      %dma_wait3A_345 = arith.constant 7 : i32
      %dma_wait3A_346 = arith.constant 896 : i32
      %dma_wait3A_347 = arith.constant 0 : i32
      %dma_wait3A_348 = tpu.memref_slice %arg10[%dma_wait3A_346, %dma_wait3A_347] : memref<1024x16xf32, #tpu.memory_space<vmem>> -> memref<128x16xf32, #tpu.memory_space<vmem>>
      %dma_wait3A_349 = arith.constant 0 : i32
      %dma_wait3A_350 = tpu.memref_slice %arg8[%dma_wait3A_345, %dma_wait3A_349] : memref<8x128xi32, #tpu.memory_space<vmem>> -> memref<1x128xi32, #tpu.memory_space<vmem>>
      %dma_wait3A_351 = tpu.memref_squeeze %dma_wait3A_350 : memref<1x128xi32, #tpu.memory_space<vmem>> -> memref<128xi32, #tpu.memory_space<vmem>>
      %dma_wait3A_352 = arith.constant 0 : i32
      %dma_wait3A_353 = arith.constant 0 : i32
      %dma_wait3A_354 = tpu.memref_slice %arg12[%dma_wait3A_352, %dma_wait3A_353] : memref<100096x16xf32, #tpu.memory_space<vmem_shared>> -> memref<100096x16xf32, #tpu.memory_space<vmem_shared>>
      tpu.wait_indirect_dma semaphore(%arg14 : memref<!tpu.dma_semaphore, #tpu.memory_space<semaphore_mem>>) src(%dma_wait3A_348 : memref<128x16xf32, #tpu.memory_space<vmem>>) dst(%dma_wait3A_354 : memref<100096x16xf32, #tpu.memory_space<vmem_shared>>)
    }
    %scan3A_16 = arith.constant 50 : i32
    %barrier3A_17 = arith.constant 0 : index
    tpu.barrier barrier_id(%barrier3A_17)
    %mul3A_18 = arith.constant 6256 : i32
    %mul3A_19 = arith.muli %arg1, %mul3A_18 : i32
    %mul3A_20 = arith.constant 6256 : i32
    %mul3A_21 = arith.muli %arg1, %mul3A_20 : i32
    "tpu.region"() ({
      %run_scoped3A = tpu.sem_alloc : memref<!tpu.dma_semaphore, #tpu.memory_space<semaphore_mem>>
      %dma_start3A = arith.constant 0 : i32
      %dma_start3A_22 = tpu.memref_slice %arg6[%arg0, %mul3A_21, %dma_start3A] : memref<2x100096x16xf32, #tpu.memory_space<hbm>> -> memref<1x6256x16xf32, #tpu.memory_space<hbm>>
      %dma_start3A_23 = tpu.memref_squeeze %dma_start3A_22 : memref<1x6256x16xf32, #tpu.memory_space<hbm>> -> memref<6256x16xf32, #tpu.memory_space<hbm>>
      %dma_start3A_24 = arith.constant 0 : i32
      %dma_start3A_25 = tpu.memref_slice %arg12[%mul3A_19, %dma_start3A_24] : memref<100096x16xf32, #tpu.memory_space<vmem_shared>> -> memref<6256x16xf32, #tpu.memory_space<vmem_shared>>
      tpu.enqueue_dma source(%dma_start3A_25 : memref<6256x16xf32, #tpu.memory_space<vmem_shared>>) target(%dma_start3A_23 : memref<6256x16xf32, #tpu.memory_space<hbm>>) target_semaphore(%run_scoped3A : memref<!tpu.dma_semaphore, #tpu.memory_space<semaphore_mem>>)
      %dma_wait3A = arith.constant 0 : i32
      %dma_wait3A_26 = tpu.memref_slice %arg6[%arg0, %mul3A_21, %dma_wait3A] : memref<2x100096x16xf32, #tpu.memory_space<hbm>> -> memref<1x6256x16xf32, #tpu.memory_space<hbm>>
      %dma_wait3A_27 = tpu.memref_squeeze %dma_wait3A_26 : memref<1x6256x16xf32, #tpu.memory_space<hbm>> -> memref<6256x16xf32, #tpu.memory_space<hbm>>
      %dma_wait3A_28 = arith.constant 0 : i32
      %dma_wait3A_29 = tpu.memref_slice %arg12[%mul3A_19, %dma_wait3A_28] : memref<100096x16xf32, #tpu.memory_space<vmem_shared>> -> memref<6256x16xf32, #tpu.memory_space<vmem_shared>>
      tpu.wait_dma2 semaphore(%run_scoped3A : memref<!tpu.dma_semaphore, #tpu.memory_space<semaphore_mem>>) src(%dma_wait3A_29 : memref<6256x16xf32, #tpu.memory_space<vmem_shared>>) dst(%dma_wait3A_27 : memref<6256x16xf32, #tpu.memory_space<hbm>>)
      tpu.yield
    }) : () -> ()
    return
  }
}

#map = affine_map<(d0, d1) -> (0, 0)>
#map1 = affine_map<(d0, d1) -> (0)>
#map2 = affine_map<(d0, d1) -> (0, 0, 0)>
module attributes {stable_mosaic.version = 14 : i64} {
  func.func @_agg_kernel(%arg0: i32, %arg1: i32, %arg2: memref<12800x128xi32, #tpu.memory_space<hbm>>, %arg3: memref<12800x128xi32, #tpu.memory_space<hbm>>, %arg4: memref<1638400xf32, #tpu.memory_space<hbm>>, %arg5: memref<100000x16xf32, #tpu.memory_space<hbm>>, %arg6: memref<2x100096x16xf32, #tpu.memory_space<hbm>>, %arg7: memref<8x128xi32, #tpu.memory_space<vmem>>, %arg8: memref<8x128xi32, #tpu.memory_space<vmem>>, %arg9: memref<1024xf32, #tpu.memory_space<vmem>>, %arg10: memref<1024x16xf32, #tpu.memory_space<vmem>>, %arg11: memref<16x16xf32, #tpu.memory_space<vmem>>, %arg12: memref<100096x16xf32, #tpu.memory_space<vmem_shared>>, %arg13: memref<!tpu.dma_semaphore, #tpu.memory_space<semaphore_mem>>, %arg14: memref<!tpu.dma_semaphore, #tpu.memory_space<semaphore_mem>>) attributes {dimension_semantics = [#tpu.dimension_semantics<core_parallel>, #tpu.dimension_semantics<subcore_parallel>], iteration_bounds = array<i64: 2, 16>, scalar_prefetch = 0 : i64, scratch_operands = 8 : i64, tpu.core_type = #tpu.core_type<sc_vector_subcore>, window_params = [{transform_indices = #map}, {transform_indices = #map}, {transform_indices = #map1}, {transform_indices = #map}, {transform_indices = #map2}]} {
    %mul3A = arith.constant 2 : i32
    %mul3A_0 = arith.muli %arg1, %mul3A : i32
    %add3A = arith.addi %mul3A_0, %arg0 : i32
    %scan3A = arith.constant 0 : i32
    %scan3A_1 = arith.constant 16 : i32
    %scan3A_2 = arith.addi %scan3A, %scan3A_1 : i32
    %scan3A_3 = arith.constant 1 : i32
    scf.for %scan3A_22 = %scan3A to %scan3A_2 step %scan3A_3  : i32 {
      %mul3A_23 = arith.constant 1 : i32
      %mul3A_24 = arith.muli %scan3A_22, %mul3A_23 : i32
      %add3A_25 = arith.constant 0 : i32
      %add3A_26 = arith.addi %add3A_25, %mul3A_24 : i32
      %broadcast_in_dim3A = arith.constant 0.000000e+00 : f32
      %broadcast_in_dim3A_27 = vector.broadcast %broadcast_in_dim3A : f32 to vector<16xf32>
      %swap3A = arith.index_cast %add3A_26 : i32 to index
      %swap3A_28 = arith.constant 0 : index
      %swap3A_29 = tpu.vector_load %arg11[%swap3A, %swap3A_28] {strides = array<i32>} : memref<16x16xf32, #tpu.memory_space<vmem>>, vector<16xf32>,
      tpu.vector_store %arg11[%swap3A, %swap3A_28], %broadcast_in_dim3A_27 {strides = array<i32>} : memref<16x16xf32, #tpu.memory_space<vmem>>, vector<16xf32>,
    }
    %scan3A_4 = arith.constant 16 : i32
    %scan3A_5 = arith.constant 0 : i32
    %scan3A_6 = arith.constant 391 : i32
    %scan3A_7 = arith.addi %scan3A_5, %scan3A_6 : i32
    %scan3A_8 = arith.constant 1 : i32
    scf.for %scan3A_22 = %scan3A_5 to %scan3A_7 step %scan3A_8  : i32 {
      %mul3A_23 = arith.constant 16 : i32
      %mul3A_24 = arith.muli %scan3A_22, %mul3A_23 : i32
      %add3A_25 = arith.constant 0 : i32
      %add3A_26 = arith.addi %add3A_25, %mul3A_24 : i32
      %mul3A_27 = arith.constant 6256 : i32
      %mul3A_28 = arith.muli %arg1, %mul3A_27 : i32
      %add3A_29 = arith.addi %mul3A_28, %add3A_26 : i32
      "tpu.region"() ({
        %run_scoped3A = tpu.sem_alloc : memref<!tpu.dma_semaphore, #tpu.memory_space<semaphore_mem>>
        %dma_start3A = arith.constant 0 : i32
        %dma_start3A_30 = tpu.memref_slice %arg12[%add3A_29, %dma_start3A] : memref<100096x16xf32, #tpu.memory_space<vmem_shared>> -> memref<16x16xf32, #tpu.memory_space<vmem_shared>>
        %dma_start3A_31 = arith.constant 0 : i32
        %dma_start3A_32 = tpu.memref_slice %arg12[%add3A_29, %dma_start3A_31] : memref<100096x16xf32, #tpu.memory_space<vmem_shared>> -> memref<16x16xf32, #tpu.memory_space<vmem_shared>>
        tpu.enqueue_dma source(%arg11 : memref<16x16xf32, #tpu.memory_space<vmem>>) target(%dma_start3A_32 : memref<16x16xf32, #tpu.memory_space<vmem_shared>>) target_semaphore(%run_scoped3A : memref<!tpu.dma_semaphore, #tpu.memory_space<semaphore_mem>>)
        %dma_wait3A = arith.constant 0 : i32
        %dma_wait3A_33 = tpu.memref_slice %arg12[%add3A_29, %dma_wait3A] : memref<100096x16xf32, #tpu.memory_space<vmem_shared>> -> memref<16x16xf32, #tpu.memory_space<vmem_shared>>
        %dma_wait3A_34 = arith.constant 0 : i32
        %dma_wait3A_35 = tpu.memref_slice %arg12[%add3A_29, %dma_wait3A_34] : memref<100096x16xf32, #tpu.memory_space<vmem_shared>> -> memref<16x16xf32, #tpu.memory_space<vmem_shared>>
        tpu.wait_dma2 semaphore(%run_scoped3A : memref<!tpu.dma_semaphore, #tpu.memory_space<semaphore_mem>>) src(%arg11 : memref<16x16xf32, #tpu.memory_space<vmem>>) dst(%dma_wait3A_35 : memref<16x16xf32, #tpu.memory_space<vmem_shared>>)
        tpu.yield
      }) : () -> ()
    }
    %scan3A_9 = arith.constant 391 : i32
    %barrier3A = arith.constant 0 : index
    tpu.barrier barrier_id(%barrier3A)
    %mul3A_10 = arith.constant 400 : i32
    %mul3A_11 = arith.muli %add3A, %mul3A_10 : i32
    %scan3A_12 = arith.constant 0 : i32
    %scan3A_13 = arith.constant 50 : i32
    %scan3A_14 = arith.addi %scan3A_12, %scan3A_13 : i32
    %scan3A_15 = arith.constant 1 : i32
    scf.for %scan3A_22 = %scan3A_12 to %scan3A_14 step %scan3A_15  : i32 {
      %mul3A_23 = arith.constant 1 : i32
      %mul3A_24 = arith.muli %scan3A_22, %mul3A_23 : i32
      %add3A_25 = arith.constant 0 : i32
      %add3A_26 = arith.addi %add3A_25, %mul3A_24 : i32
      %mul3A_27 = arith.constant 8 : i32
      %mul3A_28 = arith.muli %add3A_26, %mul3A_27 : i32
      %add3A_29 = arith.addi %mul3A_11, %mul3A_28 : i32
      "tpu.region"() ({
        %run_scoped3A = tpu.sem_alloc : memref<!tpu.dma_semaphore, #tpu.memory_space<semaphore_mem>>
        %dma_start3A_355 = arith.constant 0 : i32
        %dma_start3A_356 = tpu.memref_slice %arg2[%add3A_29, %dma_start3A_355] : memref<12800x128xi32, #tpu.memory_space<hbm>> -> memref<8x128xi32, #tpu.memory_space<hbm>>
        %dma_start3A_357 = arith.constant 0 : i32
        %dma_start3A_358 = tpu.memref_slice %arg2[%add3A_29, %dma_start3A_357] : memref<12800x128xi32, #tpu.memory_space<hbm>> -> memref<8x128xi32, #tpu.memory_space<hbm>>
        tpu.enqueue_dma source(%dma_start3A_358 : memref<8x128xi32, #tpu.memory_space<hbm>>) target(%arg7 : memref<8x128xi32, #tpu.memory_space<vmem>>) target_semaphore(%run_scoped3A : memref<!tpu.dma_semaphore, #tpu.memory_space<semaphore_mem>>)
        %dma_wait3A_359 = arith.constant 0 : i32
        %dma_wait3A_360 = tpu.memref_slice %arg2[%add3A_29, %dma_wait3A_359] : memref<12800x128xi32, #tpu.memory_space<hbm>> -> memref<8x128xi32, #tpu.memory_space<hbm>>
        %dma_wait3A_361 = arith.constant 0 : i32
        %dma_wait3A_362 = tpu.memref_slice %arg2[%add3A_29, %dma_wait3A_361] : memref<12800x128xi32, #tpu.memory_space<hbm>> -> memref<8x128xi32, #tpu.memory_space<hbm>>
        tpu.wait_dma2 semaphore(%run_scoped3A : memref<!tpu.dma_semaphore, #tpu.memory_space<semaphore_mem>>) src(%dma_wait3A_362 : memref<8x128xi32, #tpu.memory_space<hbm>>) dst(%arg7 : memref<8x128xi32, #tpu.memory_space<vmem>>)
        tpu.yield
      }) : () -> ()
      "tpu.region"() ({
        %run_scoped3A = tpu.sem_alloc : memref<!tpu.dma_semaphore, #tpu.memory_space<semaphore_mem>>
        %dma_start3A_355 = arith.constant 0 : i32
        %dma_start3A_356 = tpu.memref_slice %arg3[%add3A_29, %dma_start3A_355] : memref<12800x128xi32, #tpu.memory_space<hbm>> -> memref<8x128xi32, #tpu.memory_space<hbm>>
        %dma_start3A_357 = arith.constant 0 : i32
        %dma_start3A_358 = tpu.memref_slice %arg3[%add3A_29, %dma_start3A_357] : memref<12800x128xi32, #tpu.memory_space<hbm>> -> memref<8x128xi32, #tpu.memory_space<hbm>>
        tpu.enqueue_dma source(%dma_start3A_358 : memref<8x128xi32, #tpu.memory_space<hbm>>) target(%arg8 : memref<8x128xi32, #tpu.memory_space<vmem>>) target_semaphore(%run_scoped3A : memref<!tpu.dma_semaphore, #tpu.memory_space<semaphore_mem>>)
        %dma_wait3A_359 = arith.constant 0 : i32
        %dma_wait3A_360 = tpu.memref_slice %arg3[%add3A_29, %dma_wait3A_359] : memref<12800x128xi32, #tpu.memory_space<hbm>> -> memref<8x128xi32, #tpu.memory_space<hbm>>
        %dma_wait3A_361 = arith.constant 0 : i32
        %dma_wait3A_362 = tpu.memref_slice %arg3[%add3A_29, %dma_wait3A_361] : memref<12800x128xi32, #tpu.memory_space<hbm>> -> memref<8x128xi32, #tpu.memory_space<hbm>>
        tpu.wait_dma2 semaphore(%run_scoped3A : memref<!tpu.dma_semaphore, #tpu.memory_space<semaphore_mem>>) src(%dma_wait3A_362 : memref<8x128xi32, #tpu.memory_space<hbm>>) dst(%arg8 : memref<8x128xi32, #tpu.memory_space<vmem>>)
        tpu.yield
      }) : () -> ()
      %mul3A_30 = arith.constant 128 : i32
      %mul3A_31 = arith.muli %add3A_29, %mul3A_30 : i32
      "tpu.region"() ({
        %run_scoped3A = tpu.sem_alloc : memref<!tpu.dma_semaphore, #tpu.memory_space<semaphore_mem>>
        %dma_start3A_355 = tpu.memref_slice %arg4[%mul3A_31] : memref<1638400xf32, #tpu.memory_space<hbm>> -> memref<1024xf32, #tpu.memory_space<hbm>>
        %dma_start3A_356 = tpu.memref_slice %arg4[%mul3A_31] : memref<1638400xf32, #tpu.memory_space<hbm>> -> memref<1024xf32, #tpu.memory_space<hbm>>
        tpu.enqueue_dma source(%dma_start3A_356 : memref<1024xf32, #tpu.memory_space<hbm>>) target(%arg9 : memref<1024xf32, #tpu.memory_space<vmem>>) target_semaphore(%run_scoped3A : memref<!tpu.dma_semaphore, #tpu.memory_space<semaphore_mem>>)
        %dma_wait3A_357 = tpu.memref_slice %arg4[%mul3A_31] : memref<1638400xf32, #tpu.memory_space<hbm>> -> memref<1024xf32, #tpu.memory_space<hbm>>
        %dma_wait3A_358 = tpu.memref_slice %arg4[%mul3A_31] : memref<1638400xf32, #tpu.memory_space<hbm>> -> memref<1024xf32, #tpu.memory_space<hbm>>
        tpu.wait_dma2 semaphore(%run_scoped3A : memref<!tpu.dma_semaphore, #tpu.memory_space<semaphore_mem>>) src(%dma_wait3A_358 : memref<1024xf32, #tpu.memory_space<hbm>>) dst(%arg9 : memref<1024xf32, #tpu.memory_space<vmem>>)
        tpu.yield
      }) : () -> ()
      %dma_start3A = arith.constant 0 : i32
      %dma_start3A_32 = arith.constant 0 : i32
      %dma_start3A_33 = arith.constant 0 : i32
      %dma_start3A_34 = tpu.memref_slice %arg10[%dma_start3A_32, %dma_start3A_33] : memref<1024x16xf32, #tpu.memory_space<vmem>> -> memref<128x16xf32, #tpu.memory_space<vmem>>
      %dma_start3A_35 = arith.constant 0 : i32
      %dma_start3A_36 = tpu.memref_slice %arg7[%dma_start3A, %dma_start3A_35] : memref<8x128xi32, #tpu.memory_space<vmem>> -> memref<1x128xi32, #tpu.memory_space<vmem>>
      %dma_start3A_37 = tpu.memref_squeeze %dma_start3A_36 : memref<1x128xi32, #tpu.memory_space<vmem>> -> memref<128xi32, #tpu.memory_space<vmem>>
      %dma_start3A_38 = arith.constant 0 : i32
      %dma_start3A_39 = arith.constant 0 : i32
      %dma_start3A_40 = tpu.memref_slice %arg5[%dma_start3A_38, %dma_start3A_39] : memref<100000x16xf32, #tpu.memory_space<hbm>> -> memref<100000x16xf32, #tpu.memory_space<hbm>>
      tpu.enqueue_indirect_dma source(%dma_start3A_40 : memref<100000x16xf32, #tpu.memory_space<hbm>>) target(%dma_start3A_34 : memref<128x16xf32, #tpu.memory_space<vmem>>) offsets(%dma_start3A_37 : memref<128xi32, #tpu.memory_space<vmem>>) semaphore(%arg13 : memref<!tpu.dma_semaphore, #tpu.memory_space<semaphore_mem>>)
      %dma_start3A_41 = arith.constant 1 : i32
      %dma_start3A_42 = arith.constant 128 : i32
      %dma_start3A_43 = arith.constant 0 : i32
      %dma_start3A_44 = tpu.memref_slice %arg10[%dma_start3A_42, %dma_start3A_43] : memref<1024x16xf32, #tpu.memory_space<vmem>> -> memref<128x16xf32, #tpu.memory_space<vmem>>
      %dma_start3A_45 = arith.constant 0 : i32
      %dma_start3A_46 = tpu.memref_slice %arg7[%dma_start3A_41, %dma_start3A_45] : memref<8x128xi32, #tpu.memory_space<vmem>> -> memref<1x128xi32, #tpu.memory_space<vmem>>
      %dma_start3A_47 = tpu.memref_squeeze %dma_start3A_46 : memref<1x128xi32, #tpu.memory_space<vmem>> -> memref<128xi32, #tpu.memory_space<vmem>>
      %dma_start3A_48 = arith.constant 0 : i32
      %dma_start3A_49 = arith.constant 0 : i32
      %dma_start3A_50 = tpu.memref_slice %arg5[%dma_start3A_48, %dma_start3A_49] : memref<100000x16xf32, #tpu.memory_space<hbm>> -> memref<100000x16xf32, #tpu.memory_space<hbm>>
      tpu.enqueue_indirect_dma source(%dma_start3A_50 : memref<100000x16xf32, #tpu.memory_space<hbm>>) target(%dma_start3A_44 : memref<128x16xf32, #tpu.memory_space<vmem>>) offsets(%dma_start3A_47 : memref<128xi32, #tpu.memory_space<vmem>>) semaphore(%arg13 : memref<!tpu.dma_semaphore, #tpu.memory_space<semaphore_mem>>)
      %dma_start3A_51 = arith.constant 2 : i32
      %dma_start3A_52 = arith.constant 256 : i32
      %dma_start3A_53 = arith.constant 0 : i32
      %dma_start3A_54 = tpu.memref_slice %arg10[%dma_start3A_52, %dma_start3A_53] : memref<1024x16xf32, #tpu.memory_space<vmem>> -> memref<128x16xf32, #tpu.memory_space<vmem>>
      %dma_start3A_55 = arith.constant 0 : i32
      %dma_start3A_56 = tpu.memref_slice %arg7[%dma_start3A_51, %dma_start3A_55] : memref<8x128xi32, #tpu.memory_space<vmem>> -> memref<1x128xi32, #tpu.memory_space<vmem>>
      %dma_start3A_57 = tpu.memref_squeeze %dma_start3A_56 : memref<1x128xi32, #tpu.memory_space<vmem>> -> memref<128xi32, #tpu.memory_space<vmem>>
      %dma_start3A_58 = arith.constant 0 : i32
      %dma_start3A_59 = arith.constant 0 : i32
      %dma_start3A_60 = tpu.memref_slice %arg5[%dma_start3A_58, %dma_start3A_59] : memref<100000x16xf32, #tpu.memory_space<hbm>> -> memref<100000x16xf32, #tpu.memory_space<hbm>>
      tpu.enqueue_indirect_dma source(%dma_start3A_60 : memref<100000x16xf32, #tpu.memory_space<hbm>>) target(%dma_start3A_54 : memref<128x16xf32, #tpu.memory_space<vmem>>) offsets(%dma_start3A_57 : memref<128xi32, #tpu.memory_space<vmem>>) semaphore(%arg13 : memref<!tpu.dma_semaphore, #tpu.memory_space<semaphore_mem>>)
      %dma_start3A_61 = arith.constant 3 : i32
      %dma_start3A_62 = arith.constant 384 : i32
      %dma_start3A_63 = arith.constant 0 : i32
      %dma_start3A_64 = tpu.memref_slice %arg10[%dma_start3A_62, %dma_start3A_63] : memref<1024x16xf32, #tpu.memory_space<vmem>> -> memref<128x16xf32, #tpu.memory_space<vmem>>
      %dma_start3A_65 = arith.constant 0 : i32
      %dma_start3A_66 = tpu.memref_slice %arg7[%dma_start3A_61, %dma_start3A_65] : memref<8x128xi32, #tpu.memory_space<vmem>> -> memref<1x128xi32, #tpu.memory_space<vmem>>
      %dma_start3A_67 = tpu.memref_squeeze %dma_start3A_66 : memref<1x128xi32, #tpu.memory_space<vmem>> -> memref<128xi32, #tpu.memory_space<vmem>>
      %dma_start3A_68 = arith.constant 0 : i32
      %dma_start3A_69 = arith.constant 0 : i32
      %dma_start3A_70 = tpu.memref_slice %arg5[%dma_start3A_68, %dma_start3A_69] : memref<100000x16xf32, #tpu.memory_space<hbm>> -> memref<100000x16xf32, #tpu.memory_space<hbm>>
      tpu.enqueue_indirect_dma source(%dma_start3A_70 : memref<100000x16xf32, #tpu.memory_space<hbm>>) target(%dma_start3A_64 : memref<128x16xf32, #tpu.memory_space<vmem>>) offsets(%dma_start3A_67 : memref<128xi32, #tpu.memory_space<vmem>>) semaphore(%arg13 : memref<!tpu.dma_semaphore, #tpu.memory_space<semaphore_mem>>)
      %dma_start3A_71 = arith.constant 4 : i32
      %dma_start3A_72 = arith.constant 512 : i32
      %dma_start3A_73 = arith.constant 0 : i32
      %dma_start3A_74 = tpu.memref_slice %arg10[%dma_start3A_72, %dma_start3A_73] : memref<1024x16xf32, #tpu.memory_space<vmem>> -> memref<128x16xf32, #tpu.memory_space<vmem>>
      %dma_start3A_75 = arith.constant 0 : i32
      %dma_start3A_76 = tpu.memref_slice %arg7[%dma_start3A_71, %dma_start3A_75] : memref<8x128xi32, #tpu.memory_space<vmem>> -> memref<1x128xi32, #tpu.memory_space<vmem>>
      %dma_start3A_77 = tpu.memref_squeeze %dma_start3A_76 : memref<1x128xi32, #tpu.memory_space<vmem>> -> memref<128xi32, #tpu.memory_space<vmem>>
      %dma_start3A_78 = arith.constant 0 : i32
      %dma_start3A_79 = arith.constant 0 : i32
      %dma_start3A_80 = tpu.memref_slice %arg5[%dma_start3A_78, %dma_start3A_79] : memref<100000x16xf32, #tpu.memory_space<hbm>> -> memref<100000x16xf32, #tpu.memory_space<hbm>>
      tpu.enqueue_indirect_dma source(%dma_start3A_80 : memref<100000x16xf32, #tpu.memory_space<hbm>>) target(%dma_start3A_74 : memref<128x16xf32, #tpu.memory_space<vmem>>) offsets(%dma_start3A_77 : memref<128xi32, #tpu.memory_space<vmem>>) semaphore(%arg13 : memref<!tpu.dma_semaphore, #tpu.memory_space<semaphore_mem>>)
      %dma_start3A_81 = arith.constant 5 : i32
      %dma_start3A_82 = arith.constant 640 : i32
      %dma_start3A_83 = arith.constant 0 : i32
      %dma_start3A_84 = tpu.memref_slice %arg10[%dma_start3A_82, %dma_start3A_83] : memref<1024x16xf32, #tpu.memory_space<vmem>> -> memref<128x16xf32, #tpu.memory_space<vmem>>
      %dma_start3A_85 = arith.constant 0 : i32
      %dma_start3A_86 = tpu.memref_slice %arg7[%dma_start3A_81, %dma_start3A_85] : memref<8x128xi32, #tpu.memory_space<vmem>> -> memref<1x128xi32, #tpu.memory_space<vmem>>
      %dma_start3A_87 = tpu.memref_squeeze %dma_start3A_86 : memref<1x128xi32, #tpu.memory_space<vmem>> -> memref<128xi32, #tpu.memory_space<vmem>>
      %dma_start3A_88 = arith.constant 0 : i32
      %dma_start3A_89 = arith.constant 0 : i32
      %dma_start3A_90 = tpu.memref_slice %arg5[%dma_start3A_88, %dma_start3A_89] : memref<100000x16xf32, #tpu.memory_space<hbm>> -> memref<100000x16xf32, #tpu.memory_space<hbm>>
      tpu.enqueue_indirect_dma source(%dma_start3A_90 : memref<100000x16xf32, #tpu.memory_space<hbm>>) target(%dma_start3A_84 : memref<128x16xf32, #tpu.memory_space<vmem>>) offsets(%dma_start3A_87 : memref<128xi32, #tpu.memory_space<vmem>>) semaphore(%arg13 : memref<!tpu.dma_semaphore, #tpu.memory_space<semaphore_mem>>)
      %dma_start3A_91 = arith.constant 6 : i32
      %dma_start3A_92 = arith.constant 768 : i32
      %dma_start3A_93 = arith.constant 0 : i32
      %dma_start3A_94 = tpu.memref_slice %arg10[%dma_start3A_92, %dma_start3A_93] : memref<1024x16xf32, #tpu.memory_space<vmem>> -> memref<128x16xf32, #tpu.memory_space<vmem>>
      %dma_start3A_95 = arith.constant 0 : i32
      %dma_start3A_96 = tpu.memref_slice %arg7[%dma_start3A_91, %dma_start3A_95] : memref<8x128xi32, #tpu.memory_space<vmem>> -> memref<1x128xi32, #tpu.memory_space<vmem>>
      %dma_start3A_97 = tpu.memref_squeeze %dma_start3A_96 : memref<1x128xi32, #tpu.memory_space<vmem>> -> memref<128xi32, #tpu.memory_space<vmem>>
      %dma_start3A_98 = arith.constant 0 : i32
      %dma_start3A_99 = arith.constant 0 : i32
      %dma_start3A_100 = tpu.memref_slice %arg5[%dma_start3A_98, %dma_start3A_99] : memref<100000x16xf32, #tpu.memory_space<hbm>> -> memref<100000x16xf32, #tpu.memory_space<hbm>>
      tpu.enqueue_indirect_dma source(%dma_start3A_100 : memref<100000x16xf32, #tpu.memory_space<hbm>>) target(%dma_start3A_94 : memref<128x16xf32, #tpu.memory_space<vmem>>) offsets(%dma_start3A_97 : memref<128xi32, #tpu.memory_space<vmem>>) semaphore(%arg13 : memref<!tpu.dma_semaphore, #tpu.memory_space<semaphore_mem>>)
      %dma_start3A_101 = arith.constant 7 : i32
      %dma_start3A_102 = arith.constant 896 : i32
      %dma_start3A_103 = arith.constant 0 : i32
      %dma_start3A_104 = tpu.memref_slice %arg10[%dma_start3A_102, %dma_start3A_103] : memref<1024x16xf32, #tpu.memory_space<vmem>> -> memref<128x16xf32, #tpu.memory_space<vmem>>
      %dma_start3A_105 = arith.constant 0 : i32
      %dma_start3A_106 = tpu.memref_slice %arg7[%dma_start3A_101, %dma_start3A_105] : memref<8x128xi32, #tpu.memory_space<vmem>> -> memref<1x128xi32, #tpu.memory_space<vmem>>
      %dma_start3A_107 = tpu.memref_squeeze %dma_start3A_106 : memref<1x128xi32, #tpu.memory_space<vmem>> -> memref<128xi32, #tpu.memory_space<vmem>>
      %dma_start3A_108 = arith.constant 0 : i32
      %dma_start3A_109 = arith.constant 0 : i32
      %dma_start3A_110 = tpu.memref_slice %arg5[%dma_start3A_108, %dma_start3A_109] : memref<100000x16xf32, #tpu.memory_space<hbm>> -> memref<100000x16xf32, #tpu.memory_space<hbm>>
      tpu.enqueue_indirect_dma source(%dma_start3A_110 : memref<100000x16xf32, #tpu.memory_space<hbm>>) target(%dma_start3A_104 : memref<128x16xf32, #tpu.memory_space<vmem>>) offsets(%dma_start3A_107 : memref<128xi32, #tpu.memory_space<vmem>>) semaphore(%arg13 : memref<!tpu.dma_semaphore, #tpu.memory_space<semaphore_mem>>)
      %dma_wait3A = arith.constant 0 : i32
      %dma_wait3A_111 = arith.constant 0 : i32
      %dma_wait3A_112 = arith.constant 0 : i32
      %dma_wait3A_113 = tpu.memref_slice %arg10[%dma_wait3A_111, %dma_wait3A_112] : memref<1024x16xf32, #tpu.memory_space<vmem>> -> memref<128x16xf32, #tpu.memory_space<vmem>>
      %dma_wait3A_114 = arith.constant 0 : i32
      %dma_wait3A_115 = tpu.memref_slice %arg7[%dma_wait3A, %dma_wait3A_114] : memref<8x128xi32, #tpu.memory_space<vmem>> -> memref<1x128xi32, #tpu.memory_space<vmem>>
      %dma_wait3A_116 = tpu.memref_squeeze %dma_wait3A_115 : memref<1x128xi32, #tpu.memory_space<vmem>> -> memref<128xi32, #tpu.memory_space<vmem>>
      %dma_wait3A_117 = arith.constant 0 : i32
      %dma_wait3A_118 = arith.constant 0 : i32
      %dma_wait3A_119 = tpu.memref_slice %arg5[%dma_wait3A_117, %dma_wait3A_118] : memref<100000x16xf32, #tpu.memory_space<hbm>> -> memref<100000x16xf32, #tpu.memory_space<hbm>>
      tpu.wait_indirect_dma semaphore(%arg13 : memref<!tpu.dma_semaphore, #tpu.memory_space<semaphore_mem>>) src(%dma_wait3A_119 : memref<100000x16xf32, #tpu.memory_space<hbm>>) dst(%dma_wait3A_113 : memref<128x16xf32, #tpu.memory_space<vmem>>)
      %dma_wait3A_120 = arith.constant 1 : i32
      %dma_wait3A_121 = arith.constant 128 : i32
      %dma_wait3A_122 = arith.constant 0 : i32
      %dma_wait3A_123 = tpu.memref_slice %arg10[%dma_wait3A_121, %dma_wait3A_122] : memref<1024x16xf32, #tpu.memory_space<vmem>> -> memref<128x16xf32, #tpu.memory_space<vmem>>
      %dma_wait3A_124 = arith.constant 0 : i32
      %dma_wait3A_125 = tpu.memref_slice %arg7[%dma_wait3A_120, %dma_wait3A_124] : memref<8x128xi32, #tpu.memory_space<vmem>> -> memref<1x128xi32, #tpu.memory_space<vmem>>
      %dma_wait3A_126 = tpu.memref_squeeze %dma_wait3A_125 : memref<1x128xi32, #tpu.memory_space<vmem>> -> memref<128xi32, #tpu.memory_space<vmem>>
      %dma_wait3A_127 = arith.constant 0 : i32
      %dma_wait3A_128 = arith.constant 0 : i32
      %dma_wait3A_129 = tpu.memref_slice %arg5[%dma_wait3A_127, %dma_wait3A_128] : memref<100000x16xf32, #tpu.memory_space<hbm>> -> memref<100000x16xf32, #tpu.memory_space<hbm>>
      tpu.wait_indirect_dma semaphore(%arg13 : memref<!tpu.dma_semaphore, #tpu.memory_space<semaphore_mem>>) src(%dma_wait3A_129 : memref<100000x16xf32, #tpu.memory_space<hbm>>) dst(%dma_wait3A_123 : memref<128x16xf32, #tpu.memory_space<vmem>>)
      %dma_wait3A_130 = arith.constant 2 : i32
      %dma_wait3A_131 = arith.constant 256 : i32
      %dma_wait3A_132 = arith.constant 0 : i32
      %dma_wait3A_133 = tpu.memref_slice %arg10[%dma_wait3A_131, %dma_wait3A_132] : memref<1024x16xf32, #tpu.memory_space<vmem>> -> memref<128x16xf32, #tpu.memory_space<vmem>>
      %dma_wait3A_134 = arith.constant 0 : i32
      %dma_wait3A_135 = tpu.memref_slice %arg7[%dma_wait3A_130, %dma_wait3A_134] : memref<8x128xi32, #tpu.memory_space<vmem>> -> memref<1x128xi32, #tpu.memory_space<vmem>>
      %dma_wait3A_136 = tpu.memref_squeeze %dma_wait3A_135 : memref<1x128xi32, #tpu.memory_space<vmem>> -> memref<128xi32, #tpu.memory_space<vmem>>
      %dma_wait3A_137 = arith.constant 0 : i32
      %dma_wait3A_138 = arith.constant 0 : i32
      %dma_wait3A_139 = tpu.memref_slice %arg5[%dma_wait3A_137, %dma_wait3A_138] : memref<100000x16xf32, #tpu.memory_space<hbm>> -> memref<100000x16xf32, #tpu.memory_space<hbm>>
      tpu.wait_indirect_dma semaphore(%arg13 : memref<!tpu.dma_semaphore, #tpu.memory_space<semaphore_mem>>) src(%dma_wait3A_139 : memref<100000x16xf32, #tpu.memory_space<hbm>>) dst(%dma_wait3A_133 : memref<128x16xf32, #tpu.memory_space<vmem>>)
      %dma_wait3A_140 = arith.constant 3 : i32
      %dma_wait3A_141 = arith.constant 384 : i32
      %dma_wait3A_142 = arith.constant 0 : i32
      %dma_wait3A_143 = tpu.memref_slice %arg10[%dma_wait3A_141, %dma_wait3A_142] : memref<1024x16xf32, #tpu.memory_space<vmem>> -> memref<128x16xf32, #tpu.memory_space<vmem>>
      %dma_wait3A_144 = arith.constant 0 : i32
      %dma_wait3A_145 = tpu.memref_slice %arg7[%dma_wait3A_140, %dma_wait3A_144] : memref<8x128xi32, #tpu.memory_space<vmem>> -> memref<1x128xi32, #tpu.memory_space<vmem>>
      %dma_wait3A_146 = tpu.memref_squeeze %dma_wait3A_145 : memref<1x128xi32, #tpu.memory_space<vmem>> -> memref<128xi32, #tpu.memory_space<vmem>>
      %dma_wait3A_147 = arith.constant 0 : i32
      %dma_wait3A_148 = arith.constant 0 : i32
      %dma_wait3A_149 = tpu.memref_slice %arg5[%dma_wait3A_147, %dma_wait3A_148] : memref<100000x16xf32, #tpu.memory_space<hbm>> -> memref<100000x16xf32, #tpu.memory_space<hbm>>
      tpu.wait_indirect_dma semaphore(%arg13 : memref<!tpu.dma_semaphore, #tpu.memory_space<semaphore_mem>>) src(%dma_wait3A_149 : memref<100000x16xf32, #tpu.memory_space<hbm>>) dst(%dma_wait3A_143 : memref<128x16xf32, #tpu.memory_space<vmem>>)
      %dma_wait3A_150 = arith.constant 4 : i32
      %dma_wait3A_151 = arith.constant 512 : i32
      %dma_wait3A_152 = arith.constant 0 : i32
      %dma_wait3A_153 = tpu.memref_slice %arg10[%dma_wait3A_151, %dma_wait3A_152] : memref<1024x16xf32, #tpu.memory_space<vmem>> -> memref<128x16xf32, #tpu.memory_space<vmem>>
      %dma_wait3A_154 = arith.constant 0 : i32
      %dma_wait3A_155 = tpu.memref_slice %arg7[%dma_wait3A_150, %dma_wait3A_154] : memref<8x128xi32, #tpu.memory_space<vmem>> -> memref<1x128xi32, #tpu.memory_space<vmem>>
      %dma_wait3A_156 = tpu.memref_squeeze %dma_wait3A_155 : memref<1x128xi32, #tpu.memory_space<vmem>> -> memref<128xi32, #tpu.memory_space<vmem>>
      %dma_wait3A_157 = arith.constant 0 : i32
      %dma_wait3A_158 = arith.constant 0 : i32
      %dma_wait3A_159 = tpu.memref_slice %arg5[%dma_wait3A_157, %dma_wait3A_158] : memref<100000x16xf32, #tpu.memory_space<hbm>> -> memref<100000x16xf32, #tpu.memory_space<hbm>>
      tpu.wait_indirect_dma semaphore(%arg13 : memref<!tpu.dma_semaphore, #tpu.memory_space<semaphore_mem>>) src(%dma_wait3A_159 : memref<100000x16xf32, #tpu.memory_space<hbm>>) dst(%dma_wait3A_153 : memref<128x16xf32, #tpu.memory_space<vmem>>)
      %dma_wait3A_160 = arith.constant 5 : i32
      %dma_wait3A_161 = arith.constant 640 : i32
      %dma_wait3A_162 = arith.constant 0 : i32
      %dma_wait3A_163 = tpu.memref_slice %arg10[%dma_wait3A_161, %dma_wait3A_162] : memref<1024x16xf32, #tpu.memory_space<vmem>> -> memref<128x16xf32, #tpu.memory_space<vmem>>
      %dma_wait3A_164 = arith.constant 0 : i32
      %dma_wait3A_165 = tpu.memref_slice %arg7[%dma_wait3A_160, %dma_wait3A_164] : memref<8x128xi32, #tpu.memory_space<vmem>> -> memref<1x128xi32, #tpu.memory_space<vmem>>
      %dma_wait3A_166 = tpu.memref_squeeze %dma_wait3A_165 : memref<1x128xi32, #tpu.memory_space<vmem>> -> memref<128xi32, #tpu.memory_space<vmem>>
      %dma_wait3A_167 = arith.constant 0 : i32
      %dma_wait3A_168 = arith.constant 0 : i32
      %dma_wait3A_169 = tpu.memref_slice %arg5[%dma_wait3A_167, %dma_wait3A_168] : memref<100000x16xf32, #tpu.memory_space<hbm>> -> memref<100000x16xf32, #tpu.memory_space<hbm>>
      tpu.wait_indirect_dma semaphore(%arg13 : memref<!tpu.dma_semaphore, #tpu.memory_space<semaphore_mem>>) src(%dma_wait3A_169 : memref<100000x16xf32, #tpu.memory_space<hbm>>) dst(%dma_wait3A_163 : memref<128x16xf32, #tpu.memory_space<vmem>>)
      %dma_wait3A_170 = arith.constant 6 : i32
      %dma_wait3A_171 = arith.constant 768 : i32
      %dma_wait3A_172 = arith.constant 0 : i32
      %dma_wait3A_173 = tpu.memref_slice %arg10[%dma_wait3A_171, %dma_wait3A_172] : memref<1024x16xf32, #tpu.memory_space<vmem>> -> memref<128x16xf32, #tpu.memory_space<vmem>>
      %dma_wait3A_174 = arith.constant 0 : i32
      %dma_wait3A_175 = tpu.memref_slice %arg7[%dma_wait3A_170, %dma_wait3A_174] : memref<8x128xi32, #tpu.memory_space<vmem>> -> memref<1x128xi32, #tpu.memory_space<vmem>>
      %dma_wait3A_176 = tpu.memref_squeeze %dma_wait3A_175 : memref<1x128xi32, #tpu.memory_space<vmem>> -> memref<128xi32, #tpu.memory_space<vmem>>
      %dma_wait3A_177 = arith.constant 0 : i32
      %dma_wait3A_178 = arith.constant 0 : i32
      %dma_wait3A_179 = tpu.memref_slice %arg5[%dma_wait3A_177, %dma_wait3A_178] : memref<100000x16xf32, #tpu.memory_space<hbm>> -> memref<100000x16xf32, #tpu.memory_space<hbm>>
      tpu.wait_indirect_dma semaphore(%arg13 : memref<!tpu.dma_semaphore, #tpu.memory_space<semaphore_mem>>) src(%dma_wait3A_179 : memref<100000x16xf32, #tpu.memory_space<hbm>>) dst(%dma_wait3A_173 : memref<128x16xf32, #tpu.memory_space<vmem>>)
      %dma_wait3A_180 = arith.constant 7 : i32
      %dma_wait3A_181 = arith.constant 896 : i32
      %dma_wait3A_182 = arith.constant 0 : i32
      %dma_wait3A_183 = tpu.memref_slice %arg10[%dma_wait3A_181, %dma_wait3A_182] : memref<1024x16xf32, #tpu.memory_space<vmem>> -> memref<128x16xf32, #tpu.memory_space<vmem>>
      %dma_wait3A_184 = arith.constant 0 : i32
      %dma_wait3A_185 = tpu.memref_slice %arg7[%dma_wait3A_180, %dma_wait3A_184] : memref<8x128xi32, #tpu.memory_space<vmem>> -> memref<1x128xi32, #tpu.memory_space<vmem>>
      %dma_wait3A_186 = tpu.memref_squeeze %dma_wait3A_185 : memref<1x128xi32, #tpu.memory_space<vmem>> -> memref<128xi32, #tpu.memory_space<vmem>>
      %dma_wait3A_187 = arith.constant 0 : i32
      %dma_wait3A_188 = arith.constant 0 : i32
      %dma_wait3A_189 = tpu.memref_slice %arg5[%dma_wait3A_187, %dma_wait3A_188] : memref<100000x16xf32, #tpu.memory_space<hbm>> -> memref<100000x16xf32, #tpu.memory_space<hbm>>
      tpu.wait_indirect_dma semaphore(%arg13 : memref<!tpu.dma_semaphore, #tpu.memory_space<semaphore_mem>>) src(%dma_wait3A_189 : memref<100000x16xf32, #tpu.memory_space<hbm>>) dst(%dma_wait3A_183 : memref<128x16xf32, #tpu.memory_space<vmem>>)
      %scan3A_190 = arith.constant 0 : i32
      %scan3A_191 = arith.constant 128 : i32
      %scan3A_192 = arith.addi %scan3A_190, %scan3A_191 : i32
      %scan3A_193 = arith.constant 1 : i32
      scf.for %scan3A_355 = %scan3A_190 to %scan3A_192 step %scan3A_193  : i32 {
        %mul3A_356 = arith.constant 8 : i32
        %mul3A_357 = arith.muli %scan3A_355, %mul3A_356 : i32
        %add3A_358 = arith.constant 0 : i32
        %add3A_359 = arith.addi %add3A_358, %mul3A_357 : i32
        %add3A_360 = arith.constant 0 : i32
        %add3A_361 = arith.addi %add3A_359, %add3A_360 : i32
        %broadcast_in_dim3A = vector.broadcast %add3A_361 : i32 to vector<16xi32>
        %gather3A = tpu.vector_load_idx %arg9[%broadcast_in_dim3A] : memref<1024xf32, #tpu.memory_space<vmem>>[vector<16xi32>], vector<16xf32>,
        %get3A = arith.index_cast %add3A_361 : i32 to index
        %get3A_362 = arith.constant 0 : index
        %get3A_363 = tpu.vector_load %arg10[%get3A, %get3A_362] {strides = array<i32>} : memref<1024x16xf32, #tpu.memory_space<vmem>>, vector<16xf32>,
        %mul3A_364 = arith.mulf %get3A_363, %gather3A : vector<16xf32>
        %swap3A = arith.index_cast %add3A_361 : i32 to index
        %swap3A_365 = arith.constant 0 : index
        %swap3A_366 = tpu.vector_load %arg10[%swap3A, %swap3A_365] {strides = array<i32>} : memref<1024x16xf32, #tpu.memory_space<vmem>>, vector<16xf32>,
        tpu.vector_store %arg10[%swap3A, %swap3A_365], %mul3A_364 {strides = array<i32>} : memref<1024x16xf32, #tpu.memory_space<vmem>>, vector<16xf32>,
        %add3A_367 = arith.constant 1 : i32
        %add3A_368 = arith.addi %add3A_359, %add3A_367 : i32
        %broadcast_in_dim3A_369 = vector.broadcast %add3A_368 : i32 to vector<16xi32>
        %gather3A_370 = tpu.vector_load_idx %arg9[%broadcast_in_dim3A_369] : memref<1024xf32, #tpu.memory_space<vmem>>[vector<16xi32>], vector<16xf32>,
        %get3A_371 = arith.index_cast %add3A_368 : i32 to index
        %get3A_372 = arith.constant 0 : index
        %get3A_373 = tpu.vector_load %arg10[%get3A_371, %get3A_372] {strides = array<i32>} : memref<1024x16xf32, #tpu.memory_space<vmem>>, vector<16xf32>,
        %mul3A_374 = arith.mulf %get3A_373, %gather3A_370 : vector<16xf32>
        %swap3A_375 = arith.index_cast %add3A_368 : i32 to index
        %swap3A_376 = arith.constant 0 : index
        %swap3A_377 = tpu.vector_load %arg10[%swap3A_375, %swap3A_376] {strides = array<i32>} : memref<1024x16xf32, #tpu.memory_space<vmem>>, vector<16xf32>,
        tpu.vector_store %arg10[%swap3A_375, %swap3A_376], %mul3A_374 {strides = array<i32>} : memref<1024x16xf32, #tpu.memory_space<vmem>>, vector<16xf32>,
        %add3A_378 = arith.constant 2 : i32
        %add3A_379 = arith.addi %add3A_359, %add3A_378 : i32
        %broadcast_in_dim3A_380 = vector.broadcast %add3A_379 : i32 to vector<16xi32>
        %gather3A_381 = tpu.vector_load_idx %arg9[%broadcast_in_dim3A_380] : memref<1024xf32, #tpu.memory_space<vmem>>[vector<16xi32>], vector<16xf32>,
        %get3A_382 = arith.index_cast %add3A_379 : i32 to index
        %get3A_383 = arith.constant 0 : index
        %get3A_384 = tpu.vector_load %arg10[%get3A_382, %get3A_383] {strides = array<i32>} : memref<1024x16xf32, #tpu.memory_space<vmem>>, vector<16xf32>,
        %mul3A_385 = arith.mulf %get3A_384, %gather3A_381 : vector<16xf32>
        %swap3A_386 = arith.index_cast %add3A_379 : i32 to index
        %swap3A_387 = arith.constant 0 : index
        %swap3A_388 = tpu.vector_load %arg10[%swap3A_386, %swap3A_387] {strides = array<i32>} : memref<1024x16xf32, #tpu.memory_space<vmem>>, vector<16xf32>,
        tpu.vector_store %arg10[%swap3A_386, %swap3A_387], %mul3A_385 {strides = array<i32>} : memref<1024x16xf32, #tpu.memory_space<vmem>>, vector<16xf32>,
        %add3A_389 = arith.constant 3 : i32
        %add3A_390 = arith.addi %add3A_359, %add3A_389 : i32
        %broadcast_in_dim3A_391 = vector.broadcast %add3A_390 : i32 to vector<16xi32>
        %gather3A_392 = tpu.vector_load_idx %arg9[%broadcast_in_dim3A_391] : memref<1024xf32, #tpu.memory_space<vmem>>[vector<16xi32>], vector<16xf32>,
        %get3A_393 = arith.index_cast %add3A_390 : i32 to index
        %get3A_394 = arith.constant 0 : index
        %get3A_395 = tpu.vector_load %arg10[%get3A_393, %get3A_394] {strides = array<i32>} : memref<1024x16xf32, #tpu.memory_space<vmem>>, vector<16xf32>,
        %mul3A_396 = arith.mulf %get3A_395, %gather3A_392 : vector<16xf32>
        %swap3A_397 = arith.index_cast %add3A_390 : i32 to index
        %swap3A_398 = arith.constant 0 : index
        %swap3A_399 = tpu.vector_load %arg10[%swap3A_397, %swap3A_398] {strides = array<i32>} : memref<1024x16xf32, #tpu.memory_space<vmem>>, vector<16xf32>,
        tpu.vector_store %arg10[%swap3A_397, %swap3A_398], %mul3A_396 {strides = array<i32>} : memref<1024x16xf32, #tpu.memory_space<vmem>>, vector<16xf32>,
        %add3A_400 = arith.constant 4 : i32
        %add3A_401 = arith.addi %add3A_359, %add3A_400 : i32
        %broadcast_in_dim3A_402 = vector.broadcast %add3A_401 : i32 to vector<16xi32>
        %gather3A_403 = tpu.vector_load_idx %arg9[%broadcast_in_dim3A_402] : memref<1024xf32, #tpu.memory_space<vmem>>[vector<16xi32>], vector<16xf32>,
        %get3A_404 = arith.index_cast %add3A_401 : i32 to index
        %get3A_405 = arith.constant 0 : index
        %get3A_406 = tpu.vector_load %arg10[%get3A_404, %get3A_405] {strides = array<i32>} : memref<1024x16xf32, #tpu.memory_space<vmem>>, vector<16xf32>,
        %mul3A_407 = arith.mulf %get3A_406, %gather3A_403 : vector<16xf32>
        %swap3A_408 = arith.index_cast %add3A_401 : i32 to index
        %swap3A_409 = arith.constant 0 : index
        %swap3A_410 = tpu.vector_load %arg10[%swap3A_408, %swap3A_409] {strides = array<i32>} : memref<1024x16xf32, #tpu.memory_space<vmem>>, vector<16xf32>,
        tpu.vector_store %arg10[%swap3A_408, %swap3A_409], %mul3A_407 {strides = array<i32>} : memref<1024x16xf32, #tpu.memory_space<vmem>>, vector<16xf32>,
        %add3A_411 = arith.constant 5 : i32
        %add3A_412 = arith.addi %add3A_359, %add3A_411 : i32
        %broadcast_in_dim3A_413 = vector.broadcast %add3A_412 : i32 to vector<16xi32>
        %gather3A_414 = tpu.vector_load_idx %arg9[%broadcast_in_dim3A_413] : memref<1024xf32, #tpu.memory_space<vmem>>[vector<16xi32>], vector<16xf32>,
        %get3A_415 = arith.index_cast %add3A_412 : i32 to index
        %get3A_416 = arith.constant 0 : index
        %get3A_417 = tpu.vector_load %arg10[%get3A_415, %get3A_416] {strides = array<i32>} : memref<1024x16xf32, #tpu.memory_space<vmem>>, vector<16xf32>,
        %mul3A_418 = arith.mulf %get3A_417, %gather3A_414 : vector<16xf32>
        %swap3A_419 = arith.index_cast %add3A_412 : i32 to index
        %swap3A_420 = arith.constant 0 : index
        %swap3A_421 = tpu.vector_load %arg10[%swap3A_419, %swap3A_420] {strides = array<i32>} : memref<1024x16xf32, #tpu.memory_space<vmem>>, vector<16xf32>,
        tpu.vector_store %arg10[%swap3A_419, %swap3A_420], %mul3A_418 {strides = array<i32>} : memref<1024x16xf32, #tpu.memory_space<vmem>>, vector<16xf32>,
        %add3A_422 = arith.constant 6 : i32
        %add3A_423 = arith.addi %add3A_359, %add3A_422 : i32
        %broadcast_in_dim3A_424 = vector.broadcast %add3A_423 : i32 to vector<16xi32>
        %gather3A_425 = tpu.vector_load_idx %arg9[%broadcast_in_dim3A_424] : memref<1024xf32, #tpu.memory_space<vmem>>[vector<16xi32>], vector<16xf32>,
        %get3A_426 = arith.index_cast %add3A_423 : i32 to index
        %get3A_427 = arith.constant 0 : index
        %get3A_428 = tpu.vector_load %arg10[%get3A_426, %get3A_427] {strides = array<i32>} : memref<1024x16xf32, #tpu.memory_space<vmem>>, vector<16xf32>,
        %mul3A_429 = arith.mulf %get3A_428, %gather3A_425 : vector<16xf32>
        %swap3A_430 = arith.index_cast %add3A_423 : i32 to index
        %swap3A_431 = arith.constant 0 : index
        %swap3A_432 = tpu.vector_load %arg10[%swap3A_430, %swap3A_431] {strides = array<i32>} : memref<1024x16xf32, #tpu.memory_space<vmem>>, vector<16xf32>,
        tpu.vector_store %arg10[%swap3A_430, %swap3A_431], %mul3A_429 {strides = array<i32>} : memref<1024x16xf32, #tpu.memory_space<vmem>>, vector<16xf32>,
        %add3A_433 = arith.constant 7 : i32
        %add3A_434 = arith.addi %add3A_359, %add3A_433 : i32
        %broadcast_in_dim3A_435 = vector.broadcast %add3A_434 : i32 to vector<16xi32>
        %gather3A_436 = tpu.vector_load_idx %arg9[%broadcast_in_dim3A_435] : memref<1024xf32, #tpu.memory_space<vmem>>[vector<16xi32>], vector<16xf32>,
        %get3A_437 = arith.index_cast %add3A_434 : i32 to index
        %get3A_438 = arith.constant 0 : index
        %get3A_439 = tpu.vector_load %arg10[%get3A_437, %get3A_438] {strides = array<i32>} : memref<1024x16xf32, #tpu.memory_space<vmem>>, vector<16xf32>,
        %mul3A_440 = arith.mulf %get3A_439, %gather3A_436 : vector<16xf32>
        %swap3A_441 = arith.index_cast %add3A_434 : i32 to index
        %swap3A_442 = arith.constant 0 : index
        %swap3A_443 = tpu.vector_load %arg10[%swap3A_441, %swap3A_442] {strides = array<i32>} : memref<1024x16xf32, #tpu.memory_space<vmem>>, vector<16xf32>,
        tpu.vector_store %arg10[%swap3A_441, %swap3A_442], %mul3A_440 {strides = array<i32>} : memref<1024x16xf32, #tpu.memory_space<vmem>>, vector<16xf32>,
      }
      %scan3A_194 = arith.constant 128 : i32
      %dma_start3A_195 = arith.constant 0 : i32
      %dma_start3A_196 = arith.constant 0 : i32
      %dma_start3A_197 = arith.constant 0 : i32
      %dma_start3A_198 = tpu.memref_slice %arg10[%dma_start3A_196, %dma_start3A_197] : memref<1024x16xf32, #tpu.memory_space<vmem>> -> memref<128x16xf32, #tpu.memory_space<vmem>>
      %dma_start3A_199 = arith.constant 0 : i32
      %dma_start3A_200 = tpu.memref_slice %arg8[%dma_start3A_195, %dma_start3A_199] : memref<8x128xi32, #tpu.memory_space<vmem>> -> memref<1x128xi32, #tpu.memory_space<vmem>>
      %dma_start3A_201 = tpu.memref_squeeze %dma_start3A_200 : memref<1x128xi32, #tpu.memory_space<vmem>> -> memref<128xi32, #tpu.memory_space<vmem>>
      %dma_start3A_202 = arith.constant 0 : i32
      %dma_start3A_203 = arith.constant 0 : i32
      %dma_start3A_204 = tpu.memref_slice %arg12[%dma_start3A_202, %dma_start3A_203] : memref<100096x16xf32, #tpu.memory_space<vmem_shared>> -> memref<100096x16xf32, #tpu.memory_space<vmem_shared>>
      tpu.enqueue_indirect_dma source(%dma_start3A_198 : memref<128x16xf32, #tpu.memory_space<vmem>>) target(%dma_start3A_204 : memref<100096x16xf32, #tpu.memory_space<vmem_shared>>) offsets(%dma_start3A_201 : memref<128xi32, #tpu.memory_space<vmem>>) semaphore(%arg14 : memref<!tpu.dma_semaphore, #tpu.memory_space<semaphore_mem>>) {add = true}
      %dma_start3A_205 = arith.constant 1 : i32
      %dma_start3A_206 = arith.constant 128 : i32
      %dma_start3A_207 = arith.constant 0 : i32
      %dma_start3A_208 = tpu.memref_slice %arg10[%dma_start3A_206, %dma_start3A_207] : memref<1024x16xf32, #tpu.memory_space<vmem>> -> memref<128x16xf32, #tpu.memory_space<vmem>>
      %dma_start3A_209 = arith.constant 0 : i32
      %dma_start3A_210 = tpu.memref_slice %arg8[%dma_start3A_205, %dma_start3A_209] : memref<8x128xi32, #tpu.memory_space<vmem>> -> memref<1x128xi32, #tpu.memory_space<vmem>>
      %dma_start3A_211 = tpu.memref_squeeze %dma_start3A_210 : memref<1x128xi32, #tpu.memory_space<vmem>> -> memref<128xi32, #tpu.memory_space<vmem>>
      %dma_start3A_212 = arith.constant 0 : i32
      %dma_start3A_213 = arith.constant 0 : i32
      %dma_start3A_214 = tpu.memref_slice %arg12[%dma_start3A_212, %dma_start3A_213] : memref<100096x16xf32, #tpu.memory_space<vmem_shared>> -> memref<100096x16xf32, #tpu.memory_space<vmem_shared>>
      tpu.enqueue_indirect_dma source(%dma_start3A_208 : memref<128x16xf32, #tpu.memory_space<vmem>>) target(%dma_start3A_214 : memref<100096x16xf32, #tpu.memory_space<vmem_shared>>) offsets(%dma_start3A_211 : memref<128xi32, #tpu.memory_space<vmem>>) semaphore(%arg14 : memref<!tpu.dma_semaphore, #tpu.memory_space<semaphore_mem>>) {add = true}
      %dma_start3A_215 = arith.constant 2 : i32
      %dma_start3A_216 = arith.constant 256 : i32
      %dma_start3A_217 = arith.constant 0 : i32
      %dma_start3A_218 = tpu.memref_slice %arg10[%dma_start3A_216, %dma_start3A_217] : memref<1024x16xf32, #tpu.memory_space<vmem>> -> memref<128x16xf32, #tpu.memory_space<vmem>>
      %dma_start3A_219 = arith.constant 0 : i32
      %dma_start3A_220 = tpu.memref_slice %arg8[%dma_start3A_215, %dma_start3A_219] : memref<8x128xi32, #tpu.memory_space<vmem>> -> memref<1x128xi32, #tpu.memory_space<vmem>>
      %dma_start3A_221 = tpu.memref_squeeze %dma_start3A_220 : memref<1x128xi32, #tpu.memory_space<vmem>> -> memref<128xi32, #tpu.memory_space<vmem>>
      %dma_start3A_222 = arith.constant 0 : i32
      %dma_start3A_223 = arith.constant 0 : i32
      %dma_start3A_224 = tpu.memref_slice %arg12[%dma_start3A_222, %dma_start3A_223] : memref<100096x16xf32, #tpu.memory_space<vmem_shared>> -> memref<100096x16xf32, #tpu.memory_space<vmem_shared>>
      tpu.enqueue_indirect_dma source(%dma_start3A_218 : memref<128x16xf32, #tpu.memory_space<vmem>>) target(%dma_start3A_224 : memref<100096x16xf32, #tpu.memory_space<vmem_shared>>) offsets(%dma_start3A_221 : memref<128xi32, #tpu.memory_space<vmem>>) semaphore(%arg14 : memref<!tpu.dma_semaphore, #tpu.memory_space<semaphore_mem>>) {add = true}
      %dma_start3A_225 = arith.constant 3 : i32
      %dma_start3A_226 = arith.constant 384 : i32
      %dma_start3A_227 = arith.constant 0 : i32
      %dma_start3A_228 = tpu.memref_slice %arg10[%dma_start3A_226, %dma_start3A_227] : memref<1024x16xf32, #tpu.memory_space<vmem>> -> memref<128x16xf32, #tpu.memory_space<vmem>>
      %dma_start3A_229 = arith.constant 0 : i32
      %dma_start3A_230 = tpu.memref_slice %arg8[%dma_start3A_225, %dma_start3A_229] : memref<8x128xi32, #tpu.memory_space<vmem>> -> memref<1x128xi32, #tpu.memory_space<vmem>>
      %dma_start3A_231 = tpu.memref_squeeze %dma_start3A_230 : memref<1x128xi32, #tpu.memory_space<vmem>> -> memref<128xi32, #tpu.memory_space<vmem>>
      %dma_start3A_232 = arith.constant 0 : i32
      %dma_start3A_233 = arith.constant 0 : i32
      %dma_start3A_234 = tpu.memref_slice %arg12[%dma_start3A_232, %dma_start3A_233] : memref<100096x16xf32, #tpu.memory_space<vmem_shared>> -> memref<100096x16xf32, #tpu.memory_space<vmem_shared>>
      tpu.enqueue_indirect_dma source(%dma_start3A_228 : memref<128x16xf32, #tpu.memory_space<vmem>>) target(%dma_start3A_234 : memref<100096x16xf32, #tpu.memory_space<vmem_shared>>) offsets(%dma_start3A_231 : memref<128xi32, #tpu.memory_space<vmem>>) semaphore(%arg14 : memref<!tpu.dma_semaphore, #tpu.memory_space<semaphore_mem>>) {add = true}
      %dma_start3A_235 = arith.constant 4 : i32
      %dma_start3A_236 = arith.constant 512 : i32
      %dma_start3A_237 = arith.constant 0 : i32
      %dma_start3A_238 = tpu.memref_slice %arg10[%dma_start3A_236, %dma_start3A_237] : memref<1024x16xf32, #tpu.memory_space<vmem>> -> memref<128x16xf32, #tpu.memory_space<vmem>>
      %dma_start3A_239 = arith.constant 0 : i32
      %dma_start3A_240 = tpu.memref_slice %arg8[%dma_start3A_235, %dma_start3A_239] : memref<8x128xi32, #tpu.memory_space<vmem>> -> memref<1x128xi32, #tpu.memory_space<vmem>>
      %dma_start3A_241 = tpu.memref_squeeze %dma_start3A_240 : memref<1x128xi32, #tpu.memory_space<vmem>> -> memref<128xi32, #tpu.memory_space<vmem>>
      %dma_start3A_242 = arith.constant 0 : i32
      %dma_start3A_243 = arith.constant 0 : i32
      %dma_start3A_244 = tpu.memref_slice %arg12[%dma_start3A_242, %dma_start3A_243] : memref<100096x16xf32, #tpu.memory_space<vmem_shared>> -> memref<100096x16xf32, #tpu.memory_space<vmem_shared>>
      tpu.enqueue_indirect_dma source(%dma_start3A_238 : memref<128x16xf32, #tpu.memory_space<vmem>>) target(%dma_start3A_244 : memref<100096x16xf32, #tpu.memory_space<vmem_shared>>) offsets(%dma_start3A_241 : memref<128xi32, #tpu.memory_space<vmem>>) semaphore(%arg14 : memref<!tpu.dma_semaphore, #tpu.memory_space<semaphore_mem>>) {add = true}
      %dma_start3A_245 = arith.constant 5 : i32
      %dma_start3A_246 = arith.constant 640 : i32
      %dma_start3A_247 = arith.constant 0 : i32
      %dma_start3A_248 = tpu.memref_slice %arg10[%dma_start3A_246, %dma_start3A_247] : memref<1024x16xf32, #tpu.memory_space<vmem>> -> memref<128x16xf32, #tpu.memory_space<vmem>>
      %dma_start3A_249 = arith.constant 0 : i32
      %dma_start3A_250 = tpu.memref_slice %arg8[%dma_start3A_245, %dma_start3A_249] : memref<8x128xi32, #tpu.memory_space<vmem>> -> memref<1x128xi32, #tpu.memory_space<vmem>>
      %dma_start3A_251 = tpu.memref_squeeze %dma_start3A_250 : memref<1x128xi32, #tpu.memory_space<vmem>> -> memref<128xi32, #tpu.memory_space<vmem>>
      %dma_start3A_252 = arith.constant 0 : i32
      %dma_start3A_253 = arith.constant 0 : i32
      %dma_start3A_254 = tpu.memref_slice %arg12[%dma_start3A_252, %dma_start3A_253] : memref<100096x16xf32, #tpu.memory_space<vmem_shared>> -> memref<100096x16xf32, #tpu.memory_space<vmem_shared>>
      tpu.enqueue_indirect_dma source(%dma_start3A_248 : memref<128x16xf32, #tpu.memory_space<vmem>>) target(%dma_start3A_254 : memref<100096x16xf32, #tpu.memory_space<vmem_shared>>) offsets(%dma_start3A_251 : memref<128xi32, #tpu.memory_space<vmem>>) semaphore(%arg14 : memref<!tpu.dma_semaphore, #tpu.memory_space<semaphore_mem>>) {add = true}
      %dma_start3A_255 = arith.constant 6 : i32
      %dma_start3A_256 = arith.constant 768 : i32
      %dma_start3A_257 = arith.constant 0 : i32
      %dma_start3A_258 = tpu.memref_slice %arg10[%dma_start3A_256, %dma_start3A_257] : memref<1024x16xf32, #tpu.memory_space<vmem>> -> memref<128x16xf32, #tpu.memory_space<vmem>>
      %dma_start3A_259 = arith.constant 0 : i32
      %dma_start3A_260 = tpu.memref_slice %arg8[%dma_start3A_255, %dma_start3A_259] : memref<8x128xi32, #tpu.memory_space<vmem>> -> memref<1x128xi32, #tpu.memory_space<vmem>>
      %dma_start3A_261 = tpu.memref_squeeze %dma_start3A_260 : memref<1x128xi32, #tpu.memory_space<vmem>> -> memref<128xi32, #tpu.memory_space<vmem>>
      %dma_start3A_262 = arith.constant 0 : i32
      %dma_start3A_263 = arith.constant 0 : i32
      %dma_start3A_264 = tpu.memref_slice %arg12[%dma_start3A_262, %dma_start3A_263] : memref<100096x16xf32, #tpu.memory_space<vmem_shared>> -> memref<100096x16xf32, #tpu.memory_space<vmem_shared>>
      tpu.enqueue_indirect_dma source(%dma_start3A_258 : memref<128x16xf32, #tpu.memory_space<vmem>>) target(%dma_start3A_264 : memref<100096x16xf32, #tpu.memory_space<vmem_shared>>) offsets(%dma_start3A_261 : memref<128xi32, #tpu.memory_space<vmem>>) semaphore(%arg14 : memref<!tpu.dma_semaphore, #tpu.memory_space<semaphore_mem>>) {add = true}
      %dma_start3A_265 = arith.constant 7 : i32
      %dma_start3A_266 = arith.constant 896 : i32
      %dma_start3A_267 = arith.constant 0 : i32
      %dma_start3A_268 = tpu.memref_slice %arg10[%dma_start3A_266, %dma_start3A_267] : memref<1024x16xf32, #tpu.memory_space<vmem>> -> memref<128x16xf32, #tpu.memory_space<vmem>>
      %dma_start3A_269 = arith.constant 0 : i32
      %dma_start3A_270 = tpu.memref_slice %arg8[%dma_start3A_265, %dma_start3A_269] : memref<8x128xi32, #tpu.memory_space<vmem>> -> memref<1x128xi32, #tpu.memory_space<vmem>>
      %dma_start3A_271 = tpu.memref_squeeze %dma_start3A_270 : memref<1x128xi32, #tpu.memory_space<vmem>> -> memref<128xi32, #tpu.memory_space<vmem>>
      %dma_start3A_272 = arith.constant 0 : i32
      %dma_start3A_273 = arith.constant 0 : i32
      %dma_start3A_274 = tpu.memref_slice %arg12[%dma_start3A_272, %dma_start3A_273] : memref<100096x16xf32, #tpu.memory_space<vmem_shared>> -> memref<100096x16xf32, #tpu.memory_space<vmem_shared>>
      tpu.enqueue_indirect_dma source(%dma_start3A_268 : memref<128x16xf32, #tpu.memory_space<vmem>>) target(%dma_start3A_274 : memref<100096x16xf32, #tpu.memory_space<vmem_shared>>) offsets(%dma_start3A_271 : memref<128xi32, #tpu.memory_space<vmem>>) semaphore(%arg14 : memref<!tpu.dma_semaphore, #tpu.memory_space<semaphore_mem>>) {add = true}
      %dma_wait3A_275 = arith.constant 0 : i32
      %dma_wait3A_276 = arith.constant 0 : i32
      %dma_wait3A_277 = arith.constant 0 : i32
      %dma_wait3A_278 = tpu.memref_slice %arg10[%dma_wait3A_276, %dma_wait3A_277] : memref<1024x16xf32, #tpu.memory_space<vmem>> -> memref<128x16xf32, #tpu.memory_space<vmem>>
      %dma_wait3A_279 = arith.constant 0 : i32
      %dma_wait3A_280 = tpu.memref_slice %arg8[%dma_wait3A_275, %dma_wait3A_279] : memref<8x128xi32, #tpu.memory_space<vmem>> -> memref<1x128xi32, #tpu.memory_space<vmem>>
      %dma_wait3A_281 = tpu.memref_squeeze %dma_wait3A_280 : memref<1x128xi32, #tpu.memory_space<vmem>> -> memref<128xi32, #tpu.memory_space<vmem>>
      %dma_wait3A_282 = arith.constant 0 : i32
      %dma_wait3A_283 = arith.constant 0 : i32
      %dma_wait3A_284 = tpu.memref_slice %arg12[%dma_wait3A_282, %dma_wait3A_283] : memref<100096x16xf32, #tpu.memory_space<vmem_shared>> -> memref<100096x16xf32, #tpu.memory_space<vmem_shared>>
      tpu.wait_indirect_dma semaphore(%arg14 : memref<!tpu.dma_semaphore, #tpu.memory_space<semaphore_mem>>) src(%dma_wait3A_278 : memref<128x16xf32, #tpu.memory_space<vmem>>) dst(%dma_wait3A_284 : memref<100096x16xf32, #tpu.memory_space<vmem_shared>>)
      %dma_wait3A_285 = arith.constant 1 : i32
      %dma_wait3A_286 = arith.constant 128 : i32
      %dma_wait3A_287 = arith.constant 0 : i32
      %dma_wait3A_288 = tpu.memref_slice %arg10[%dma_wait3A_286, %dma_wait3A_287] : memref<1024x16xf32, #tpu.memory_space<vmem>> -> memref<128x16xf32, #tpu.memory_space<vmem>>
      %dma_wait3A_289 = arith.constant 0 : i32
      %dma_wait3A_290 = tpu.memref_slice %arg8[%dma_wait3A_285, %dma_wait3A_289] : memref<8x128xi32, #tpu.memory_space<vmem>> -> memref<1x128xi32, #tpu.memory_space<vmem>>
      %dma_wait3A_291 = tpu.memref_squeeze %dma_wait3A_290 : memref<1x128xi32, #tpu.memory_space<vmem>> -> memref<128xi32, #tpu.memory_space<vmem>>
      %dma_wait3A_292 = arith.constant 0 : i32
      %dma_wait3A_293 = arith.constant 0 : i32
      %dma_wait3A_294 = tpu.memref_slice %arg12[%dma_wait3A_292, %dma_wait3A_293] : memref<100096x16xf32, #tpu.memory_space<vmem_shared>> -> memref<100096x16xf32, #tpu.memory_space<vmem_shared>>
      tpu.wait_indirect_dma semaphore(%arg14 : memref<!tpu.dma_semaphore, #tpu.memory_space<semaphore_mem>>) src(%dma_wait3A_288 : memref<128x16xf32, #tpu.memory_space<vmem>>) dst(%dma_wait3A_294 : memref<100096x16xf32, #tpu.memory_space<vmem_shared>>)
      %dma_wait3A_295 = arith.constant 2 : i32
      %dma_wait3A_296 = arith.constant 256 : i32
      %dma_wait3A_297 = arith.constant 0 : i32
      %dma_wait3A_298 = tpu.memref_slice %arg10[%dma_wait3A_296, %dma_wait3A_297] : memref<1024x16xf32, #tpu.memory_space<vmem>> -> memref<128x16xf32, #tpu.memory_space<vmem>>
      %dma_wait3A_299 = arith.constant 0 : i32
      %dma_wait3A_300 = tpu.memref_slice %arg8[%dma_wait3A_295, %dma_wait3A_299] : memref<8x128xi32, #tpu.memory_space<vmem>> -> memref<1x128xi32, #tpu.memory_space<vmem>>
      %dma_wait3A_301 = tpu.memref_squeeze %dma_wait3A_300 : memref<1x128xi32, #tpu.memory_space<vmem>> -> memref<128xi32, #tpu.memory_space<vmem>>
      %dma_wait3A_302 = arith.constant 0 : i32
      %dma_wait3A_303 = arith.constant 0 : i32
      %dma_wait3A_304 = tpu.memref_slice %arg12[%dma_wait3A_302, %dma_wait3A_303] : memref<100096x16xf32, #tpu.memory_space<vmem_shared>> -> memref<100096x16xf32, #tpu.memory_space<vmem_shared>>
      tpu.wait_indirect_dma semaphore(%arg14 : memref<!tpu.dma_semaphore, #tpu.memory_space<semaphore_mem>>) src(%dma_wait3A_298 : memref<128x16xf32, #tpu.memory_space<vmem>>) dst(%dma_wait3A_304 : memref<100096x16xf32, #tpu.memory_space<vmem_shared>>)
      %dma_wait3A_305 = arith.constant 3 : i32
      %dma_wait3A_306 = arith.constant 384 : i32
      %dma_wait3A_307 = arith.constant 0 : i32
      %dma_wait3A_308 = tpu.memref_slice %arg10[%dma_wait3A_306, %dma_wait3A_307] : memref<1024x16xf32, #tpu.memory_space<vmem>> -> memref<128x16xf32, #tpu.memory_space<vmem>>
      %dma_wait3A_309 = arith.constant 0 : i32
      %dma_wait3A_310 = tpu.memref_slice %arg8[%dma_wait3A_305, %dma_wait3A_309] : memref<8x128xi32, #tpu.memory_space<vmem>> -> memref<1x128xi32, #tpu.memory_space<vmem>>
      %dma_wait3A_311 = tpu.memref_squeeze %dma_wait3A_310 : memref<1x128xi32, #tpu.memory_space<vmem>> -> memref<128xi32, #tpu.memory_space<vmem>>
      %dma_wait3A_312 = arith.constant 0 : i32
      %dma_wait3A_313 = arith.constant 0 : i32
      %dma_wait3A_314 = tpu.memref_slice %arg12[%dma_wait3A_312, %dma_wait3A_313] : memref<100096x16xf32, #tpu.memory_space<vmem_shared>> -> memref<100096x16xf32, #tpu.memory_space<vmem_shared>>
      tpu.wait_indirect_dma semaphore(%arg14 : memref<!tpu.dma_semaphore, #tpu.memory_space<semaphore_mem>>) src(%dma_wait3A_308 : memref<128x16xf32, #tpu.memory_space<vmem>>) dst(%dma_wait3A_314 : memref<100096x16xf32, #tpu.memory_space<vmem_shared>>)
      %dma_wait3A_315 = arith.constant 4 : i32
      %dma_wait3A_316 = arith.constant 512 : i32
      %dma_wait3A_317 = arith.constant 0 : i32
      %dma_wait3A_318 = tpu.memref_slice %arg10[%dma_wait3A_316, %dma_wait3A_317] : memref<1024x16xf32, #tpu.memory_space<vmem>> -> memref<128x16xf32, #tpu.memory_space<vmem>>
      %dma_wait3A_319 = arith.constant 0 : i32
      %dma_wait3A_320 = tpu.memref_slice %arg8[%dma_wait3A_315, %dma_wait3A_319] : memref<8x128xi32, #tpu.memory_space<vmem>> -> memref<1x128xi32, #tpu.memory_space<vmem>>
      %dma_wait3A_321 = tpu.memref_squeeze %dma_wait3A_320 : memref<1x128xi32, #tpu.memory_space<vmem>> -> memref<128xi32, #tpu.memory_space<vmem>>
      %dma_wait3A_322 = arith.constant 0 : i32
      %dma_wait3A_323 = arith.constant 0 : i32
      %dma_wait3A_324 = tpu.memref_slice %arg12[%dma_wait3A_322, %dma_wait3A_323] : memref<100096x16xf32, #tpu.memory_space<vmem_shared>> -> memref<100096x16xf32, #tpu.memory_space<vmem_shared>>
      tpu.wait_indirect_dma semaphore(%arg14 : memref<!tpu.dma_semaphore, #tpu.memory_space<semaphore_mem>>) src(%dma_wait3A_318 : memref<128x16xf32, #tpu.memory_space<vmem>>) dst(%dma_wait3A_324 : memref<100096x16xf32, #tpu.memory_space<vmem_shared>>)
      %dma_wait3A_325 = arith.constant 5 : i32
      %dma_wait3A_326 = arith.constant 640 : i32
      %dma_wait3A_327 = arith.constant 0 : i32
      %dma_wait3A_328 = tpu.memref_slice %arg10[%dma_wait3A_326, %dma_wait3A_327] : memref<1024x16xf32, #tpu.memory_space<vmem>> -> memref<128x16xf32, #tpu.memory_space<vmem>>
      %dma_wait3A_329 = arith.constant 0 : i32
      %dma_wait3A_330 = tpu.memref_slice %arg8[%dma_wait3A_325, %dma_wait3A_329] : memref<8x128xi32, #tpu.memory_space<vmem>> -> memref<1x128xi32, #tpu.memory_space<vmem>>
      %dma_wait3A_331 = tpu.memref_squeeze %dma_wait3A_330 : memref<1x128xi32, #tpu.memory_space<vmem>> -> memref<128xi32, #tpu.memory_space<vmem>>
      %dma_wait3A_332 = arith.constant 0 : i32
      %dma_wait3A_333 = arith.constant 0 : i32
      %dma_wait3A_334 = tpu.memref_slice %arg12[%dma_wait3A_332, %dma_wait3A_333] : memref<100096x16xf32, #tpu.memory_space<vmem_shared>> -> memref<100096x16xf32, #tpu.memory_space<vmem_shared>>
      tpu.wait_indirect_dma semaphore(%arg14 : memref<!tpu.dma_semaphore, #tpu.memory_space<semaphore_mem>>) src(%dma_wait3A_328 : memref<128x16xf32, #tpu.memory_space<vmem>>) dst(%dma_wait3A_334 : memref<100096x16xf32, #tpu.memory_space<vmem_shared>>)
      %dma_wait3A_335 = arith.constant 6 : i32
      %dma_wait3A_336 = arith.constant 768 : i32
      %dma_wait3A_337 = arith.constant 0 : i32
      %dma_wait3A_338 = tpu.memref_slice %arg10[%dma_wait3A_336, %dma_wait3A_337] : memref<1024x16xf32, #tpu.memory_space<vmem>> -> memref<128x16xf32, #tpu.memory_space<vmem>>
      %dma_wait3A_339 = arith.constant 0 : i32
      %dma_wait3A_340 = tpu.memref_slice %arg8[%dma_wait3A_335, %dma_wait3A_339] : memref<8x128xi32, #tpu.memory_space<vmem>> -> memref<1x128xi32, #tpu.memory_space<vmem>>
      %dma_wait3A_341 = tpu.memref_squeeze %dma_wait3A_340 : memref<1x128xi32, #tpu.memory_space<vmem>> -> memref<128xi32, #tpu.memory_space<vmem>>
      %dma_wait3A_342 = arith.constant 0 : i32
      %dma_wait3A_343 = arith.constant 0 : i32
      %dma_wait3A_344 = tpu.memref_slice %arg12[%dma_wait3A_342, %dma_wait3A_343] : memref<100096x16xf32, #tpu.memory_space<vmem_shared>> -> memref<100096x16xf32, #tpu.memory_space<vmem_shared>>
      tpu.wait_indirect_dma semaphore(%arg14 : memref<!tpu.dma_semaphore, #tpu.memory_space<semaphore_mem>>) src(%dma_wait3A_338 : memref<128x16xf32, #tpu.memory_space<vmem>>) dst(%dma_wait3A_344 : memref<100096x16xf32, #tpu.memory_space<vmem_shared>>)
      %dma_wait3A_345 = arith.constant 7 : i32
      %dma_wait3A_346 = arith.constant 896 : i32
      %dma_wait3A_347 = arith.constant 0 : i32
      %dma_wait3A_348 = tpu.memref_slice %arg10[%dma_wait3A_346, %dma_wait3A_347] : memref<1024x16xf32, #tpu.memory_space<vmem>> -> memref<128x16xf32, #tpu.memory_space<vmem>>
      %dma_wait3A_349 = arith.constant 0 : i32
      %dma_wait3A_350 = tpu.memref_slice %arg8[%dma_wait3A_345, %dma_wait3A_349] : memref<8x128xi32, #tpu.memory_space<vmem>> -> memref<1x128xi32, #tpu.memory_space<vmem>>
      %dma_wait3A_351 = tpu.memref_squeeze %dma_wait3A_350 : memref<1x128xi32, #tpu.memory_space<vmem>> -> memref<128xi32, #tpu.memory_space<vmem>>
      %dma_wait3A_352 = arith.constant 0 : i32
      %dma_wait3A_353 = arith.constant 0 : i32
      %dma_wait3A_354 = tpu.memref_slice %arg12[%dma_wait3A_352, %dma_wait3A_353] : memref<100096x16xf32, #tpu.memory_space<vmem_shared>> -> memref<100096x16xf32, #tpu.memory_space<vmem_shared>>
      tpu.wait_indirect_dma semaphore(%arg14 : memref<!tpu.dma_semaphore, #tpu.memory_space<semaphore_mem>>) src(%dma_wait3A_348 : memref<128x16xf32, #tpu.memory_space<vmem>>) dst(%dma_wait3A_354 : memref<100096x16xf32, #tpu.memory_space<vmem_shared>>)
    }
    %scan3A_16 = arith.constant 50 : i32
    %barrier3A_17 = arith.constant 0 : index
    tpu.barrier barrier_id(%barrier3A_17)
    %mul3A_18 = arith.constant 6256 : i32
    %mul3A_19 = arith.muli %arg1, %mul3A_18 : i32
    %mul3A_20 = arith.constant 6256 : i32
    %mul3A_21 = arith.muli %arg1, %mul3A_20 : i32
    "tpu.region"() ({
      %run_scoped3A = tpu.sem_alloc : memref<!tpu.dma_semaphore, #tpu.memory_space<semaphore_mem>>
      %dma_start3A = arith.constant 0 : i32
      %dma_start3A_22 = tpu.memref_slice %arg6[%arg0, %mul3A_21, %dma_start3A] : memref<2x100096x16xf32, #tpu.memory_space<hbm>> -> memref<1x6256x16xf32, #tpu.memory_space<hbm>>
      %dma_start3A_23 = tpu.memref_squeeze %dma_start3A_22 : memref<1x6256x16xf32, #tpu.memory_space<hbm>> -> memref<6256x16xf32, #tpu.memory_space<hbm>>
      %dma_start3A_24 = arith.constant 0 : i32
      %dma_start3A_25 = tpu.memref_slice %arg12[%mul3A_19, %dma_start3A_24] : memref<100096x16xf32, #tpu.memory_space<vmem_shared>> -> memref<6256x16xf32, #tpu.memory_space<vmem_shared>>
      tpu.enqueue_dma source(%dma_start3A_25 : memref<6256x16xf32, #tpu.memory_space<vmem_shared>>) target(%dma_start3A_23 : memref<6256x16xf32, #tpu.memory_space<hbm>>) target_semaphore(%run_scoped3A : memref<!tpu.dma_semaphore, #tpu.memory_space<semaphore_mem>>)
      %dma_wait3A = arith.constant 0 : i32
      %dma_wait3A_26 = tpu.memref_slice %arg6[%arg0, %mul3A_21, %dma_wait3A] : memref<2x100096x16xf32, #tpu.memory_space<hbm>> -> memref<1x6256x16xf32, #tpu.memory_space<hbm>>
      %dma_wait3A_27 = tpu.memref_squeeze %dma_wait3A_26 : memref<1x6256x16xf32, #tpu.memory_space<hbm>> -> memref<6256x16xf32, #tpu.memory_space<hbm>>
      %dma_wait3A_28 = arith.constant 0 : i32
      %dma_wait3A_29 = tpu.memref_slice %arg12[%mul3A_19, %dma_wait3A_28] : memref<100096x16xf32, #tpu.memory_space<vmem_shared>> -> memref<6256x16xf32, #tpu.memory_space<vmem_shared>>
      tpu.wait_dma2 semaphore(%run_scoped3A : memref<!tpu.dma_semaphore, #tpu.memory_space<semaphore_mem>>) src(%dma_wait3A_29 : memref<6256x16xf32, #tpu.memory_space<vmem_shared>>) dst(%dma_wait3A_27 : memref<6256x16xf32, #tpu.memory_space<hbm>>)
      tpu.yield
    }) : () -> ()
    return
  }
}

module attributes {stable_mosaic.version = 14 : i64} {
  func.func @_mm1_body(%arg0: i32, %arg1: memref<1024x128xf32, #tpu.memory_space<vmem>>, %arg2: memref<128x16xf32, #tpu.memory_space<vmem>>, %arg3: memref<1024x16xf32, #tpu.memory_space<vmem>>) attributes {dimension_semantics = [#tpu.dimension_semantics<arbitrary>], iteration_bounds = array<i64: 98>, scalar_prefetch = 0 : i64, scratch_operands = 0 : i64, tpu.core_type = #tpu.core_type<tc>, window_params = [{transform_indices = @transform_0, window_bounds = array<i64: 1024, 128>}, {pipeline_mode = #tpu.pipeline_mode<synchronous>, transform_indices = @transform_1, window_bounds = array<i64: 128, 16>}, {transform_indices = @transform_2, window_bounds = array<i64: 1024, 16>}]} {
    %get3A = arith.constant 0 : index
    %get3A_0 = arith.constant 0 : index
    %get3A_1 = vector.load %arg1[%get3A, %get3A_0] : memref<1024x128xf32, #tpu.memory_space<vmem>>, vector<1024x128xf32>
    %get3A_2 = arith.constant 0 : index
    %get3A_3 = arith.constant 0 : index
    %get3A_4 = vector.load %arg2[%get3A_2, %get3A_3] : memref<128x16xf32, #tpu.memory_space<vmem>>, vector<128x16xf32>
    %dot_general3A = arith.constant dense<0.000000e+00> : vector<1024x16xf32>
    %dot_general3A_5 = tpu.matmul %get3A_1, %get3A_4, %dot_general3A {dimension_numbers = #tpu.dot_dimension_numbers<[1], [0], [0], [1], [0, 0, 1, 1], [], []>, transpose_lhs_hint = false} : vector<1024x128xf32>, vector<128x16xf32>, vector<1024x16xf32> -> vector<1024x16xf32>
    %swap3A = arith.constant 0 : index
    %swap3A_6 = arith.constant 0 : index
    %swap3A_7 = vector.load %arg3[%swap3A, %swap3A_6] : memref<1024x16xf32, #tpu.memory_space<vmem>>, vector<1024x16xf32>
    tpu.vector_store %arg3[%swap3A, %swap3A_6], %dot_general3A_5 {strides = array<i32>} : memref<1024x16xf32, #tpu.memory_space<vmem>>, vector<1024x16xf32>,
    return
  }
  func.func @transform_0(%arg0: i32) -> (i32, i32) {
    %c0_i32 = arith.constant 0 : i32
    %c0_i32_0 = arith.constant 0 : i32
    return %arg0, %c0_i32 : i32, i32
  }
  func.func @transform_1(%arg0: i32) -> (i32, i32) {
    %c0_i32 = arith.constant 0 : i32
    %c0_i32_0 = arith.constant 0 : i32
    %c0_i32_1 = arith.constant 0 : i32
    return %c0_i32, %c0_i32_0 : i32, i32
  }
  func.func @transform_2(%arg0: i32) -> (i32, i32) {
    %c0_i32 = arith.constant 0 : i32
    %c0_i32_0 = arith.constant 0 : i32
    return %arg0, %c0_i32 : i32, i32
  }
}

module attributes {stable_mosaic.version = 14 : i64} {
  func.func @_prep_body(%arg0: i32, %arg1: memref<32x1024xf32, #tpu.memory_space<vmem>>, %arg2: memref<1024x16xf32, #tpu.memory_space<vmem>>, %arg3: memref<1024x1xf32, #tpu.memory_space<vmem>>, %arg4: memref<1024x16xf32, #tpu.memory_space<vmem>>) attributes {dimension_semantics = [#tpu.dimension_semantics<arbitrary>], iteration_bounds = array<i64: 98>, scalar_prefetch = 0 : i64, scratch_operands = 0 : i64, tpu.core_type = #tpu.core_type<tc>, window_params = [{transform_indices = @transform_0, window_bounds = array<i64: 32, 1024>}, {transform_indices = @transform_1, window_bounds = array<i64: 1024, 16>}, {transform_indices = @transform_2, window_bounds = array<i64: 1024, 1>}, {transform_indices = @transform_3, window_bounds = array<i64: 1024, 16>}]} {
    %get3A = arith.constant 0 : index
    %get3A_0 = arith.constant 0 : index
    %get3A_1 = vector.load %arg1[%get3A, %get3A_0] : memref<32x1024xf32, #tpu.memory_space<vmem>>, vector<32x1024xf32>
    %reduce_sum3A = arith.constant dense<0.000000e+00> : vector<1024xf32>
    %reduce_sum3A_2 = vector.multi_reduction <add>, %get3A_1, %reduce_sum3A [0] : vector<32x1024xf32> to vector<1024xf32>
    %add3A = arith.constant 1.000000e+00 : f32
    %add3A_3 = vector.broadcast %add3A : f32 to vector<1024xf32>
    %add3A_4 = arith.addf %add3A_3, %reduce_sum3A_2 : vector<1024xf32>
    %rsqrt3A = math.rsqrt %add3A_4 : vector<1024xf32>
    %broadcast_in_dim3A = vector.shape_cast %rsqrt3A : vector<1024xf32> to vector<1024x1xf32>
    %swap3A = arith.constant 0 : index
    %swap3A_5 = arith.constant 0 : index
    %swap3A_6 = vector.load %arg3[%swap3A, %swap3A_5] : memref<1024x1xf32, #tpu.memory_space<vmem>>, vector<1024x1xf32>
    tpu.vector_store %arg3[%swap3A, %swap3A_5], %broadcast_in_dim3A {strides = array<i32>} : memref<1024x1xf32, #tpu.memory_space<vmem>>, vector<1024x1xf32>,
    %get3A_7 = arith.constant 0 : index
    %get3A_8 = arith.constant 0 : index
    %get3A_9 = vector.load %arg2[%get3A_7, %get3A_8] : memref<1024x16xf32, #tpu.memory_space<vmem>>, vector<1024x16xf32>
    %broadcast_in_dim3A_10 = vector.shape_cast %rsqrt3A : vector<1024xf32> to vector<1024x1xf32>
    %mul3A = vector.broadcast %broadcast_in_dim3A_10 : vector<1024x1xf32> to vector<1024x16xf32>
    %mul3A_11 = arith.mulf %get3A_9, %mul3A : vector<1024x16xf32>
    %swap3A_12 = arith.constant 0 : index
    %swap3A_13 = arith.constant 0 : index
    %swap3A_14 = vector.load %arg4[%swap3A_12, %swap3A_13] : memref<1024x16xf32, #tpu.memory_space<vmem>>, vector<1024x16xf32>
    tpu.vector_store %arg4[%swap3A_12, %swap3A_13], %mul3A_11 {strides = array<i32>} : memref<1024x16xf32, #tpu.memory_space<vmem>>, vector<1024x16xf32>,
    return
  }
  func.func @transform_0(%arg0: i32) -> (i32, i32) {
    %c0_i32 = arith.constant 0 : i32
    %c0_i32_0 = arith.constant 0 : i32
    return %c0_i32, %arg0 : i32, i32
  }
  func.func @transform_1(%arg0: i32) -> (i32, i32) {
    %c0_i32 = arith.constant 0 : i32
    %c0_i32_0 = arith.constant 0 : i32
    return %arg0, %c0_i32 : i32, i32
  }
  func.func @transform_2(%arg0: i32) -> (i32, i32) {
    %c0_i32 = arith.constant 0 : i32
    %c0_i32_0 = arith.constant 0 : i32
    return %arg0, %c0_i32 : i32, i32
  }
  func.func @transform_3(%arg0: i32) -> (i32, i32) {
    %c0_i32 = arith.constant 0 : i32
    %c0_i32_0 = arith.constant 0 : i32
    return %arg0, %c0_i32 : i32, i32
  }
}

module attributes {stable_mosaic.version = 14 : i64} {
  func.func @_comb1_body(%arg0: i32, %arg1: memref<2x1024x16xf32, #tpu.memory_space<vmem>>, %arg2: memref<1024x16xf32, #tpu.memory_space<vmem>>, %arg3: memref<1024x1xf32, #tpu.memory_space<vmem>>, %arg4: memref<1x16xf32, #tpu.memory_space<vmem>>, %arg5: memref<1024x16xf32, #tpu.memory_space<vmem>>, %arg6: memref<1024x16xf32, #tpu.memory_space<vmem>>) attributes {dimension_semantics = [#tpu.dimension_semantics<arbitrary>], iteration_bounds = array<i64: 98>, scalar_prefetch = 0 : i64, scratch_operands = 0 : i64, tpu.core_type = #tpu.core_type<tc>, window_params = [{transform_indices = @transform_0, window_bounds = array<i64: 2, 1024, 16>}, {transform_indices = @transform_1, window_bounds = array<i64: 1024, 16>}, {transform_indices = @transform_2, window_bounds = array<i64: 1024, 1>}, {pipeline_mode = #tpu.pipeline_mode<synchronous>, transform_indices = @transform_3, window_bounds = array<i64: 1, 16>}, {transform_indices = @transform_4, window_bounds = array<i64: 1024, 16>}, {transform_indices = @transform_5, window_bounds = array<i64: 1024, 16>}]} {
    %get3A = arith.constant 0 : index
    %get3A_0 = arith.constant 0 : index
    %get3A_1 = vector.load %arg3[%get3A, %get3A_0] : memref<1024x1xf32, #tpu.memory_space<vmem>>, vector<1024x1xf32>
    %get3A_2 = arith.constant 0 : index
    %get3A_3 = arith.constant 0 : index
    %get3A_4 = arith.constant 0 : index
    %get3A_5 = vector.load %arg1[%get3A_2, %get3A_3, %get3A_4] : memref<2x1024x16xf32, #tpu.memory_space<vmem>>, vector<1x1024x16xf32>
    %get3A_6 = vector.shape_cast %get3A_5 : vector<1x1024x16xf32> to vector<1024x16xf32>
    %get3A_7 = arith.constant 1 : index
    %get3A_8 = arith.constant 0 : index
    %get3A_9 = arith.constant 0 : index
    %get3A_10 = vector.load %arg1[%get3A_7, %get3A_8, %get3A_9] : memref<2x1024x16xf32, #tpu.memory_space<vmem>>, vector<1x1024x16xf32>
    %get3A_11 = vector.shape_cast %get3A_10 : vector<1x1024x16xf32> to vector<1024x16xf32>
    %add3A = arith.addf %get3A_6, %get3A_11 : vector<1024x16xf32>
    %mul3A = vector.broadcast %get3A_1 : vector<1024x1xf32> to vector<1024x16xf32>
    %mul3A_12 = arith.mulf %add3A, %mul3A : vector<1024x16xf32>
    %get3A_13 = arith.constant 0 : index
    %get3A_14 = arith.constant 0 : index
    %get3A_15 = vector.load %arg2[%get3A_13, %get3A_14] : memref<1024x16xf32, #tpu.memory_space<vmem>>, vector<1024x16xf32>
    %mul3A_16 = arith.mulf %get3A_1, %get3A_1 : vector<1024x1xf32>
    %mul3A_17 = vector.broadcast %mul3A_16 : vector<1024x1xf32> to vector<1024x16xf32>
    %mul3A_18 = arith.mulf %get3A_15, %mul3A_17 : vector<1024x16xf32>
    %add3A_19 = arith.addf %mul3A_12, %mul3A_18 : vector<1024x16xf32>
    %get3A_20 = arith.constant 0 : index
    %get3A_21 = arith.constant 0 : index
    %get3A_22 = vector.load %arg4[%get3A_20, %get3A_21] : memref<1x16xf32, #tpu.memory_space<vmem>>, vector<1x16xf32>
    %add3A_23 = vector.broadcast %get3A_22 : vector<1x16xf32> to vector<1024x16xf32>
    %add3A_24 = arith.addf %add3A_19, %add3A_23 : vector<1024x16xf32>
    %max3A = arith.constant 0.000000e+00 : f32
    %max3A_25 = vector.broadcast %max3A : f32 to vector<1024x16xf32>
    %max3A_26 = arith.maximumf %add3A_24, %max3A_25 : vector<1024x16xf32>
    %swap3A = arith.constant 0 : index
    %swap3A_27 = arith.constant 0 : index
    %swap3A_28 = vector.load %arg5[%swap3A, %swap3A_27] : memref<1024x16xf32, #tpu.memory_space<vmem>>, vector<1024x16xf32>
    tpu.vector_store %arg5[%swap3A, %swap3A_27], %max3A_26 {strides = array<i32>} : memref<1024x16xf32, #tpu.memory_space<vmem>>, vector<1024x16xf32>,
    %mul3A_29 = vector.broadcast %get3A_1 : vector<1024x1xf32> to vector<1024x16xf32>
    %mul3A_30 = arith.mulf %max3A_26, %mul3A_29 : vector<1024x16xf32>
    %swap3A_31 = arith.constant 0 : index
    %swap3A_32 = arith.constant 0 : index
    %swap3A_33 = vector.load %arg6[%swap3A_31, %swap3A_32] : memref<1024x16xf32, #tpu.memory_space<vmem>>, vector<1024x16xf32>
    tpu.vector_store %arg6[%swap3A_31, %swap3A_32], %mul3A_30 {strides = array<i32>} : memref<1024x16xf32, #tpu.memory_space<vmem>>, vector<1024x16xf32>,
    return
  }
  func.func @transform_0(%arg0: i32) -> (i32, i32, i32) {
    %c0_i32 = arith.constant 0 : i32
    %c0_i32_0 = arith.constant 0 : i32
    %c0_i32_1 = arith.constant 0 : i32
    return %c0_i32, %arg0, %c0_i32_0 : i32, i32, i32
  }
  func.func @transform_1(%arg0: i32) -> (i32, i32) {
    %c0_i32 = arith.constant 0 : i32
    %c0_i32_0 = arith.constant 0 : i32
    return %arg0, %c0_i32 : i32, i32
  }
  func.func @transform_2(%arg0: i32) -> (i32, i32) {
    %c0_i32 = arith.constant 0 : i32
    %c0_i32_0 = arith.constant 0 : i32
    return %arg0, %c0_i32 : i32, i32
  }
  func.func @transform_3(%arg0: i32) -> (i32, i32) {
    %c0_i32 = arith.constant 0 : i32
    %c0_i32_0 = arith.constant 0 : i32
    %c0_i32_1 = arith.constant 0 : i32
    return %c0_i32, %c0_i32_0 : i32, i32
  }
  func.func @transform_4(%arg0: i32) -> (i32, i32) {
    %c0_i32 = arith.constant 0 : i32
    %c0_i32_0 = arith.constant 0 : i32
    return %arg0, %c0_i32 : i32, i32
  }
  func.func @transform_5(%arg0: i32) -> (i32, i32) {
    %c0_i32 = arith.constant 0 : i32
    %c0_i32_0 = arith.constant 0 : i32
    return %arg0, %c0_i32 : i32, i32
  }
}

module attributes {stable_mosaic.version = 14 : i64} {
  func.func @_comb2_body(%arg0: i32, %arg1: memref<2x1024x16xf32, #tpu.memory_space<vmem>>, %arg2: memref<1024x16xf32, #tpu.memory_space<vmem>>, %arg3: memref<1024x1xf32, #tpu.memory_space<vmem>>, %arg4: memref<16x2xf32, #tpu.memory_space<vmem>>, %arg5: memref<1x2xf32, #tpu.memory_space<vmem>>, %arg6: memref<1024x2xf32, #tpu.memory_space<vmem>>) attributes {dimension_semantics = [#tpu.dimension_semantics<arbitrary>], iteration_bounds = array<i64: 98>, scalar_prefetch = 0 : i64, scratch_operands = 0 : i64, tpu.core_type = #tpu.core_type<tc>, window_params = [{transform_indices = @transform_0, window_bounds = array<i64: 2, 1024, 16>}, {transform_indices = @transform_1, window_bounds = array<i64: 1024, 16>}, {transform_indices = @transform_2, window_bounds = array<i64: 1024, 1>}, {pipeline_mode = #tpu.pipeline_mode<synchronous>, transform_indices = @transform_3, window_bounds = array<i64: 16, 2>}, {pipeline_mode = #tpu.pipeline_mode<synchronous>, transform_indices = @transform_4, window_bounds = array<i64: 1, 2>}, {transform_indices = @transform_5, window_bounds = array<i64: 1024, 2>}]} {
    %get3A = arith.constant 0 : index
    %get3A_0 = arith.constant 0 : index
    %get3A_1 = vector.load %arg3[%get3A, %get3A_0] : memref<1024x1xf32, #tpu.memory_space<vmem>>, vector<1024x1xf32>
    %get3A_2 = arith.constant 0 : index
    %get3A_3 = arith.constant 0 : index
    %get3A_4 = arith.constant 0 : index
    %get3A_5 = vector.load %arg1[%get3A_2, %get3A_3, %get3A_4] : memref<2x1024x16xf32, #tpu.memory_space<vmem>>, vector<1x1024x16xf32>
    %get3A_6 = vector.shape_cast %get3A_5 : vector<1x1024x16xf32> to vector<1024x16xf32>
    %get3A_7 = arith.constant 1 : index
    %get3A_8 = arith.constant 0 : index
    %get3A_9 = arith.constant 0 : index
    %get3A_10 = vector.load %arg1[%get3A_7, %get3A_8, %get3A_9] : memref<2x1024x16xf32, #tpu.memory_space<vmem>>, vector<1x1024x16xf32>
    %get3A_11 = vector.shape_cast %get3A_10 : vector<1x1024x16xf32> to vector<1024x16xf32>
    %add3A = arith.addf %get3A_6, %get3A_11 : vector<1024x16xf32>
    %mul3A = vector.broadcast %get3A_1 : vector<1024x1xf32> to vector<1024x16xf32>
    %mul3A_12 = arith.mulf %add3A, %mul3A : vector<1024x16xf32>
    %get3A_13 = arith.constant 0 : index
    %get3A_14 = arith.constant 0 : index
    %get3A_15 = vector.load %arg2[%get3A_13, %get3A_14] : memref<1024x16xf32, #tpu.memory_space<vmem>>, vector<1024x16xf32>
    %mul3A_16 = arith.mulf %get3A_1, %get3A_1 : vector<1024x1xf32>
    %mul3A_17 = vector.broadcast %mul3A_16 : vector<1024x1xf32> to vector<1024x16xf32>
    %mul3A_18 = arith.mulf %get3A_15, %mul3A_17 : vector<1024x16xf32>
    %add3A_19 = arith.addf %mul3A_12, %mul3A_18 : vector<1024x16xf32>
    %get3A_20 = arith.constant 0 : index
    %get3A_21 = arith.constant 0 : index
    %get3A_22 = vector.load %arg4[%get3A_20, %get3A_21] : memref<16x2xf32, #tpu.memory_space<vmem>>, vector<16x2xf32>
    %dot_general3A = arith.constant dense<0.000000e+00> : vector<1024x2xf32>
    %dot_general3A_23 = tpu.matmul %add3A_19, %get3A_22, %dot_general3A {dimension_numbers = #tpu.dot_dimension_numbers<[1], [0], [0], [1], [0, 0, 1, 1], [], []>, transpose_lhs_hint = false} : vector<1024x16xf32>, vector<16x2xf32>, vector<1024x2xf32> -> vector<1024x2xf32>
    %get3A_24 = arith.constant 0 : index
    %get3A_25 = arith.constant 0 : index
    %get3A_26 = vector.load %arg5[%get3A_24, %get3A_25] : memref<1x2xf32, #tpu.memory_space<vmem>>, vector<1x2xf32>
    %add3A_27 = vector.broadcast %get3A_26 : vector<1x2xf32> to vector<1024x2xf32>
    %add3A_28 = arith.addf %dot_general3A_23, %add3A_27 : vector<1024x2xf32>
    %swap3A = arith.constant 0 : index
    %swap3A_29 = arith.constant 0 : index
    %swap3A_30 = vector.load %arg6[%swap3A, %swap3A_29] : memref<1024x2xf32, #tpu.memory_space<vmem>>, vector<1024x2xf32>
    tpu.vector_store %arg6[%swap3A, %swap3A_29], %add3A_28 {strides = array<i32>} : memref<1024x2xf32, #tpu.memory_space<vmem>>, vector<1024x2xf32>,
    return
  }
  func.func @transform_0(%arg0: i32) -> (i32, i32, i32) {
    %c0_i32 = arith.constant 0 : i32
    %c0_i32_0 = arith.constant 0 : i32
    %c0_i32_1 = arith.constant 0 : i32
    return %c0_i32, %arg0, %c0_i32_0 : i32, i32, i32
  }
  func.func @transform_1(%arg0: i32) -> (i32, i32) {
    %c0_i32 = arith.constant 0 : i32
    %c0_i32_0 = arith.constant 0 : i32
    return %arg0, %c0_i32 : i32, i32
  }
  func.func @transform_2(%arg0: i32) -> (i32, i32) {
    %c0_i32 = arith.constant 0 : i32
    %c0_i32_0 = arith.constant 0 : i32
    return %arg0, %c0_i32 : i32, i32
  }
  func.func @transform_3(%arg0: i32) -> (i32, i32) {
    %c0_i32 = arith.constant 0 : i32
    %c0_i32_0 = arith.constant 0 : i32
    %c0_i32_1 = arith.constant 0 : i32
    return %c0_i32, %c0_i32_0 : i32, i32
  }
  func.func @transform_4(%arg0: i32) -> (i32, i32) {
    %c0_i32 = arith.constant 0 : i32
    %c0_i32_0 = arith.constant 0 : i32
    %c0_i32_1 = arith.constant 0 : i32
    return %c0_i32, %c0_i32_0 : i32, i32
  }
  func.func @transform_5(%arg0: i32) -> (i32, i32) {
    %c0_i32 = arith.constant 0 : i32
    %c0_i32_0 = arith.constant 0 : i32
    return %arg0, %c0_i32 : i32, i32
  }
}

</mosaic_0001>

<sc_bundles>
// kernel: kernel.12.cloned.1.call-start
scs
__scs_entry_jumppad:
0x0: {  	(pc) =	sbr.rel $0x88, $3  }
0x1: {  	(tag) =	ssettag $0x0;
	lr =	simm.s32 $0x1  }
0x2: {  	[smem:$0x3F9A] =	sst lr;
	_ =	strace $0xD0000000  }
0x3: {  	_ = 	snop  }
0x4: {  	_ = 	snop  }
0x5: {  	_ = 	snop  }
0x6: {  	_ = 	snop  }
0x7: {  	_ = 	snop  }
__scs_overlays_trampoline_lowered:
0x8: {  	[smem:$0x3FA9] =	sst s0  }
0x9: {  	[smem:$0x3FAA] =	sst s1  }
0xa: {  	[smem:$0x3FAB] =	sst s2  }
0xb: {  	[smem:$0x3FAC] =	sst s3  }
0xc: {  	[smem:$0x3FAD] =	sst s4  }
0xd: {  	[smem:$0x3FAE] =	sst s5  }
0xe: {  	[smem:$0x3FAF] =	sst s6  }
0xf: {  	[smem:$0x3FB0] =	sst s7  }
0x10: {  	[smem:$0x3FB1] =	sst s8  }
0x11: {  	[smem:$0x3FB2] =	sst s9;
	s0 =	simm.s32 @!p0 $0x0  }
0x12: {  	s1 =	sld [smem:$0x3F98];
	s0 =	simm.s32 @p0 $0x1  }
0x13: {  	[smem:$0x3FB3] =	sst s0;
	s0 =	simm.s32 @!p1 $0x0  }
0x14: {  	s2 =	sld [smem:$0x3F97];
	s0 =	simm.s32 @p1 $0x1  }
0x15: {  	[smem:$0x3FB4] =	sst s0;
	s0 =	simm.s32 @!p2 $0x0  }
0x16: {  	s3 =	sld [smem:$0x3FDB];
	s0 =	simm.s32 @p2 $0x1  }
0x17: {  	s4 =	simm.s32 $0x1BF5;
	[smem:$0x3FB6] =	sst s0  }
0x18: {  	s0 =	sld [smem:$0x3F99];
	_ =	swait.ge [sflag:s4], $0x0  }
0x19: {  	s7 =	sld [smem:$0x3F9A]  }
0x1a: {  	s8 =	sadd.s32 $0xFFFFE003, lr  }
0x1b: {  	s9 =	sadd.s32 $0xFFFFFEF7, lr;
	s5 =	simm.s32 $0xFFFFFFFF;
	p2 =	slt.u32 s8, $0xFFFFF086  }
0x1c: {  	p1 =	slt.u32 s9, $0xF7A;
	s5 =	simm.s32 @!p2 $0x0  }
0x1d: {  	s5 =	simm.s32 @p1 $0x1;
	p0 =	seq.s32 s7, s2  }
0x1e: {  	s7 =	smul.u32 @!p0 $0xF7A, s2;
	p2 =	seq.s32 @!p0 s5, $0x0  }
0x1f: {  	s9 =	smul.u32 $0xF7A, s1;
	s8 =	simm.s32 @!p0 $0x1BF5;
	p2 =	por !p2, p0  }
0x20: {  	[sflag:s8] =	ssyncset.s32 @!p0 $0xFFFFF086;
	s6 =	sadd.s32 @!p0 s3, s7;
	s7 =	simm.s32 @!p0 $0x108  }
0x21: {  	s3 =	sadd.s32 s3, s9;
	s6 =	sadd.s32 @!p0 $0x88, s6;
	s7 =	simm.s32 @p2 $0x1082  }
0x22: {  	[simem:s7], [sflag:s8] =	dma.local @!p0 [hbm:s6], $0xF7A  }
0x23: {  	s9 =	sor.u32 $0xD0000000, s2;
	s6 =	simm.s32 $0x108;
	_ =	swait.ge @!p0 [sflag:s8], $0x0  }
0x24: {  	s3 =	sadd.s32 $0x88, s3;
	s6 =	simm.s32 @!p1 $0x1082;
	[sflag:s4] =	ssyncset.s32 $0xFFFFF086  }
0x25: {  	[simem:s6], [sflag:s4] =	dma.local [hbm:s3], $0xF7A  }
0x26: {  	[smem:$0x3F9A] =	sst s1;
	(tag) =	ssettag s2;
	_ =	strace s9  }
0x27: {  	s1 =	sld [smem:$0x3FAA]  }
0x28: {  	s2 =	sld [smem:$0x3FAB]  }
0x29: {  	s4 =	sld [smem:$0x3FAD]  }
0x2a: {  	p0 =	seq.s32 s5, $0x0;
	s5 =	sld [smem:$0x3FAE]  }
0x2b: {  	s6 =	sld [smem:$0x3FAF]  }
0x2c: {  	s7 =	sld [smem:$0x3FB0]  }
0x2d: {  	s3 =	simm.s32 $0x108;
	s8 =	sld [smem:$0x3FB1]  }
0x2e: {  	s3 =	simm.s32 @!p0 $0x1082;
	s9 =	sld [smem:$0x3FB2]  }
0x2f: {  	lr =	sadd.s32 s0, s3;
	s0 =	sld [smem:$0x3FA9]  }
0x30: {  	s3 =	sld [smem:$0x3FAC]  }
0x31: {  	[smem:$0x3FB5] =	sst s10  }
0x32: {  	s10 =	sld [smem:$0x3FB3];
	_ =	sdelay $0x3  }
0x33: {  	p0 =	seq.s32 s10, $0x1;
	s10 =	sld [smem:$0x3FB5];
	_ =	sdelay $0x3  }
0x34: {  	[smem:$0x3FB5] =	sst s10  }
0x35: {  	s10 =	sld [smem:$0x3FB4];
	_ =	sdelay $0x3  }
0x36: {  	p1 =	seq.s32 s10, $0x1;
	s10 =	sld [smem:$0x3FB5];
	_ =	sdelay $0x3  }
0x37: {  	[smem:$0x3FB5] =	sst s10  }
0x38: {  	s10 =	sld [smem:$0x3FB6]  }
0x39: {  	_ = 	snop;
	(pc) =	sbr.ind lr, $3  }
0x3a: {  	_ = 	snop  }
0x3b: {  	_ = 	snop  }
0x3c: {  	p2 =	seq.s32 s10, $0x1;
	s10 =	sld [smem:$0x3FB5]  }
0x3d: {  	_ =	shalt  }
0x3e: {  	_ =	shalt  }
0x3f: {  	_ =	shalt  }
0x40: {  	_ =	shalt  }
0x41: {  	_ =	shalt  }
0x42: {  	_ =	shalt  }
0x43: {  	_ =	shalt  }
0x44: {  	_ =	shalt  }
0x45: {  	_ =	shalt  }
0x46: {  	_ =	shalt  }
0x47: {  	_ =	shalt  }
0x48: {  	_ =	shalt  }
0x49: {  	_ =	shalt  }
0x4a: {  	_ =	shalt  }
0x4b: {  	_ =	shalt  }
0x4c: {  	_ =	shalt  }
0x4d: {  	_ =	shalt  }
0x4e: {  	_ =	shalt  }
0x4f: {  	_ =	shalt  }
0x50: {  	_ =	shalt  }
0x51: {  	_ =	shalt  }
0x52: {  	_ =	shalt  }
0x53: {  	_ =	shalt  }
0x54: {  	_ =	shalt  }
0x55: {  	_ =	shalt  }
0x56: {  	_ =	shalt  }
0x57: {  	_ =	shalt  }
0x58: {  	_ =	shalt  }
0x59: {  	_ =	shalt  }
0x5a: {  	_ =	shalt  }
0x5b: {  	_ =	shalt  }
0x5c: {  	_ =	shalt  }
0x5d: {  	_ =	shalt  }
0x5e: {  	_ =	shalt  }
0x5f: {  	_ =	shalt  }
0x60: {  	_ =	shalt  }
0x61: {  	_ =	shalt  }
0x62: {  	_ =	shalt  }
0x63: {  	_ =	shalt  }
0x64: {  	_ =	shalt  }
0x65: {  	_ =	shalt  }
0x66: {  	_ =	shalt  }
0x67: {  	_ =	shalt  }
0x68: {  	_ =	shalt  }
0x69: {  	_ =	shalt  }
0x6a: {  	_ =	shalt  }
0x6b: {  	_ =	shalt  }
0x6c: {  	_ =	shalt  }
0x6d: {  	_ =	shalt  }
0x6e: {  	_ =	shalt  }
0x6f: {  	_ =	shalt  }
0x70: {  	_ =	shalt  }
0x71: {  	_ =	shalt  }
0x72: {  	_ =	shalt  }
0x73: {  	_ =	shalt  }
0x74: {  	_ =	shalt  }
0x75: {  	_ =	shalt  }
0x76: {  	_ =	shalt  }
0x77: {  	_ =	shalt  }
0x78: {  	_ =	shalt  }
0x79: {  	_ =	shalt  }
0x7a: {  	_ =	shalt  }
0x7b: {  	_ =	shalt  }
0x7c: {  	_ =	shalt  }
0x7d: {  	_ =	shalt  }
0x7e: {  	_ =	shalt  }
0x7f: {  	_ =	shalt  }
0x80: {  	_ =	shalt  }
0x81: {  	_ =	shalt  }
0x82: {  	_ =	shalt  }
0x83: {  	_ =	shalt  }
0x84: {  	_ =	shalt  }
0x85: {  	_ =	shalt  }
0x86: {  	_ =	shalt  }
0x87: {  	_ =	shalt  }
.Lfunc_end0:
.L_simem_size_0:
called_computation.1_lowered:
.L_overlay_start_0:
0x88: {  	s2 =	sld [smem:$0x3FD9]  }
0x89: {  	s3 =	sld [smem:$0x3FFE];
	_ =	sdelay $0x1  }
0x8a: {  	s1 =	srdreg.scid  }
0x8b: {  	s0 =	sand.u32 $0x1, s1  }
0x8c: {  	s14 =	sshll.u32 s0, $0xA;
	s2 =	sadd.s32 s3, s2  }
0x8d: {  	s2 =	sadd.s32 s2, s14  }
0x8e: {  	[smem:$0x3FC1] =	sst s2  }
0x8f: {  	_ = 	snop  }
0x90: {  	s2 =	sld [smem:$0x3FD0];
	_ =	sdelay $0x2  }
0x91: {  	s15 =	simm.s32 $0xA;
	s4 =	simm.s32 $0x10  }
0x92: {  	[smem:s4], [sflag:s15] =	dma.local [hbm:s2], $0x1  }
0x93: {  	_ =	swait.eq [sflag:s15], $0x1  }
0x94: {  	[sflag:s15] =	ssyncset.done $0x0  }
0x95: {  	[sflag:s15] =	ssyncadd.s32 $0xFFFFFFFF  }
0x96: {  	s16 =	sld [smem:$0x10];
	(tm) =	ssettm $0x1  }
0x97: {  	s17 =	sld [smem:$0x3FFB];
	_ =	sdelay $0x3  }
0x98: {  	_ =	strace s17  }
0x99: {  	s3 =	sld [smem:$0x3FFC];
	_ =	sdelay $0x3  }
0x9a: {  	_ =	strace s3  }
0x9b: {  	s3 =	sld [smem:$0x3FFD];
	_ =	sdelay $0x3  }
0x9c: {  	_ =	strace s3  }
0x9d: {  	_ =	strace $0x8FFFFFFF  }
0x9e: {  	s18 =	sld [smem:$0x3FDB];
	_ =	sdelay $0x1  }
0x9f: {  	s19 =	simm.s32 $_scs_section_size  }
0xa0: {  	s5 =	simm.s32 $_size__tile_overlayer_lowered;
	s6 =	simm.s32 $_tile_overlayer_lowered  }
0xa1: {  	s22 =	simm.s32 $0x1BFF;
	s21 =	sshll.u32 s6, $0x1;
	s3 =	sadd.s32 s19, s18  }
0xa2: {  	s7 =	simm.s32 $0x0;
	s20 =	sshll.u32 s5, $0x1;
	s5 =	sadd.s32 s21, s3  }
0xa3: {  	[timem:s7], [sflag:s22] =	dma.local [hbm:s5], s20  }
0xa4: {  	_ =	swait.ge [sflag:s22], s20  }
0xa5: {  	s4 =	ssub.s32 $0x0, s20;
	[sflag:s22] =	ssyncset.done $0x0  }
0xa6: {  	[sflag:s22] =	ssyncadd.s32 s4;
	_ =	sdelay $0x1  }
0xa7: {  	s23 =	simm.s32 $0x1B8B  }
0xa8: {  	_ =	swait.ge [sflag:s23], $0x1  }
0xa9: {  	[sflag:s23] =	ssyncset.done $0x0  }
0xaa: {  	s25 =	simm.s32 $0x1B8E;
	s24 =	sld [smem:$0x3FFE];
	[sflag:s23] =	ssyncadd.s32 $0xFFFFFFFF  }
0xab: {  	s26 =	simm.s32 $execute0_lowered;
	[smem:$0x3FD2] =	sst s25  }
0xac: {  	s5 =	sshll.u32 s26, $0x1;
	_ =	strace $0x80000049;
	[dreg:$0x1] =	wrdreg $0xFFFFFFFF  }
0xad: {  	s28 =	simm.s32 $_size_execute0_lowered;
	s3 =	sadd.s32 s3, s5;
	[dreg:$0x0] =	wrdreg $0x0  }
0xae: {  	s5 =	sshll.u32 s28, $0x1;
	[dreg:$0x2] =	wrdreg s3  }
0xaf: {  	[dreg:$0x3] =	wrdreg s5  }
0xb0: {  	[dreg:$0x4] =	wrdreg $0xC0  }
0xb1: {  	_ =	task [dreg:s7], $0x5FFFF  }
0xb2: {  	[dreg:$0x1] =	wrdreg $0xFFFFFFFF  }
0xb3: {  	[dreg:$0x0] =	wrdreg $0x60  }
0xb4: {  	[dreg:$0x2] =	wrdreg s24  }
0xb5: {  	[dreg:$0x3] =	wrdreg s16  }
0xb6: {  	[dreg:$0x4] =	wrdreg $0x4D000  }
0xb7: {  	[dreg:$0x5] =	wrdreg $0x9  }
0xb8: {  	_ =	task.clear_ibuf [dreg:s7], $0x6FFFF;
	_ =	strace $0x90000049  }
0xb9: {  	s29 =	simm.s32 $0x9;
	_ =	strace $0x8000004B  }
0xba: {  	_ =	swait.ge [sflag:s29], $0x1  }
0xbb: {  	[sflag:s29] =	ssyncadd.s32 $0xFFFFFFFF  }
0xbc: {  	_ =	strace $0x9000004B  }
0xbd: {  	_ =	sfence  }
0xbe: {  	s30 =	sld [smem:$0x0];
	_ =	sdelay $0x2  }
0xbf: {  	s31 =	sshll.u32 s1, $0xD;
	s1 =	sshrl.u32 s1, $0x2  }
0xc0: {  	s3 =	sand.u32 $0x4000, s31;
	s1 =	sadd.s32 s1, s30  }
0xc1: {  	s0 =	sor.u32 s3, s0;
	s1 =	sshll.u32 s1, $0x11  }
0xc2: {  	s0 =	sor.u32 s1, s0  }
0xc3: {  	s0 =	sadd.s32 $0x8F2B, s0  }
0xc4: {  	[sflag:s0] =	ssyncadd.remote.s32 $0x1  }
0xc5: {  	_ =	sfence.sel $0xFFFF  }
0xc6: {  	[dreg:$0x0] =	wrdreg $0xFFFFFFFF;
	(pc) =	sbr.abs _section_cstart, $3  }
0xc7: {  	[dreg:$0x1] =	wrdreg $0xFFFFFFFF  }
0xc8: {  	_ =	task.clear_ibuf [dreg:s7], $0x2FFFF;
	_ =	strace $0x9FFFFFFF  }
0xc9: {  	(tm) =	ssettm $0x7FFFFFFF  }
tec
execute0_lowered:
.L_overlay_start_1:
0x0: {  	(tag) =	ssettag $0x1  }
0x1: {  	s0 =	rddreg [dreg:$0x0]  }
0x2: {  	s1 =	rddreg [dreg:$0x1]  }
0x3: {  	s2 =	rddreg [dreg:$0x2];
	s3 =	srdreg.scid  }
0x4: {  	s4 =	simm.s32 $0x0;
	s11 =	stileid.u32;
	s13 =	simm.s32 $0x3  }
0x5: {  	s14 =	simm.s32 $0x400;
	s15 =	simm.s32 $0x800;
	s16 =	simm.s32 $0x80  }
0x6: {  	s17 =	simm.s32 $0xC00;
	s18 =	simm.s32 $0x1400;
	s20 =	simm.s32 $0x1C00  }
0x7: {  	s22 =	simm.s32 $0x2400;
	s28 =	simm.s32 $0x3400;
	s30 =	simm.s32 $0x3C00  }
0x8: {  	s21 =	simm.s32 $0x680;
	s23 =	simm.s32 $0x700;
	s29 =	simm.s32 $0x2  }
0x9: {  	s3 =	sand.u32 $0x1, s3;
	[smem:$0x7FF] =	sst s4;
	s10 =	smul.u32 $0x18700, s11  }
0xa: {  	s5 =	sadd.s32 $0xC7400, s0;
	s6 =	sadd.s32 $0x1800, s0;
	s9 =	smul.u32 $0x61C00, s11  }
0xb: {  	s11 =	sshll.u32 s11, $0x1;
	s7 =	smul.u32 $0x187000, s3;
	_ =	strace $0x8000004A  }
0xc: {  	s24 =	ssub.s32 $0x2, s3;
	s3 =	sor.u32 s3, s11;
	s11 =	simm.s32 $0x0  }
0xd: {  	s12 =	sshrl.u32 s24, $0x1;
	s9 =	sshrl.u32 s9, $0x2;
	s26 =	sadd.s32 s10, s2  }
0xe: {  	s8 =	sadd.s32 s10, s7;
	s7 =	sadd.s32 $0x33800, s0;
	s25 =	ssub.s32 s24, s12  }
0xf: {  	s12 =	simm.s32 $0x4C00;
	s24 =	simm.s32 $0x2C00;
	s8 =	sshrl.u32 s8, $0x3  }
0x10: {  	s31 =	smax.u32 s25, $0x1;
	s0 =	sadd.s32 s8, s0;
	s8 =	sadd.s32 s9, s2  }
0x11: {  	s9 =	smul.u32 $0xC800, s3;
	[dreg:$0x5] =	wrdreg s31;
	s0 =	sadd.s32 $0x27FE00, s0  }
0x12: {  	v1 =	vimm.s32 $0x0;
	vm0 =	vcmask $0x300;
	s3 =	simm.s32 $0x1;
	[dreg:$0x4] =	wrdreg s0;
	s0 =	sshrl.u32 s26, $0x3  }
0x13: {  	v0 =	vimm.f32 $0.0e+00;
	v1 =	vsel vm0, $0x3, v1;
	s26 =	simm.s32 $0x780;
	[dreg:$0x6] =	wrdreg s0;
	s0 =	simm.s32 $0x4400  }
.LBB2_1:
0x14: {  	[tilespmem:$0x4C00] =	vst v0  }
0x15: {  	[tilespmem:$0x4C10] =	vst v0  }
0x16: {  	[tilespmem:$0x4C20] =	vst v0  }
0x17: {  	[tilespmem:$0x4C30] =	vst v0  }
0x18: {  	[tilespmem:$0x4C40] =	vst v0  }
0x19: {  	[tilespmem:$0x4C50] =	vst v0  }
0x1a: {  	[tilespmem:$0x4C60] =	vst v0  }
0x1b: {  	[tilespmem:$0x4C70] =	vst v0  }
0x1c: {  	[tilespmem:$0x4C80] =	vst v0  }
0x1d: {  	[tilespmem:$0x4C90] =	vst v0  }
0x1e: {  	[tilespmem:$0x4CA0] =	vst v0  }
0x1f: {  	[tilespmem:$0x4CB0] =	vst v0  }
0x20: {  	[tilespmem:$0x4CC0] =	vst v0  }
0x21: {  	[tilespmem:$0x4CD0] =	vst v0  }
0x22: {  	[tilespmem:$0x4CE0] =	vst v0  }
0x23: {  	[dreg:$0x7] =	wrdreg s11;
	[tilespmem:$0x4CF0] =	vst v0;
	s10 =	sadd.s32 $0x0, s8  }
0x24: {  	[spmem:s10] =	stream.linear.scatter [tilespmem:s12], [sflag:$0x3], $0x100, $0x38;
	[tilespmem:$0x1D400] =	vst v63  }
0x25: {  	s10 =	simm.s32 $0x400;
	_ =	swait.ge [sflag:s13], $0x100  }
.LBB2_2:
0x26: {  	s11 =	sshra.s32 s10, $0x2;
	[sflag:s13] =	ssyncset.done $0x0;
	p0 =	sne.s32 s10, $0x61800  }
.Ltmp0:
0x27: {  	s11 =	sadd.s32 s11, s8;
	[sflag:s13] =	ssyncadd.s32 $0xFFFFFF00;
	(pc) =	sbr.rel @p0 .LBB2_2-.Ltmp0, $3  }
0x28: {  	[spmem:s11] =	stream.linear.scatter [tilespmem:s12], [sflag:$0x3], $0x100, $0x38;
	[tilespmem:$0x1D400] =	vst v63  }
0x29: {  	s10 =	sadd.s32 $0x400, s10;
	_ =	sdelay $0x1  }
0x2a: {  	_ =	swait.ge [sflag:s13], $0x100  }
0x2b: {  	[sflag:s13] =	ssyncset.done $0x0  }
0x2c: {  	[sflag:s13] =	ssyncadd.s32 $0xFFFFFF00  }
0x2d: {  	s31 =	simm.s32 $0x0;
	[bflag:$0x0] =	sbarrier.arrive $0xFFFF  }
.LBB2_4:
0x2e: {  	s10 =	sshll.u32 s31, $0xA  }
0x2f: {  	s10 =	sadd.s32 s9, s10  }
0x30: {  	s10 =	sshrl.u32 s10, $0x3  }
0x31: {  	s11 =	sadd.s32 s5, s10  }
0x32: {  	[tilespmem:s4], [sflag:$0x3] =	stream.linear.gather [hbm4b:s11+s4], $0x400, $0x38;
	[tilespmem:$0x1D400] =	vst v63  }
0x33: {  	_ =	swait.ge [sflag:s13], $0x400  }
0x34: {  	[sflag:s13] =	ssyncset.done $0x0  }
0x35: {  	s19 =	sadd.s32 s6, s10;
	[sflag:s13] =	ssyncadd.s32 $0xFFFFFC00  }
0x36: {  	[tilespmem:s14], [sflag:$0x3] =	stream.linear.gather [hbm4b:s19+s4], $0x400, $0x38;
	[tilespmem:$0x1D400] =	vst v63  }
0x37: {  	_ =	swait.ge [sflag:s13], $0x400  }
0x38: {  	[sflag:s13] =	ssyncset.done $0x0  }
0x39: {  	s10 =	sadd.s32 s7, s10;
	[sflag:s13] =	ssyncadd.s32 $0xFFFFFC00  }
0x3a: {  	[tilespmem:s15], [sflag:$0x3] =	stream.linear.gather [hbm4b:s10+s4], $0x400, $0x38;
	[tilespmem:$0x1D400] =	vst v63  }
0x3b: {  	_ =	swait.ge [sflag:s13], $0x400  }
0x3c: {  	[sflag:s13] =	ssyncset.done $0x0  }
0x3d: {  	[sflag:s13] =	ssyncadd.s32 $0xFFFFFC00  }
0x3e: {  	[tilespmem:s17], [sflag:$0x1] =	stream.indirect.gather [hbm4b:s1+s16], $0x10, s4, s16, $0xb8;
	[tilespmem:$0x1D400] =	vst v63  }
0x3f: {  	_ = 	snop  }
0x40: {  	[tilespmem:s18], [sflag:$0x1] =	stream.indirect.gather [hbm4b:s1+s16], $0x10, s16, s16, $0xb8;
	[tilespmem:$0x1D400] =	vst v63  }
0x41: {  	s25 =	simm.s32 $0x100  }
0x42: {  	[tilespmem:s20], [sflag:$0x1] =	stream.indirect.gather [hbm4b:s1+s16], $0x10, s25, s16, $0xb8;
	[tilespmem:$0x1D400] =	vst v63  }
0x43: {  	s11 =	simm.s32 $0x180  }
0x44: {  	[tilespmem:s22], [sflag:$0x1] =	stream.indirect.gather [hbm4b:s1+s16], $0x10, s11, s16, $0xb8;
	[tilespmem:$0x1D400] =	vst v63  }
0x45: {  	s19 =	simm.s32 $0x200  }
0x46: {  	[tilespmem:s24], [sflag:$0x1] =	stream.indirect.gather [hbm4b:s1+s16], $0x10, s19, s16, $0xb8;
	[tilespmem:$0x1D400] =	vst v63  }
0x47: {  	s25 =	simm.s32 $0x280  }
0x48: {  	[tilespmem:s28], [sflag:$0x1] =	stream.indirect.gather [hbm4b:s1+s16], $0x10, s25, s16, $0xb8;
	[tilespmem:$0x1D400] =	vst v63  }
0x49: {  	s11 =	simm.s32 $0x300  }
0x4a: {  	[tilespmem:s30], [sflag:$0x1] =	stream.indirect.gather [hbm4b:s1+s16], $0x10, s11, s16, $0xb8;
	[tilespmem:$0x1D400] =	vst v63  }
0x4b: {  	s19 =	simm.s32 $0x380  }
0x4c: {  	[tilespmem:s0], [sflag:$0x1] =	stream.indirect.gather [hbm4b:s1+s16], $0x10, s19, s16, $0xb8;
	[tilespmem:$0x1D400] =	vst v63  }
0x4d: {  	_ =	swait.ge [sflag:s3], $0x800  }
0x4e: {  	[sflag:s3] =	ssyncset.done $0x0  }
0x4f: {  	[sflag:s3] =	ssyncadd.s32 $0xFFFFF800  }
0x50: {  	_ =	swait.ge [sflag:s3], $0x800  }
0x51: {  	[sflag:s3] =	ssyncset.done $0x0  }
0x52: {  	[sflag:s3] =	ssyncadd.s32 $0xFFFFF800  }
0x53: {  	_ =	swait.ge [sflag:s3], $0x800  }
0x54: {  	[sflag:s3] =	ssyncset.done $0x0  }
0x55: {  	[sflag:s3] =	ssyncadd.s32 $0xFFFFF800  }
0x56: {  	_ =	swait.ge [sflag:s3], $0x800  }
0x57: {  	[sflag:s3] =	ssyncset.done $0x0  }
0x58: {  	[sflag:s3] =	ssyncadd.s32 $0xFFFFF800  }
0x59: {  	_ =	swait.ge [sflag:s3], $0x800  }
0x5a: {  	[sflag:s3] =	ssyncset.done $0x0  }
0x5b: {  	s25 =	simm.s32 $0x0;
	[sflag:s3] =	ssyncadd.s32 $0xFFFFF800  }
0x5c: {  	v2 =	vmov s25;
	_ =	swait.ge [sflag:s3], $0x800  }
0x5d: {  	v2 =	vshrl.u32 v2, $0x3;
	[sflag:s3] =	ssyncset.done $0x0  }
0x5e: {  	v2 =	vshll.u32 v2, v1;
	[sflag:s3] =	ssyncadd.s32 $0xFFFFF800  }
0x5f: {  	v2 =	vbroadcast v2, $0x0;
	_ =	swait.ge [sflag:s3], $0x800  }
0x60: {  	[sflag:s3] =	ssyncset.done $0x0  }
0x61: {  	[sflag:s3] =	ssyncadd.s32 $0xFFFFF800  }
0x62: {  	_ =	swait.ge [sflag:s3], $0x800  }
0x63: {  	[sflag:s3] =	ssyncset.done $0x0  }
0x64: {  	s11 =	simm.s32 $0x1;
	[sflag:s3] =	ssyncadd.s32 $0xFFFFF800  }
0x65: {  	s10 =	simm.s32 $0xC40;
	v3 =	vmov s11;
	v2 =	vld.idx.msk [tilespmem:v2+s15+$0x0], $0xffff  }
0x66: {  	v3 =	vshrl.u32 v3, $0x3;
	v4 =	vld [tilespmem:s10+$0xFFFFFFC0]  }
0x67: {  	v3 =	vshll.u32 v3, v1  }
0x68: {  	v3 =	vadd.s32 $0x1, v3  }
0x69: {  	v3 =	vbroadcast v3, $0x0;
	_ =	sdelay $0x1  }
0x6a: {  	v2 =	vmul.f32 v4, v2  }
0x6b: {  	s19 =	simm.s32 $0x2  }
0x6c: {  	[tilespmem:s10+$0xFFFFFFC0] =	vst v2;
	v2 =	vmov s19  }
0x6d: {  	v58 =	vld [tilespmem:s10+$0xFFFFFFD0];
	v2 =	vshrl.u32 v2, $0x3  }
0x6e: {  	v3 =	vld.idx.msk [tilespmem:v3+s15+$0x0], $0xffff;
	v2 =	vshll.u32 v2, v1  }
0x6f: {  	v2 =	vadd.s32 $0x2, v2  }
0x70: {  	v2 =	vbroadcast v2, $0x0;
	_ =	sdelay $0x2  }
0x71: {  	v3 =	vmul.f32 v58, v3  }
0x72: {  	s25 =	simm.s32 $0x3  }
0x73: {  	v59 =	vld [tilespmem:s10+$0xFFFFFFE0];
	[tilespmem:s10+$0xFFFFFFD0] =	vst v3;
	v3 =	vmov s25  }
0x74: {  	v3 =	vshrl.u32 v3, $0x3;
	v2 =	vld.idx.msk [tilespmem:v2+s15+$0x0], $0xffff  }
0x75: {  	v3 =	vshll.u32 v3, v1  }
0x76: {  	v3 =	vadd.s32 $0x3, v3  }
0x77: {  	v3 =	vbroadcast v3, $0x0;
	_ =	sdelay $0x1  }
0x78: {  	v2 =	vmul.f32 v59, v2  }
0x79: {  	s19 =	simm.s32 $0x4  }
0x7a: {  	[tilespmem:s10+$0xFFFFFFE0] =	vst v2;
	v2 =	vmov s19  }
0x7b: {  	v60 =	vld [tilespmem:s10+$0xFFFFFFF0];
	v2 =	vshrl.u32 v2, $0x3  }
0x7c: {  	v3 =	vld.idx.msk [tilespmem:v3+s15+$0x0], $0xffff;
	v2 =	vshll.u32 v2, v1  }
0x7d: {  	v2 =	vadd.s32 $0x4, v2  }
0x7e: {  	v2 =	vbroadcast v2, $0x0;
	_ =	sdelay $0x2  }
0x7f: {  	v3 =	vmul.f32 v60, v3  }
0x80: {  	s25 =	simm.s32 $0x5  }
0x81: {  	v61 =	vld [tilespmem:s10+$0x0];
	[tilespmem:s10+$0xFFFFFFF0] =	vst v3;
	v3 =	vmov s25  }
0x82: {  	v3 =	vshrl.u32 v3, $0x3;
	v2 =	vld.idx.msk [tilespmem:v2+s15+$0x0], $0xffff  }
0x83: {  	v3 =	vshll.u32 v3, v1  }
0x84: {  	v3 =	vadd.s32 $0x5, v3  }
0x85: {  	v3 =	vbroadcast v3, $0x0;
	_ =	sdelay $0x1  }
0x86: {  	v2 =	vmul.f32 v61, v2  }
0x87: {  	s19 =	simm.s32 $0x6  }
0x88: {  	[tilespmem:s10+$0x0] =	vst v2;
	v2 =	vmov s19  }
0x89: {  	v62 =	vld [tilespmem:s10+$0x10];
	v2 =	vshrl.u32 v2, $0x3  }
0x8a: {  	v3 =	vld.idx.msk [tilespmem:v3+s15+$0x0], $0xffff;
	v2 =	vshll.u32 v2, v1  }
0x8b: {  	v2 =	vadd.s32 $0x6, v2  }
0x8c: {  	v2 =	vbroadcast v2, $0x0;
	_ =	sdelay $0x2  }
0x8d: {  	v3 =	vmul.f32 v62, v3;
	_ =	sdelay $0x1  }
0x8e: {  	[tilespmem:s10+$0x10] =	vst v3;
	v3 =	vld [tilespmem:s10+$0x20]  }
0x8f: {  	v2 =	vld.idx.msk [tilespmem:v2+s15+$0x0], $0xffff  }
0x90: {  	s25 =	simm.s32 $0x7  }
0x91: {  	v63 =	vmov s25  }
0x92: {  	v4 =	vshrl.u32 v63, $0x3  }
0x93: {  	v4 =	vshll.u32 v4, v1  }
0x94: {  	v3 =	vmul.f32 v3, v2;
	v2 =	vadd.s32 $0x7, v4  }
0x95: {  	v2 =	vbroadcast v2, $0x0;
	_ =	sdelay $0x4  }
0x96: {  	s11 =	simm.s32 $0xF;
	s25 =	simm.s32 $0x17;
	s19 =	simm.s32 $0x8;
	[tilespmem:s10+$0x20] =	vst v3  }
.LBB2_5:
0x97: {  	p0 =	sne.s32 s25, $0x3FF;
	v3 =	vmov s19;
	v2 =	vld.idx.msk [tilespmem:v2+s15+$0x0], $0xffff  }
0x98: {  	v3 =	vshrl.u32 v3, $0x3;
	v4 =	vld [tilespmem:s10+$0x30]  }
0x99: {  	v3 =	vshll.u32 v3, v1  }
0x9a: {  	v3 =	vbroadcast v3, $0x0;
	_ =	sdelay $0x2  }
0x9b: {  	v2 =	vmul.f32 v4, v2  }
0x9c: {  	s19 =	sadd.s32 $0xFFFFFFFA, s11  }
0x9d: {  	v4 =	vmov s19;
	[tilespmem:s10+$0x30] =	vst v2  }
0x9e: {  	s10 =	sadd.s32 $0x80, s10;
	v2 =	vld.idx.msk [tilespmem:v3+s15+$0x0], $0xffff;
	v3 =	vshrl.u32 v4, $0x3  }
0x9f: {  	v4 =	vld [tilespmem:s10+$0xFFFFFFC0];
	v3 =	vshll.u32 v3, v1  }
0xa0: {  	v3 =	vadd.s32 $0x1, v3  }
0xa1: {  	v3 =	vbroadcast v3, $0x0;
	_ =	sdelay $0x2  }
0xa2: {  	v2 =	vmul.f32 v4, v2  }
0xa3: {  	s19 =	sadd.s32 $0xFFFFFFFB, s11  }
0xa4: {  	[tilespmem:s10+$0xFFFFFFC0] =	vst v2;
	v2 =	vmov s19  }
0xa5: {  	v3 =	vld.idx.msk [tilespmem:v3+s15+$0x0], $0xffff;
	v2 =	vshrl.u32 v2, $0x3  }
0xa6: {  	v4 =	vld [tilespmem:s10+$0xFFFFFFD0];
	v2 =	vshll.u32 v2, v1  }
0xa7: {  	v2 =	vadd.s32 $0x2, v2  }
0xa8: {  	v2 =	vbroadcast v2, $0x0;
	_ =	sdelay $0x2  }
0xa9: {  	v3 =	vmul.f32 v4, v3  }
0xaa: {  	s19 =	sadd.s32 $0xFFFFFFFC, s11  }
0xab: {  	[tilespmem:s10+$0xFFFFFFD0] =	vst v3;
	v3 =	vmov s19  }
0xac: {  	v2 =	vld.idx.msk [tilespmem:v2+s15+$0x0], $0xffff;
	v3 =	vshrl.u32 v3, $0x3  }
0xad: {  	v4 =	vld [tilespmem:s10+$0xFFFFFFE0];
	v3 =	vshll.u32 v3, v1  }
0xae: {  	v3 =	vadd.s32 $0x3, v3  }
0xaf: {  	v3 =	vbroadcast v3, $0x0;
	_ =	sdelay $0x2  }
0xb0: {  	v2 =	vmul.f32 v4, v2  }
0xb1: {  	s19 =	sadd.s32 $0xFFFFFFFD, s11  }
0xb2: {  	[tilespmem:s10+$0xFFFFFFE0] =	vst v2;
	v2 =	vmov s19  }
0xb3: {  	v3 =	vld.idx.msk [tilespmem:v3+s15+$0x0], $0xffff;
	v2 =	vshrl.u32 v2, $0x3  }
0xb4: {  	v4 =	vld [tilespmem:s10+$0xFFFFFFF0];
	v2 =	vshll.u32 v2, v1  }
0xb5: {  	v2 =	vadd.s32 $0x4, v2  }
0xb6: {  	v2 =	vbroadcast v2, $0x0;
	_ =	sdelay $0x2  }
0xb7: {  	v3 =	vmul.f32 v4, v3  }
0xb8: {  	s19 =	sadd.s32 $0xFFFFFFFE, s11  }
0xb9: {  	[tilespmem:s10+$0xFFFFFFF0] =	vst v3;
	v3 =	vmov s19  }
0xba: {  	v2 =	vld.idx.msk [tilespmem:v2+s15+$0x0], $0xffff;
	v3 =	vshrl.u32 v3, $0x3  }
0xbb: {  	v4 =	vld [tilespmem:s10+$0x0];
	v3 =	vshll.u32 v3, v1  }
0xbc: {  	v3 =	vadd.s32 $0x5, v3  }
0xbd: {  	v3 =	vbroadcast v3, $0x0;
	_ =	sdelay $0x2  }
0xbe: {  	v2 =	vmul.f32 v4, v2  }
0xbf: {  	s19 =	sadd.s32 $0xFFFFFFFF, s11  }
0xc0: {  	[tilespmem:s10+$0x0] =	vst v2;
	v2 =	vmov s19  }
0xc1: {  	v3 =	vld.idx.msk [tilespmem:v3+s15+$0x0], $0xffff;
	v2 =	vshrl.u32 v2, $0x3  }
0xc2: {  	v4 =	vld [tilespmem:s10+$0x10];
	v2 =	vshll.u32 v2, v1  }
0xc3: {  	v2 =	vadd.s32 $0x6, v2  }
0xc4: {  	v2 =	vbroadcast v2, $0x0;
	_ =	sdelay $0x2  }
0xc5: {  	v3 =	vmul.f32 v4, v3;
	_ =	sdelay $0x1  }
0xc6: {  	[tilespmem:s10+$0x10] =	vst v3;
	v3 =	vmov s11;
	s11 =	smov.u32 s25  }
0xc7: {  	v4 =	vld.idx.msk [tilespmem:v2+s15+$0x0], $0xffff;
	v2 =	vshrl.u32 v3, $0x3  }
0xc8: {  	v3 =	vld [tilespmem:s10+$0x20];
	v2 =	vshll.u32 v2, v1  }
0xc9: {  	v2 =	vadd.s32 $0x7, v2  }
0xca: {  	v2 =	vbroadcast v2, $0x0  }
.Ltmp1:
0xcb: {  	(pc) =	sbr.rel @p0 .LBB2_5-.Ltmp1, $3  }
0xcc: {  	_ = 	snop  }
0xcd: {  	v3 =	vmul.f32 v3, v4;
	_ =	sdelay $0x1  }
0xce: {  	s25 =	sadd.s32 $0x8, s25;
	s19 =	sadd.s32 $0xFFFFFFF9, s11;
	[tilespmem:s10+$0x20] =	vst v3  }
0xcf: {  	_ =	sdelay $0x3  }
0xd0: {  	v3 =	vmov s19;
	v2 =	vld.idx.msk [tilespmem:v2+s15+$0x0], $0xffff  }
0xd1: {  	v4 =	vld [tilespmem:s10+$0x30];
	v3 =	vshrl.u32 v3, $0x3  }
0xd2: {  	v3 =	vshll.u32 v3, v1  }
0xd3: {  	v3 =	vbroadcast v3, $0x0;
	_ =	sdelay $0x2  }
0xd4: {  	v2 =	vmul.f32 v4, v2  }
0xd5: {  	s25 =	sadd.s32 $0xFFFFFFFA, s11  }
0xd6: {  	v56 =	vmov s25;
	[tilespmem:s10+$0x30] =	vst v2  }
0xd7: {  	s10 =	sadd.s32 $0x80, s10;
	v2 =	vld.idx.msk [tilespmem:v3+s15+$0x0], $0xffff;
	v3 =	vshrl.u32 v56, $0x3  }
0xd8: {  	v57 =	vld [tilespmem:s10+$0xFFFFFFC0];
	v3 =	vshll.u32 v3, v1  }
0xd9: {  	v3 =	vadd.s32 $0x1, v3  }
0xda: {  	v3 =	vbroadcast v3, $0x0;
	_ =	sdelay $0x2  }
0xdb: {  	v2 =	vmul.f32 v57, v2  }
0xdc: {  	s25 =	sadd.s32 $0xFFFFFFFB, s11  }
0xdd: {  	v58 =	vld [tilespmem:s10+$0xFFFFFFD0];
	[tilespmem:s10+$0xFFFFFFC0] =	vst v2;
	v2 =	vmov s25  }
0xde: {  	v2 =	vshrl.u32 v2, $0x3;
	v3 =	vld.idx.msk [tilespmem:v3+s15+$0x0], $0xffff  }
0xdf: {  	v2 =	vshll.u32 v2, v1  }
0xe0: {  	v2 =	vadd.s32 $0x2, v2  }
0xe1: {  	v2 =	vbroadcast v2, $0x0;
	_ =	sdelay $0x1  }
0xe2: {  	v3 =	vmul.f32 v58, v3  }
0xe3: {  	s25 =	sadd.s32 $0xFFFFFFFC, s11  }
0xe4: {  	[tilespmem:s10+$0xFFFFFFD0] =	vst v3;
	v3 =	vmov s25  }
0xe5: {  	v59 =	vld [tilespmem:s10+$0xFFFFFFE0];
	v3 =	vshrl.u32 v3, $0x3  }
0xe6: {  	v2 =	vld.idx.msk [tilespmem:v2+s15+$0x0], $0xffff;
	v3 =	vshll.u32 v3, v1  }
0xe7: {  	v3 =	vadd.s32 $0x3, v3  }
0xe8: {  	v3 =	vbroadcast v3, $0x0;
	_ =	sdelay $0x2  }
0xe9: {  	v2 =	vmul.f32 v59, v2  }
0xea: {  	s25 =	sadd.s32 $0xFFFFFFFD, s11  }
0xeb: {  	v60 =	vld [tilespmem:s10+$0xFFFFFFF0];
	[tilespmem:s10+$0xFFFFFFE0] =	vst v2;
	v2 =	vmov s25  }
0xec: {  	v2 =	vshrl.u32 v2, $0x3;
	v3 =	vld.idx.msk [tilespmem:v3+s15+$0x0], $0xffff  }
0xed: {  	v2 =	vshll.u32 v2, v1  }
0xee: {  	v2 =	vadd.s32 $0x4, v2  }
0xef: {  	v2 =	vbroadcast v2, $0x0;
	_ =	sdelay $0x1  }
0xf0: {  	v3 =	vmul.f32 v60, v3  }
0xf1: {  	s25 =	sadd.s32 $0xFFFFFFFE, s11  }
0xf2: {  	[tilespmem:s10+$0xFFFFFFF0] =	vst v3;
	v3 =	vmov s25  }
0xf3: {  	v61 =	vld [tilespmem:s10+$0x0];
	v3 =	vshrl.u32 v3, $0x3  }
0xf4: {  	v2 =	vld.idx.msk [tilespmem:v2+s15+$0x0], $0xffff;
	v3 =	vshll.u32 v3, v1  }
0xf5: {  	v3 =	vadd.s32 $0x5, v3  }
0xf6: {  	v3 =	vbroadcast v3, $0x0;
	_ =	sdelay $0x2  }
0xf7: {  	v2 =	vmul.f32 v61, v2  }
0xf8: {  	s25 =	sadd.s32 $0xFFFFFFFF, s11  }
0xf9: {  	v62 =	vld [tilespmem:s10+$0x10];
	[tilespmem:s10+$0x0] =	vst v2;
	v2 =	vmov s25  }
0xfa: {  	v2 =	vshrl.u32 v2, $0x3;
	v3 =	vld.idx.msk [tilespmem:v3+s15+$0x0], $0xffff  }
0xfb: {  	v2 =	vshll.u32 v2, v1  }
0xfc: {  	v2 =	vadd.s32 $0x6, v2  }
0xfd: {  	v2 =	vbroadcast v2, $0x0;
	_ =	sdelay $0x1  }
0xfe: {  	v3 =	vmul.f32 v62, v3;
	_ =	sdelay $0x1  }
0xff: {  	[tilespmem:s10+$0x10] =	vst v3;
	v3 =	vmov s11  }
0x100: {  	v63 =	vld [tilespmem:s10+$0x20];
	v3 =	vshrl.u32 v3, $0x3  }
0x101: {  	v2 =	vld.idx.msk [tilespmem:v2+s15+$0x0], $0xffff;
	v3 =	vshll.u32 v3, v1  }
0x102: {  	v3 =	vadd.s32 $0x7, v3  }
0x103: {  	v3 =	vbroadcast v3, $0x0;
	_ =	sdelay $0x2  }
0x104: {  	v2 =	vmul.f32 v63, v2;
	_ =	sdelay $0x1  }
0x105: {  	[tilespmem:s10+$0x20] =	vst v2  }
0x106: {  	v2 =	vld.idx.msk [tilespmem:v3+s15+$0x0], $0xffff  }
0x107: {  	v3 =	vld [tilespmem:s10+$0x30];
	_ =	sdelay $0x4  }
0x108: {  	v2 =	vmul.f32 v3, v2;
	_ =	sdelay $0x1  }
0x109: {  	[tilespmem:s10+$0x30] =	vst v2  }
0x10a: {  	[spmem:s2] =	stream.indirect.scatter.add.f32 [tilespmem:s17], [sflag:$0x2], $0x10, s14, s16, $0xb8;
	[tilespmem:$0x1D400] =	vst v63  }
0x10b: {  	s25 =	simm.s32 $0x480  }
0x10c: {  	[spmem:s2] =	stream.indirect.scatter.add.f32 [tilespmem:s18], [sflag:$0x2], $0x10, s25, s16, $0xb8;
	[tilespmem:$0x1D400] =	vst v63  }
0x10d: {  	s11 =	simm.s32 $0x500  }
0x10e: {  	[spmem:s2] =	stream.indirect.scatter.add.f32 [tilespmem:s20], [sflag:$0x2], $0x10, s11, s16, $0xb8;
	[tilespmem:$0x1D400] =	vst v63  }
0x10f: {  	s19 =	simm.s32 $0x580  }
0x110: {  	[spmem:s2] =	stream.indirect.scatter.add.f32 [tilespmem:s22], [sflag:$0x2], $0x10, s19, s16, $0xb8;
	[tilespmem:$0x1D400] =	vst v63  }
0x111: {  	s25 =	simm.s32 $0x600  }
0x112: {  	[spmem:s2] =	stream.indirect.scatter.add.f32 [tilespmem:s24], [sflag:$0x2], $0x10, s25, s16, $0xb8;
	[tilespmem:$0x1D400] =	vst v63  }
0x113: {  	_ = 	snop  }
0x114: {  	[spmem:s2] =	stream.indirect.scatter.add.f32 [tilespmem:s28], [sflag:$0x2], $0x10, s21, s16, $0xb8;
	[tilespmem:$0x1D400] =	vst v63  }
0x115: {  	_ = 	snop  }
0x116: {  	[spmem:s2] =	stream.indirect.scatter.add.f32 [tilespmem:s30], [sflag:$0x2], $0x10, s23, s16, $0xb8;
	[tilespmem:$0x1D400] =	vst v63  }
0x117: {  	_ = 	snop  }
0x118: {  	[spmem:s2] =	stream.indirect.scatter.add.f32 [tilespmem:s0], [sflag:$0x2], $0x10, s26, s16, $0xb8;
	[tilespmem:$0x1D400] =	vst v63  }
0x119: {  	_ =	swait.ge [sflag:s29], $0x800  }
0x11a: {  	[sflag:s29] =	ssyncset.done $0x0  }
0x11b: {  	[sflag:s29] =	ssyncadd.s32 $0xFFFFF800  }
0x11c: {  	_ =	swait.ge [sflag:s29], $0x800  }
0x11d: {  	[sflag:s29] =	ssyncset.done $0x0  }
0x11e: {  	[sflag:s29] =	ssyncadd.s32 $0xFFFFF800  }
0x11f: {  	_ =	swait.ge [sflag:s29], $0x800  }
0x120: {  	[sflag:s29] =	ssyncset.done $0x0  }
0x121: {  	[sflag:s29] =	ssyncadd.s32 $0xFFFFF800  }
0x122: {  	_ =	swait.ge [sflag:s29], $0x800  }
0x123: {  	[sflag:s29] =	ssyncset.done $0x0  }
0x124: {  	[sflag:s29] =	ssyncadd.s32 $0xFFFFF800  }
0x125: {  	_ =	swait.ge [sflag:s29], $0x800  }
0x126: {  	[sflag:s29] =	ssyncset.done $0x0  }
0x127: {  	[sflag:s29] =	ssyncadd.s32 $0xFFFFF800  }
0x128: {  	_ =	swait.ge [sflag:s29], $0x800  }
0x129: {  	[sflag:s29] =	ssyncset.done $0x0  }
0x12a: {  	s31 =	sadd.s32 $0x1, s31;
	[sflag:s29] =	ssyncadd.s32 $0xFFFFF800  }
0x12b: {  	p0 =	sne.s32 s31, $0x32;
	_ =	swait.ge [sflag:s29], $0x800  }
.Ltmp2:
0x12c: {  	[sflag:s29] =	ssyncset.done $0x0;
	(pc) =	sbr.rel @p0 .LBB2_4-.Ltmp2, $4  }
0x12d: {  	[sflag:s29] =	ssyncadd.s32 $0xFFFFF800  }
0x12e: {  	_ =	swait.ge [sflag:s29], $0x800  }
0x12f: {  	[sflag:s29] =	ssyncset.done $0x0  }
0x130: {  	[sflag:s29] =	ssyncadd.s32 $0xFFFFF800  }
0x131: {  	s10 =	stileid.u32;
	[bflag:$0x0] =	sbarrier.arrive $0xFFFF  }
0x132: {  	s10 =	sshll.u32 s10, $0x6;
	s11 =	rddreg [dreg:$0x4]  }
0x133: {  	s19 =	rddreg [dreg:$0x6];
	s10 =	sor.u32 $0x1C03, s10  }
0x134: {  	[hbm:s11], [sflag:s10] =	dma.local [spmem:s19], $0x30E0  }
0x135: {  	_ =	swait.ge [sflag:s13], $0x30E0  }
0x136: {  	s25 =	rddreg [dreg:$0x7]  }
0x137: {  	s31 =	rddreg [dreg:$0x5];
	s11 =	sadd.s32 $0x1, s25  }
0x138: {  	p0 =	sne.s32 s11, s31  }
.Ltmp3:
0x139: {  	_ = 	snop;
	(pc) =	sbr.rel @p0 .LBB2_1-.Ltmp3, $3  }
0x13a: {  	_ =	sdelay $0x1  }
0x13b: {  	[sflag:s13] =	ssyncset.done $0x0  }
0x13c: {  	[sflag:s13] =	ssyncadd.s32 $0xFFFFCF20  }
0x13d: {  	_ =	sfence.sel $0x180000  }
0x13e: {  	[bflag:$0x0] =	sbarrier.arrive $0xFFFF  }
0x13f: {  	_ =	strace $0x9000004A  }
0x140: {  	s0 =	stileid.u32;
	[bflag:$0x2] =	sbarrier.arrive $0xFFFF  }
0x141: {  	p0 =	sne.s32 s0, $0x0;
	s0 =	rddreg [dreg:$0x3]  }
0x142: {  	s0 =	sadd.s32 @!p0 $0x100000, s0  }
0x143: {  	[sflag:s0] =	ssyncadd.tile.s32 @!p0 $0x1;
	_ =	shalt  }
.Lfunc_end2:
_tile_overlayer_lowered:
.L_overlay_start_2:
0x144: {  	(tag) =	ssettag $0x2  }
0x145: {  	s0 =	rddreg [dreg:$0x0];
	s2 =	stileid.u32  }
0x146: {  	s1 =	rddreg [dreg:$0x1];
	p0 =	sne.s32 s2, $0x0  }
0x147: {  	s3 =	rddreg [dreg:$0x2];
	[bflag:$0x3] =	sbarrier.arrive $0xFFFF;
	s2 =	simm.s32 @!p0 $0x1C03  }
0x148: {  	[timem:s3], [sflag:s2] =	dma.local @!p0 [hbm:s0], s1  }
0x149: {  	s0 =	simm.s32 @!p0 $0x3  }
0x14a: {  	_ =	swait.ge @!p0 [sflag:s0], s1  }
0x14b: {  	s1 =	ssub.s32 @!p0 $0x0, s1;
	[sflag:s0] =	ssyncset.done @!p0 $0x0  }
0x14c: {  	[sflag:s0] =	ssyncadd.s32 @!p0 s1  }
0x14d: {  	[bflag:$0x3] =	sbarrier.arrive $0xFFFF  }
0x14e: {  	_ =	shalt  }

// kernel: kernel.15.cloned.1.call-start
scs
__scs_entry_jumppad:
0x0: {  	(pc) =	sbr.rel $0x88, $3  }
0x1: {  	(tag) =	ssettag $0x0;
	lr =	simm.s32 $0x1  }
0x2: {  	[smem:$0x3F9A] =	sst lr;
	_ =	strace $0xD0000000  }
0x3: {  	_ = 	snop  }
0x4: {  	_ = 	snop  }
0x5: {  	_ = 	snop  }
0x6: {  	_ = 	snop  }
0x7: {  	_ = 	snop  }
__scs_overlays_trampoline_lowered:
0x8: {  	[smem:$0x3FA9] =	sst s0  }
0x9: {  	[smem:$0x3FAA] =	sst s1  }
0xa: {  	[smem:$0x3FAB] =	sst s2  }
0xb: {  	[smem:$0x3FAC] =	sst s3  }
0xc: {  	[smem:$0x3FAD] =	sst s4  }
0xd: {  	[smem:$0x3FAE] =	sst s5  }
0xe: {  	[smem:$0x3FAF] =	sst s6  }
0xf: {  	[smem:$0x3FB0] =	sst s7  }
0x10: {  	[smem:$0x3FB1] =	sst s8  }
0x11: {  	[smem:$0x3FB2] =	sst s9;
	s0 =	simm.s32 @!p0 $0x0  }
0x12: {  	s1 =	sld [smem:$0x3F98];
	s0 =	simm.s32 @p0 $0x1  }
0x13: {  	[smem:$0x3FB3] =	sst s0;
	s0 =	simm.s32 @!p1 $0x0  }
0x14: {  	s2 =	sld [smem:$0x3F97];
	s0 =	simm.s32 @p1 $0x1  }
0x15: {  	[smem:$0x3FB4] =	sst s0;
	s0 =	simm.s32 @!p2 $0x0  }
0x16: {  	s3 =	sld [smem:$0x3FDB];
	s0 =	simm.s32 @p2 $0x1  }
0x17: {  	s4 =	simm.s32 $0x1BF5;
	[smem:$0x3FB6] =	sst s0  }
0x18: {  	s0 =	sld [smem:$0x3F99];
	_ =	swait.ge [sflag:s4], $0x0  }
0x19: {  	s7 =	sld [smem:$0x3F9A]  }
0x1a: {  	s8 =	sadd.s32 $0xFFFFE003, lr  }
0x1b: {  	s9 =	sadd.s32 $0xFFFFFEF7, lr;
	s5 =	simm.s32 $0xFFFFFFFF;
	p2 =	slt.u32 s8, $0xFFFFF086  }
0x1c: {  	p1 =	slt.u32 s9, $0xF7A;
	s5 =	simm.s32 @!p2 $0x0  }
0x1d: {  	s5 =	simm.s32 @p1 $0x1;
	p0 =	seq.s32 s7, s2  }
0x1e: {  	s7 =	smul.u32 @!p0 $0xF7A, s2;
	p2 =	seq.s32 @!p0 s5, $0x0  }
0x1f: {  	s9 =	smul.u32 $0xF7A, s1;
	s8 =	simm.s32 @!p0 $0x1BF5;
	p2 =	por !p2, p0  }
0x20: {  	[sflag:s8] =	ssyncset.s32 @!p0 $0xFFFFF086;
	s6 =	sadd.s32 @!p0 s3, s7;
	s7 =	simm.s32 @!p0 $0x108  }
0x21: {  	s3 =	sadd.s32 s3, s9;
	s6 =	sadd.s32 @!p0 $0x88, s6;
	s7 =	simm.s32 @p2 $0x1082  }
0x22: {  	[simem:s7], [sflag:s8] =	dma.local @!p0 [hbm:s6], $0xF7A  }
0x23: {  	s9 =	sor.u32 $0xD0000000, s2;
	s6 =	simm.s32 $0x108;
	_ =	swait.ge @!p0 [sflag:s8], $0x0  }
0x24: {  	s3 =	sadd.s32 $0x88, s3;
	s6 =	simm.s32 @!p1 $0x1082;
	[sflag:s4] =	ssyncset.s32 $0xFFFFF086  }
0x25: {  	[simem:s6], [sflag:s4] =	dma.local [hbm:s3], $0xF7A  }
0x26: {  	[smem:$0x3F9A] =	sst s1;
	(tag) =	ssettag s2;
	_ =	strace s9  }
0x27: {  	s1 =	sld [smem:$0x3FAA]  }
0x28: {  	s2 =	sld [smem:$0x3FAB]  }
0x29: {  	s4 =	sld [smem:$0x3FAD]  }
0x2a: {  	p0 =	seq.s32 s5, $0x0;
	s5 =	sld [smem:$0x3FAE]  }
0x2b: {  	s6 =	sld [smem:$0x3FAF]  }
0x2c: {  	s7 =	sld [smem:$0x3FB0]  }
0x2d: {  	s3 =	simm.s32 $0x108;
	s8 =	sld [smem:$0x3FB1]  }
0x2e: {  	s3 =	simm.s32 @!p0 $0x1082;
	s9 =	sld [smem:$0x3FB2]  }
0x2f: {  	lr =	sadd.s32 s0, s3;
	s0 =	sld [smem:$0x3FA9]  }
0x30: {  	s3 =	sld [smem:$0x3FAC]  }
0x31: {  	[smem:$0x3FB5] =	sst s10  }
0x32: {  	s10 =	sld [smem:$0x3FB3];
	_ =	sdelay $0x3  }
0x33: {  	p0 =	seq.s32 s10, $0x1;
	s10 =	sld [smem:$0x3FB5];
	_ =	sdelay $0x3  }
0x34: {  	[smem:$0x3FB5] =	sst s10  }
0x35: {  	s10 =	sld [smem:$0x3FB4];
	_ =	sdelay $0x3  }
0x36: {  	p1 =	seq.s32 s10, $0x1;
	s10 =	sld [smem:$0x3FB5];
	_ =	sdelay $0x3  }
0x37: {  	[smem:$0x3FB5] =	sst s10  }
0x38: {  	s10 =	sld [smem:$0x3FB6]  }
0x39: {  	_ = 	snop;
	(pc) =	sbr.ind lr, $3  }
0x3a: {  	_ = 	snop  }
0x3b: {  	_ = 	snop  }
0x3c: {  	p2 =	seq.s32 s10, $0x1;
	s10 =	sld [smem:$0x3FB5]  }
0x3d: {  	_ =	shalt  }
0x3e: {  	_ =	shalt  }
0x3f: {  	_ =	shalt  }
0x40: {  	_ =	shalt  }
0x41: {  	_ =	shalt  }
0x42: {  	_ =	shalt  }
0x43: {  	_ =	shalt  }
0x44: {  	_ =	shalt  }
0x45: {  	_ =	shalt  }
0x46: {  	_ =	shalt  }
0x47: {  	_ =	shalt  }
0x48: {  	_ =	shalt  }
0x49: {  	_ =	shalt  }
0x4a: {  	_ =	shalt  }
0x4b: {  	_ =	shalt  }
0x4c: {  	_ =	shalt  }
0x4d: {  	_ =	shalt  }
0x4e: {  	_ =	shalt  }
0x4f: {  	_ =	shalt  }
0x50: {  	_ =	shalt  }
0x51: {  	_ =	shalt  }
0x52: {  	_ =	shalt  }
0x53: {  	_ =	shalt  }
0x54: {  	_ =	shalt  }
0x55: {  	_ =	shalt  }
0x56: {  	_ =	shalt  }
0x57: {  	_ =	shalt  }
0x58: {  	_ =	shalt  }
0x59: {  	_ =	shalt  }
0x5a: {  	_ =	shalt  }
0x5b: {  	_ =	shalt  }
0x5c: {  	_ =	shalt  }
0x5d: {  	_ =	shalt  }
0x5e: {  	_ =	shalt  }
0x5f: {  	_ =	shalt  }
0x60: {  	_ =	shalt  }
0x61: {  	_ =	shalt  }
0x62: {  	_ =	shalt  }
0x63: {  	_ =	shalt  }
0x64: {  	_ =	shalt  }
0x65: {  	_ =	shalt  }
0x66: {  	_ =	shalt  }
0x67: {  	_ =	shalt  }
0x68: {  	_ =	shalt  }
0x69: {  	_ =	shalt  }
0x6a: {  	_ =	shalt  }
0x6b: {  	_ =	shalt  }
0x6c: {  	_ =	shalt  }
0x6d: {  	_ =	shalt  }
0x6e: {  	_ =	shalt  }
0x6f: {  	_ =	shalt  }
0x70: {  	_ =	shalt  }
0x71: {  	_ =	shalt  }
0x72: {  	_ =	shalt  }
0x73: {  	_ =	shalt  }
0x74: {  	_ =	shalt  }
0x75: {  	_ =	shalt  }
0x76: {  	_ =	shalt  }
0x77: {  	_ =	shalt  }
0x78: {  	_ =	shalt  }
0x79: {  	_ =	shalt  }
0x7a: {  	_ =	shalt  }
0x7b: {  	_ =	shalt  }
0x7c: {  	_ =	shalt  }
0x7d: {  	_ =	shalt  }
0x7e: {  	_ =	shalt  }
0x7f: {  	_ =	shalt  }
0x80: {  	_ =	shalt  }
0x81: {  	_ =	shalt  }
0x82: {  	_ =	shalt  }
0x83: {  	_ =	shalt  }
0x84: {  	_ =	shalt  }
0x85: {  	_ =	shalt  }
0x86: {  	_ =	shalt  }
0x87: {  	_ =	shalt  }
.Lfunc_end0:
.L_simem_size_0:
called_computation.2_lowered:
.L_overlay_start_0:
0x88: {  	s2 =	sld [smem:$0x3FD9]  }
0x89: {  	s3 =	sld [smem:$0x3FFE];
	_ =	sdelay $0x1  }
0x8a: {  	s1 =	srdreg.scid  }
0x8b: {  	s0 =	sand.u32 $0x1, s1  }
0x8c: {  	s16 =	sshll.u32 s0, $0xA;
	s2 =	sadd.s32 s3, s2  }
0x8d: {  	s2 =	sadd.s32 s2, s16  }
0x8e: {  	[smem:$0x3FC1] =	sst s2  }
0x8f: {  	_ = 	snop  }
0x90: {  	(tm) =	ssettm $0x1  }
0x91: {  	s17 =	sld [smem:$0x3FFB];
	_ =	sdelay $0x3  }
0x92: {  	_ =	strace s17  }
0x93: {  	s2 =	sld [smem:$0x3FFC];
	_ =	sdelay $0x3  }
0x94: {  	_ =	strace s2  }
0x95: {  	s2 =	sld [smem:$0x3FFD];
	_ =	sdelay $0x3  }
0x96: {  	_ =	strace s2  }
0x97: {  	_ =	strace $0x8FFFFFFF  }
0x98: {  	s18 =	sld [smem:$0x3FDB];
	_ =	sdelay $0x1  }
0x99: {  	s19 =	simm.s32 $_scs_section_size  }
0x9a: {  	s4 =	simm.s32 $_size__tile_overlayer_lowered;
	s5 =	simm.s32 $_tile_overlayer_lowered  }
0x9b: {  	s22 =	simm.s32 $0x1BFF;
	s21 =	sshll.u32 s5, $0x1;
	s2 =	sadd.s32 s19, s18  }
0x9c: {  	s6 =	simm.s32 $0x0;
	s20 =	sshll.u32 s4, $0x1;
	s4 =	sadd.s32 s21, s2  }
0x9d: {  	[timem:s6], [sflag:s22] =	dma.local [hbm:s4], s20  }
0x9e: {  	_ =	swait.ge [sflag:s22], s20  }
0x9f: {  	s3 =	ssub.s32 $0x0, s20;
	[sflag:s22] =	ssyncset.done $0x0  }
0xa0: {  	[sflag:s22] =	ssyncadd.s32 s3;
	_ =	sdelay $0x1  }
0xa1: {  	s23 =	simm.s32 $0x1B8B  }
0xa2: {  	_ =	swait.ge [sflag:s23], $0x1  }
0xa3: {  	[sflag:s23] =	ssyncset.done $0x0  }
0xa4: {  	s25 =	simm.s32 $0x1B8E;
	s24 =	sld [smem:$0x3FFE];
	[sflag:s23] =	ssyncadd.s32 $0xFFFFFFFF  }
0xa5: {  	s26 =	simm.s32 $execute0_lowered;
	[smem:$0x3FD2] =	sst s25  }
0xa6: {  	s4 =	sshll.u32 s26, $0x1;
	_ =	strace $0x8000004C;
	[dreg:$0x1] =	wrdreg $0xFFFFFFFF  }
0xa7: {  	s28 =	simm.s32 $_size_execute0_lowered;
	s2 =	sadd.s32 s2, s4;
	[dreg:$0x0] =	wrdreg $0x0  }
0xa8: {  	s4 =	sshll.u32 s28, $0x1;
	[dreg:$0x2] =	wrdreg s2  }
0xa9: {  	[dreg:$0x3] =	wrdreg s4  }
0xaa: {  	[dreg:$0x4] =	wrdreg $0xC0  }
0xab: {  	_ =	task [dreg:s6], $0x5FFFF  }
0xac: {  	[dreg:$0x1] =	wrdreg $0xFFFFFFFF  }
0xad: {  	[dreg:$0x0] =	wrdreg $0x60  }
0xae: {  	[dreg:$0x2] =	wrdreg s24  }
0xaf: {  	[dreg:$0x3] =	wrdreg $0x4D000  }
0xb0: {  	[dreg:$0x4] =	wrdreg $0x9  }
0xb1: {  	_ =	task.clear_ibuf [dreg:s6], $0x5FFFF;
	_ =	strace $0x9000004C  }
0xb2: {  	s29 =	simm.s32 $0x9;
	_ =	strace $0x8000004E  }
0xb3: {  	_ =	swait.ge [sflag:s29], $0x1  }
0xb4: {  	[sflag:s29] =	ssyncadd.s32 $0xFFFFFFFF  }
0xb5: {  	_ =	strace $0x9000004E  }
0xb6: {  	_ =	sfence  }
0xb7: {  	s30 =	sld [smem:$0x0];
	_ =	sdelay $0x2  }
0xb8: {  	s31 =	sshll.u32 s1, $0xD;
	s1 =	sshrl.u32 s1, $0x2  }
0xb9: {  	s3 =	sand.u32 $0x4000, s31;
	s1 =	sadd.s32 s1, s30  }
0xba: {  	s0 =	sor.u32 s3, s0;
	s1 =	sshll.u32 s1, $0x11  }
0xbb: {  	s0 =	sor.u32 s1, s0  }
0xbc: {  	s0 =	sadd.s32 $0x8F2B, s0  }
0xbd: {  	[sflag:s0] =	ssyncadd.remote.s32 $0x1  }
0xbe: {  	_ =	sfence.sel $0xFFFF  }
0xbf: {  	[dreg:$0x0] =	wrdreg $0xFFFFFFFF;
	(pc) =	sbr.abs _section_cstart, $3  }
0xc0: {  	[dreg:$0x1] =	wrdreg $0xFFFFFFFF  }
0xc1: {  	_ =	task.clear_ibuf [dreg:s6], $0x2FFFF;
	_ =	strace $0x9FFFFFFF  }
0xc2: {  	(tm) =	ssettm $0x7FFFFFFF  }
0xc3: {  	_ =	shalt  }
tec
execute0_lowered:
.L_overlay_start_1:
0x0: {  	(tag) =	ssettag $0x1  }
0x1: {  	s0 =	rddreg [dreg:$0x0]  }
0x2: {  	s1 =	rddreg [dreg:$0x1];
	s2 =	srdreg.scid;
	s3 =	simm.s32 $0x0  }
0x3: {  	s11 =	stileid.u32;
	s13 =	simm.s32 $0x3;
	s14 =	simm.s32 $0x400  }
0x4: {  	s15 =	simm.s32 $0x800;
	s16 =	simm.s32 $0x80;
	s17 =	simm.s32 $0xC00  }
0x5: {  	s18 =	simm.s32 $0x1400;
	s20 =	simm.s32 $0x1C00;
	s22 =	simm.s32 $0x2400  }
0x6: {  	s28 =	simm.s32 $0x3400;
	s30 =	simm.s32 $0x3C00;
	s21 =	simm.s32 $0x680  }
0x7: {  	s23 =	simm.s32 $0x700;
	s29 =	simm.s32 $0x2;
	s2 =	sand.u32 $0x1, s2  }
0x8: {  	[smem:$0x7FF] =	sst s3;
	s10 =	smul.u32 $0x18700, s11;
	s4 =	sadd.s32 $0xC7400, s0  }
0x9: {  	s5 =	sadd.s32 $0x1800, s0;
	s6 =	sadd.s32 $0x33800, s0;
	s9 =	smul.u32 $0x61C00, s11  }
0xa: {  	s11 =	sshll.u32 s11, $0x1;
	s7 =	smul.u32 $0x187000, s2;
	_ =	strace $0x8000004D  }
0xb: {  	s24 =	ssub.s32 $0x2, s2;
	s2 =	sor.u32 s2, s11;
	s11 =	simm.s32 $0x0  }
0xc: {  	s12 =	sshrl.u32 s24, $0x1;
	s9 =	sshrl.u32 s9, $0x2;
	s26 =	sadd.s32 s10, s1  }
0xd: {  	s8 =	sadd.s32 s10, s7;
	s7 =	sadd.s32 $0x65800, s0;
	s25 =	ssub.s32 s24, s12  }
0xe: {  	s12 =	simm.s32 $0x4C00;
	s24 =	simm.s32 $0x2C00;
	s8 =	sshrl.u32 s8, $0x3  }
0xf: {  	s31 =	smax.u32 s25, $0x1;
	s0 =	sadd.s32 s8, s0;
	s8 =	sadd.s32 s9, s1  }
0x10: {  	s9 =	smul.u32 $0xC800, s2;
	[dreg:$0x4] =	wrdreg s31;
	s0 =	sadd.s32 $0xF9400, s0  }
0x11: {  	v1 =	vimm.s32 $0x0;
	vm0 =	vcmask $0x300;
	s2 =	simm.s32 $0x1;
	[dreg:$0x3] =	wrdreg s0;
	s0 =	sshrl.u32 s26, $0x3  }
0x12: {  	v0 =	vimm.f32 $0.0e+00;
	v1 =	vsel vm0, $0x3, v1;
	s26 =	simm.s32 $0x780;
	[dreg:$0x5] =	wrdreg s0;
	s0 =	simm.s32 $0x4400  }
.LBB2_1:
0x13: {  	[tilespmem:$0x4C00] =	vst v0  }
0x14: {  	[tilespmem:$0x4C10] =	vst v0  }
0x15: {  	[tilespmem:$0x4C20] =	vst v0  }
0x16: {  	[tilespmem:$0x4C30] =	vst v0  }
0x17: {  	[tilespmem:$0x4C40] =	vst v0  }
0x18: {  	[tilespmem:$0x4C50] =	vst v0  }
0x19: {  	[tilespmem:$0x4C60] =	vst v0  }
0x1a: {  	[tilespmem:$0x4C70] =	vst v0  }
0x1b: {  	[tilespmem:$0x4C80] =	vst v0  }
0x1c: {  	[tilespmem:$0x4C90] =	vst v0  }
0x1d: {  	[tilespmem:$0x4CA0] =	vst v0  }
0x1e: {  	[tilespmem:$0x4CB0] =	vst v0  }
0x1f: {  	[tilespmem:$0x4CC0] =	vst v0  }
0x20: {  	[tilespmem:$0x4CD0] =	vst v0  }
0x21: {  	[tilespmem:$0x4CE0] =	vst v0  }
0x22: {  	[dreg:$0x6] =	wrdreg s11;
	[tilespmem:$0x4CF0] =	vst v0;
	s10 =	sadd.s32 $0x0, s8  }
0x23: {  	[spmem:s10] =	stream.linear.scatter [tilespmem:s12], [sflag:$0x3], $0x100, $0x38;
	[tilespmem:$0x1D400] =	vst v63  }
0x24: {  	s10 =	simm.s32 $0x400;
	_ =	swait.ge [sflag:s13], $0x100  }
.LBB2_2:
0x25: {  	s11 =	sshra.s32 s10, $0x2;
	[sflag:s13] =	ssyncset.done $0x0;
	p0 =	sne.s32 s10, $0x61800  }
.Ltmp0:
0x26: {  	s11 =	sadd.s32 s11, s8;
	[sflag:s13] =	ssyncadd.s32 $0xFFFFFF00;
	(pc) =	sbr.rel @p0 .LBB2_2-.Ltmp0, $3  }
0x27: {  	[spmem:s11] =	stream.linear.scatter [tilespmem:s12], [sflag:$0x3], $0x100, $0x38;
	[tilespmem:$0x1D400] =	vst v63  }
0x28: {  	s10 =	sadd.s32 $0x400, s10;
	_ =	sdelay $0x1  }
0x29: {  	_ =	swait.ge [sflag:s13], $0x100  }
0x2a: {  	[sflag:s13] =	ssyncset.done $0x0  }
0x2b: {  	[sflag:s13] =	ssyncadd.s32 $0xFFFFFF00  }
0x2c: {  	s31 =	simm.s32 $0x0;
	[bflag:$0x0] =	sbarrier.arrive $0xFFFF  }
.LBB2_4:
0x2d: {  	s10 =	sshll.u32 s31, $0xA  }
0x2e: {  	s10 =	sadd.s32 s9, s10  }
0x2f: {  	s10 =	sshrl.u32 s10, $0x3  }
0x30: {  	s11 =	sadd.s32 s4, s10  }
0x31: {  	[tilespmem:s3], [sflag:$0x3] =	stream.linear.gather [hbm4b:s11+s3], $0x400, $0x38;
	[tilespmem:$0x1D400] =	vst v63  }
0x32: {  	_ =	swait.ge [sflag:s13], $0x400  }
0x33: {  	[sflag:s13] =	ssyncset.done $0x0  }
0x34: {  	s19 =	sadd.s32 s5, s10;
	[sflag:s13] =	ssyncadd.s32 $0xFFFFFC00  }
0x35: {  	[tilespmem:s14], [sflag:$0x3] =	stream.linear.gather [hbm4b:s19+s3], $0x400, $0x38;
	[tilespmem:$0x1D400] =	vst v63  }
0x36: {  	_ =	swait.ge [sflag:s13], $0x400  }
0x37: {  	[sflag:s13] =	ssyncset.done $0x0  }
0x38: {  	s10 =	sadd.s32 s6, s10;
	[sflag:s13] =	ssyncadd.s32 $0xFFFFFC00  }
0x39: {  	[tilespmem:s15], [sflag:$0x3] =	stream.linear.gather [hbm4b:s10+s3], $0x400, $0x38;
	[tilespmem:$0x1D400] =	vst v63  }
0x3a: {  	_ =	swait.ge [sflag:s13], $0x400  }
0x3b: {  	[sflag:s13] =	ssyncset.done $0x0  }
0x3c: {  	[sflag:s13] =	ssyncadd.s32 $0xFFFFFC00  }
0x3d: {  	[tilespmem:s17], [sflag:$0x1] =	stream.indirect.gather [hbm4b:s7+s16], $0x10, s3, s16, $0xb8;
	[tilespmem:$0x1D400] =	vst v63  }
0x3e: {  	_ = 	snop  }
0x3f: {  	[tilespmem:s18], [sflag:$0x1] =	stream.indirect.gather [hbm4b:s7+s16], $0x10, s16, s16, $0xb8;
	[tilespmem:$0x1D400] =	vst v63  }
0x40: {  	s25 =	simm.s32 $0x100  }
0x41: {  	[tilespmem:s20], [sflag:$0x1] =	stream.indirect.gather [hbm4b:s7+s16], $0x10, s25, s16, $0xb8;
	[tilespmem:$0x1D400] =	vst v63  }
0x42: {  	s11 =	simm.s32 $0x180  }
0x43: {  	[tilespmem:s22], [sflag:$0x1] =	stream.indirect.gather [hbm4b:s7+s16], $0x10, s11, s16, $0xb8;
	[tilespmem:$0x1D400] =	vst v63  }
0x44: {  	s19 =	simm.s32 $0x200  }
0x45: {  	[tilespmem:s24], [sflag:$0x1] =	stream.indirect.gather [hbm4b:s7+s16], $0x10, s19, s16, $0xb8;
	[tilespmem:$0x1D400] =	vst v63  }
0x46: {  	s25 =	simm.s32 $0x280  }
0x47: {  	[tilespmem:s28], [sflag:$0x1] =	stream.indirect.gather [hbm4b:s7+s16], $0x10, s25, s16, $0xb8;
	[tilespmem:$0x1D400] =	vst v63  }
0x48: {  	s11 =	simm.s32 $0x300  }
0x49: {  	[tilespmem:s30], [sflag:$0x1] =	stream.indirect.gather [hbm4b:s7+s16], $0x10, s11, s16, $0xb8;
	[tilespmem:$0x1D400] =	vst v63  }
0x4a: {  	s19 =	simm.s32 $0x380  }
0x4b: {  	[tilespmem:s0], [sflag:$0x1] =	stream.indirect.gather [hbm4b:s7+s16], $0x10, s19, s16, $0xb8;
	[tilespmem:$0x1D400] =	vst v63  }
0x4c: {  	_ =	swait.ge [sflag:s2], $0x800  }
0x4d: {  	[sflag:s2] =	ssyncset.done $0x0  }
0x4e: {  	[sflag:s2] =	ssyncadd.s32 $0xFFFFF800  }
0x4f: {  	_ =	swait.ge [sflag:s2], $0x800  }
0x50: {  	[sflag:s2] =	ssyncset.done $0x0  }
0x51: {  	[sflag:s2] =	ssyncadd.s32 $0xFFFFF800  }
0x52: {  	_ =	swait.ge [sflag:s2], $0x800  }
0x53: {  	[sflag:s2] =	ssyncset.done $0x0  }
0x54: {  	[sflag:s2] =	ssyncadd.s32 $0xFFFFF800  }
0x55: {  	_ =	swait.ge [sflag:s2], $0x800  }
0x56: {  	[sflag:s2] =	ssyncset.done $0x0  }
0x57: {  	[sflag:s2] =	ssyncadd.s32 $0xFFFFF800  }
0x58: {  	_ =	swait.ge [sflag:s2], $0x800  }
0x59: {  	[sflag:s2] =	ssyncset.done $0x0  }
0x5a: {  	s25 =	simm.s32 $0x0;
	[sflag:s2] =	ssyncadd.s32 $0xFFFFF800  }
0x5b: {  	v2 =	vmov s25;
	_ =	swait.ge [sflag:s2], $0x800  }
0x5c: {  	v2 =	vshrl.u32 v2, $0x3;
	[sflag:s2] =	ssyncset.done $0x0  }
0x5d: {  	v2 =	vshll.u32 v2, v1;
	[sflag:s2] =	ssyncadd.s32 $0xFFFFF800  }
0x5e: {  	v2 =	vbroadcast v2, $0x0;
	_ =	swait.ge [sflag:s2], $0x800  }
0x5f: {  	[sflag:s2] =	ssyncset.done $0x0  }
0x60: {  	[sflag:s2] =	ssyncadd.s32 $0xFFFFF800  }
0x61: {  	_ =	swait.ge [sflag:s2], $0x800  }
0x62: {  	[sflag:s2] =	ssyncset.done $0x0  }
0x63: {  	s11 =	simm.s32 $0x1;
	[sflag:s2] =	ssyncadd.s32 $0xFFFFF800  }
0x64: {  	s10 =	simm.s32 $0xC40;
	v3 =	vmov s11;
	v2 =	vld.idx.msk [tilespmem:v2+s15+$0x0], $0xffff  }
0x65: {  	v3 =	vshrl.u32 v3, $0x3;
	v4 =	vld [tilespmem:s10+$0xFFFFFFC0]  }
0x66: {  	v3 =	vshll.u32 v3, v1  }
0x67: {  	v3 =	vadd.s32 $0x1, v3  }
0x68: {  	v3 =	vbroadcast v3, $0x0;
	_ =	sdelay $0x1  }
0x69: {  	v2 =	vmul.f32 v4, v2  }
0x6a: {  	s19 =	simm.s32 $0x2  }
0x6b: {  	[tilespmem:s10+$0xFFFFFFC0] =	vst v2;
	v2 =	vmov s19  }
0x6c: {  	v58 =	vld [tilespmem:s10+$0xFFFFFFD0];
	v2 =	vshrl.u32 v2, $0x3  }
0x6d: {  	v3 =	vld.idx.msk [tilespmem:v3+s15+$0x0], $0xffff;
	v2 =	vshll.u32 v2, v1  }
0x6e: {  	v2 =	vadd.s32 $0x2, v2  }
0x6f: {  	v2 =	vbroadcast v2, $0x0;
	_ =	sdelay $0x2  }
0x70: {  	v3 =	vmul.f32 v58, v3  }
0x71: {  	s25 =	simm.s32 $0x3  }
0x72: {  	v59 =	vld [tilespmem:s10+$0xFFFFFFE0];
	[tilespmem:s10+$0xFFFFFFD0] =	vst v3;
	v3 =	vmov s25  }
0x73: {  	v3 =	vshrl.u32 v3, $0x3;
	v2 =	vld.idx.msk [tilespmem:v2+s15+$0x0], $0xffff  }
0x74: {  	v3 =	vshll.u32 v3, v1  }
0x75: {  	v3 =	vadd.s32 $0x3, v3  }
0x76: {  	v3 =	vbroadcast v3, $0x0;
	_ =	sdelay $0x1  }
0x77: {  	v2 =	vmul.f32 v59, v2  }
0x78: {  	s19 =	simm.s32 $0x4  }
0x79: {  	[tilespmem:s10+$0xFFFFFFE0] =	vst v2;
	v2 =	vmov s19  }
0x7a: {  	v60 =	vld [tilespmem:s10+$0xFFFFFFF0];
	v2 =	vshrl.u32 v2, $0x3  }
0x7b: {  	v3 =	vld.idx.msk [tilespmem:v3+s15+$0x0], $0xffff;
	v2 =	vshll.u32 v2, v1  }
0x7c: {  	v2 =	vadd.s32 $0x4, v2  }
0x7d: {  	v2 =	vbroadcast v2, $0x0;
	_ =	sdelay $0x2  }
0x7e: {  	v3 =	vmul.f32 v60, v3  }
0x7f: {  	s25 =	simm.s32 $0x5  }
0x80: {  	v61 =	vld [tilespmem:s10+$0x0];
	[tilespmem:s10+$0xFFFFFFF0] =	vst v3;
	v3 =	vmov s25  }
0x81: {  	v3 =	vshrl.u32 v3, $0x3;
	v2 =	vld.idx.msk [tilespmem:v2+s15+$0x0], $0xffff  }
0x82: {  	v3 =	vshll.u32 v3, v1  }
0x83: {  	v3 =	vadd.s32 $0x5, v3  }
0x84: {  	v3 =	vbroadcast v3, $0x0;
	_ =	sdelay $0x1  }
0x85: {  	v2 =	vmul.f32 v61, v2  }
0x86: {  	s19 =	simm.s32 $0x6  }
0x87: {  	[tilespmem:s10+$0x0] =	vst v2;
	v2 =	vmov s19  }
0x88: {  	v62 =	vld [tilespmem:s10+$0x10];
	v2 =	vshrl.u32 v2, $0x3  }
0x89: {  	v3 =	vld.idx.msk [tilespmem:v3+s15+$0x0], $0xffff;
	v2 =	vshll.u32 v2, v1  }
0x8a: {  	v2 =	vadd.s32 $0x6, v2  }
0x8b: {  	v2 =	vbroadcast v2, $0x0;
	_ =	sdelay $0x2  }
0x8c: {  	v3 =	vmul.f32 v62, v3;
	_ =	sdelay $0x1  }
0x8d: {  	[tilespmem:s10+$0x10] =	vst v3;
	v3 =	vld [tilespmem:s10+$0x20]  }
0x8e: {  	v2 =	vld.idx.msk [tilespmem:v2+s15+$0x0], $0xffff  }
0x8f: {  	s25 =	simm.s32 $0x7  }
0x90: {  	v63 =	vmov s25  }
0x91: {  	v4 =	vshrl.u32 v63, $0x3  }
0x92: {  	v4 =	vshll.u32 v4, v1  }
0x93: {  	v3 =	vmul.f32 v3, v2;
	v2 =	vadd.s32 $0x7, v4  }
0x94: {  	v2 =	vbroadcast v2, $0x0;
	_ =	sdelay $0x4  }
0x95: {  	s11 =	simm.s32 $0xF;
	s25 =	simm.s32 $0x17;
	s19 =	simm.s32 $0x8;
	[tilespmem:s10+$0x20] =	vst v3  }
.LBB2_5:
0x96: {  	p0 =	sne.s32 s25, $0x3FF;
	v3 =	vmov s19;
	v2 =	vld.idx.msk [tilespmem:v2+s15+$0x0], $0xffff  }
0x97: {  	v3 =	vshrl.u32 v3, $0x3;
	v4 =	vld [tilespmem:s10+$0x30]  }
0x98: {  	v3 =	vshll.u32 v3, v1  }
0x99: {  	v3 =	vbroadcast v3, $0x0;
	_ =	sdelay $0x2  }
0x9a: {  	v2 =	vmul.f32 v4, v2  }
0x9b: {  	s19 =	sadd.s32 $0xFFFFFFFA, s11  }
0x9c: {  	v4 =	vmov s19;
	[tilespmem:s10+$0x30] =	vst v2  }
0x9d: {  	s10 =	sadd.s32 $0x80, s10;
	v2 =	vld.idx.msk [tilespmem:v3+s15+$0x0], $0xffff;
	v3 =	vshrl.u32 v4, $0x3  }
0x9e: {  	v4 =	vld [tilespmem:s10+$0xFFFFFFC0];
	v3 =	vshll.u32 v3, v1  }
0x9f: {  	v3 =	vadd.s32 $0x1, v3  }
0xa0: {  	v3 =	vbroadcast v3, $0x0;
	_ =	sdelay $0x2  }
0xa1: {  	v2 =	vmul.f32 v4, v2  }
0xa2: {  	s19 =	sadd.s32 $0xFFFFFFFB, s11  }
0xa3: {  	[tilespmem:s10+$0xFFFFFFC0] =	vst v2;
	v2 =	vmov s19  }
0xa4: {  	v3 =	vld.idx.msk [tilespmem:v3+s15+$0x0], $0xffff;
	v2 =	vshrl.u32 v2, $0x3  }
0xa5: {  	v4 =	vld [tilespmem:s10+$0xFFFFFFD0];
	v2 =	vshll.u32 v2, v1  }
0xa6: {  	v2 =	vadd.s32 $0x2, v2  }
0xa7: {  	v2 =	vbroadcast v2, $0x0;
	_ =	sdelay $0x2  }
0xa8: {  	v3 =	vmul.f32 v4, v3  }
0xa9: {  	s19 =	sadd.s32 $0xFFFFFFFC, s11  }
0xaa: {  	[tilespmem:s10+$0xFFFFFFD0] =	vst v3;
	v3 =	vmov s19  }
0xab: {  	v2 =	vld.idx.msk [tilespmem:v2+s15+$0x0], $0xffff;
	v3 =	vshrl.u32 v3, $0x3  }
0xac: {  	v4 =	vld [tilespmem:s10+$0xFFFFFFE0];
	v3 =	vshll.u32 v3, v1  }
0xad: {  	v3 =	vadd.s32 $0x3, v3  }
0xae: {  	v3 =	vbroadcast v3, $0x0;
	_ =	sdelay $0x2  }
0xaf: {  	v2 =	vmul.f32 v4, v2  }
0xb0: {  	s19 =	sadd.s32 $0xFFFFFFFD, s11  }
0xb1: {  	[tilespmem:s10+$0xFFFFFFE0] =	vst v2;
	v2 =	vmov s19  }
0xb2: {  	v3 =	vld.idx.msk [tilespmem:v3+s15+$0x0], $0xffff;
	v2 =	vshrl.u32 v2, $0x3  }
0xb3: {  	v4 =	vld [tilespmem:s10+$0xFFFFFFF0];
	v2 =	vshll.u32 v2, v1  }
0xb4: {  	v2 =	vadd.s32 $0x4, v2  }
0xb5: {  	v2 =	vbroadcast v2, $0x0;
	_ =	sdelay $0x2  }
0xb6: {  	v3 =	vmul.f32 v4, v3  }
0xb7: {  	s19 =	sadd.s32 $0xFFFFFFFE, s11  }
0xb8: {  	[tilespmem:s10+$0xFFFFFFF0] =	vst v3;
	v3 =	vmov s19  }
0xb9: {  	v2 =	vld.idx.msk [tilespmem:v2+s15+$0x0], $0xffff;
	v3 =	vshrl.u32 v3, $0x3  }
0xba: {  	v4 =	vld [tilespmem:s10+$0x0];
	v3 =	vshll.u32 v3, v1  }
0xbb: {  	v3 =	vadd.s32 $0x5, v3  }
0xbc: {  	v3 =	vbroadcast v3, $0x0;
	_ =	sdelay $0x2  }
0xbd: {  	v2 =	vmul.f32 v4, v2  }
0xbe: {  	s19 =	sadd.s32 $0xFFFFFFFF, s11  }
0xbf: {  	[tilespmem:s10+$0x0] =	vst v2;
	v2 =	vmov s19  }
0xc0: {  	v3 =	vld.idx.msk [tilespmem:v3+s15+$0x0], $0xffff;
	v2 =	vshrl.u32 v2, $0x3  }
0xc1: {  	v4 =	vld [tilespmem:s10+$0x10];
	v2 =	vshll.u32 v2, v1  }
0xc2: {  	v2 =	vadd.s32 $0x6, v2  }
0xc3: {  	v2 =	vbroadcast v2, $0x0;
	_ =	sdelay $0x2  }
0xc4: {  	v3 =	vmul.f32 v4, v3;
	_ =	sdelay $0x1  }
0xc5: {  	[tilespmem:s10+$0x10] =	vst v3;
	v3 =	vmov s11;
	s11 =	smov.u32 s25  }
0xc6: {  	v4 =	vld.idx.msk [tilespmem:v2+s15+$0x0], $0xffff;
	v2 =	vshrl.u32 v3, $0x3  }
0xc7: {  	v3 =	vld [tilespmem:s10+$0x20];
	v2 =	vshll.u32 v2, v1  }
0xc8: {  	v2 =	vadd.s32 $0x7, v2  }
0xc9: {  	v2 =	vbroadcast v2, $0x0  }
.Ltmp1:
0xca: {  	(pc) =	sbr.rel @p0 .LBB2_5-.Ltmp1, $3  }
0xcb: {  	_ = 	snop  }
0xcc: {  	v3 =	vmul.f32 v3, v4;
	_ =	sdelay $0x1  }
0xcd: {  	s25 =	sadd.s32 $0x8, s25;
	s19 =	sadd.s32 $0xFFFFFFF9, s11;
	[tilespmem:s10+$0x20] =	vst v3  }
0xce: {  	_ =	sdelay $0x3  }
0xcf: {  	v3 =	vmov s19;
	v2 =	vld.idx.msk [tilespmem:v2+s15+$0x0], $0xffff  }
0xd0: {  	v4 =	vld [tilespmem:s10+$0x30];
	v3 =	vshrl.u32 v3, $0x3  }
0xd1: {  	v3 =	vshll.u32 v3, v1  }
0xd2: {  	v3 =	vbroadcast v3, $0x0;
	_ =	sdelay $0x2  }
0xd3: {  	v2 =	vmul.f32 v4, v2  }
0xd4: {  	s25 =	sadd.s32 $0xFFFFFFFA, s11  }
0xd5: {  	v56 =	vmov s25;
	[tilespmem:s10+$0x30] =	vst v2  }
0xd6: {  	s10 =	sadd.s32 $0x80, s10;
	v2 =	vld.idx.msk [tilespmem:v3+s15+$0x0], $0xffff;
	v3 =	vshrl.u32 v56, $0x3  }
0xd7: {  	v57 =	vld [tilespmem:s10+$0xFFFFFFC0];
	v3 =	vshll.u32 v3, v1  }
0xd8: {  	v3 =	vadd.s32 $0x1, v3  }
0xd9: {  	v3 =	vbroadcast v3, $0x0;
	_ =	sdelay $0x2  }
0xda: {  	v2 =	vmul.f32 v57, v2  }
0xdb: {  	s25 =	sadd.s32 $0xFFFFFFFB, s11  }
0xdc: {  	v58 =	vld [tilespmem:s10+$0xFFFFFFD0];
	[tilespmem:s10+$0xFFFFFFC0] =	vst v2;
	v2 =	vmov s25  }
0xdd: {  	v2 =	vshrl.u32 v2, $0x3;
	v3 =	vld.idx.msk [tilespmem:v3+s15+$0x0], $0xffff  }
0xde: {  	v2 =	vshll.u32 v2, v1  }
0xdf: {  	v2 =	vadd.s32 $0x2, v2  }
0xe0: {  	v2 =	vbroadcast v2, $0x0;
	_ =	sdelay $0x1  }
0xe1: {  	v3 =	vmul.f32 v58, v3  }
0xe2: {  	s25 =	sadd.s32 $0xFFFFFFFC, s11  }
0xe3: {  	[tilespmem:s10+$0xFFFFFFD0] =	vst v3;
	v3 =	vmov s25  }
0xe4: {  	v59 =	vld [tilespmem:s10+$0xFFFFFFE0];
	v3 =	vshrl.u32 v3, $0x3  }
0xe5: {  	v2 =	vld.idx.msk [tilespmem:v2+s15+$0x0], $0xffff;
	v3 =	vshll.u32 v3, v1  }
0xe6: {  	v3 =	vadd.s32 $0x3, v3  }
0xe7: {  	v3 =	vbroadcast v3, $0x0;
	_ =	sdelay $0x2  }
0xe8: {  	v2 =	vmul.f32 v59, v2  }
0xe9: {  	s25 =	sadd.s32 $0xFFFFFFFD, s11  }
0xea: {  	v60 =	vld [tilespmem:s10+$0xFFFFFFF0];
	[tilespmem:s10+$0xFFFFFFE0] =	vst v2;
	v2 =	vmov s25  }
0xeb: {  	v2 =	vshrl.u32 v2, $0x3;
	v3 =	vld.idx.msk [tilespmem:v3+s15+$0x0], $0xffff  }
0xec: {  	v2 =	vshll.u32 v2, v1  }
0xed: {  	v2 =	vadd.s32 $0x4, v2  }
0xee: {  	v2 =	vbroadcast v2, $0x0;
	_ =	sdelay $0x1  }
0xef: {  	v3 =	vmul.f32 v60, v3  }
0xf0: {  	s25 =	sadd.s32 $0xFFFFFFFE, s11  }
0xf1: {  	[tilespmem:s10+$0xFFFFFFF0] =	vst v3;
	v3 =	vmov s25  }
0xf2: {  	v61 =	vld [tilespmem:s10+$0x0];
	v3 =	vshrl.u32 v3, $0x3  }
0xf3: {  	v2 =	vld.idx.msk [tilespmem:v2+s15+$0x0], $0xffff;
	v3 =	vshll.u32 v3, v1  }
0xf4: {  	v3 =	vadd.s32 $0x5, v3  }
0xf5: {  	v3 =	vbroadcast v3, $0x0;
	_ =	sdelay $0x2  }
0xf6: {  	v2 =	vmul.f32 v61, v2  }
0xf7: {  	s25 =	sadd.s32 $0xFFFFFFFF, s11  }
0xf8: {  	v62 =	vld [tilespmem:s10+$0x10];
	[tilespmem:s10+$0x0] =	vst v2;
	v2 =	vmov s25  }
0xf9: {  	v2 =	vshrl.u32 v2, $0x3;
	v3 =	vld.idx.msk [tilespmem:v3+s15+$0x0], $0xffff  }
0xfa: {  	v2 =	vshll.u32 v2, v1  }
0xfb: {  	v2 =	vadd.s32 $0x6, v2  }
0xfc: {  	v2 =	vbroadcast v2, $0x0;
	_ =	sdelay $0x1  }
0xfd: {  	v3 =	vmul.f32 v62, v3;
	_ =	sdelay $0x1  }
0xfe: {  	[tilespmem:s10+$0x10] =	vst v3;
	v3 =	vmov s11  }
0xff: {  	v63 =	vld [tilespmem:s10+$0x20];
	v3 =	vshrl.u32 v3, $0x3  }
0x100: {  	v2 =	vld.idx.msk [tilespmem:v2+s15+$0x0], $0xffff;
	v3 =	vshll.u32 v3, v1  }
0x101: {  	v3 =	vadd.s32 $0x7, v3  }
0x102: {  	v3 =	vbroadcast v3, $0x0;
	_ =	sdelay $0x2  }
0x103: {  	v2 =	vmul.f32 v63, v2;
	_ =	sdelay $0x1  }
0x104: {  	[tilespmem:s10+$0x20] =	vst v2  }
0x105: {  	v2 =	vld.idx.msk [tilespmem:v3+s15+$0x0], $0xffff  }
0x106: {  	v3 =	vld [tilespmem:s10+$0x30];
	_ =	sdelay $0x4  }
0x107: {  	v2 =	vmul.f32 v3, v2;
	_ =	sdelay $0x1  }
0x108: {  	[tilespmem:s10+$0x30] =	vst v2  }
0x109: {  	[spmem:s1] =	stream.indirect.scatter.add.f32 [tilespmem:s17], [sflag:$0x2], $0x10, s14, s16, $0xb8;
	[tilespmem:$0x1D400] =	vst v63  }
0x10a: {  	s25 =	simm.s32 $0x480  }
0x10b: {  	[spmem:s1] =	stream.indirect.scatter.add.f32 [tilespmem:s18], [sflag:$0x2], $0x10, s25, s16, $0xb8;
	[tilespmem:$0x1D400] =	vst v63  }
0x10c: {  	s11 =	simm.s32 $0x500  }
0x10d: {  	[spmem:s1] =	stream.indirect.scatter.add.f32 [tilespmem:s20], [sflag:$0x2], $0x10, s11, s16, $0xb8;
	[tilespmem:$0x1D400] =	vst v63  }
0x10e: {  	s19 =	simm.s32 $0x580  }
0x10f: {  	[spmem:s1] =	stream.indirect.scatter.add.f32 [tilespmem:s22], [sflag:$0x2], $0x10, s19, s16, $0xb8;
	[tilespmem:$0x1D400] =	vst v63  }
0x110: {  	s25 =	simm.s32 $0x600  }
0x111: {  	[spmem:s1] =	stream.indirect.scatter.add.f32 [tilespmem:s24], [sflag:$0x2], $0x10, s25, s16, $0xb8;
	[tilespmem:$0x1D400] =	vst v63  }
0x112: {  	_ = 	snop  }
0x113: {  	[spmem:s1] =	stream.indirect.scatter.add.f32 [tilespmem:s28], [sflag:$0x2], $0x10, s21, s16, $0xb8;
	[tilespmem:$0x1D400] =	vst v63  }
0x114: {  	_ = 	snop  }
0x115: {  	[spmem:s1] =	stream.indirect.scatter.add.f32 [tilespmem:s30], [sflag:$0x2], $0x10, s23, s16, $0xb8;
	[tilespmem:$0x1D400] =	vst v63  }
0x116: {  	_ = 	snop  }
0x117: {  	[spmem:s1] =	stream.indirect.scatter.add.f32 [tilespmem:s0], [sflag:$0x2], $0x10, s26, s16, $0xb8;
	[tilespmem:$0x1D400] =	vst v63  }
0x118: {  	_ =	swait.ge [sflag:s29], $0x800  }
0x119: {  	[sflag:s29] =	ssyncset.done $0x0  }
0x11a: {  	[sflag:s29] =	ssyncadd.s32 $0xFFFFF800  }
0x11b: {  	_ =	swait.ge [sflag:s29], $0x800  }
0x11c: {  	[sflag:s29] =	ssyncset.done $0x0  }
0x11d: {  	[sflag:s29] =	ssyncadd.s32 $0xFFFFF800  }
0x11e: {  	_ =	swait.ge [sflag:s29], $0x800  }
0x11f: {  	[sflag:s29] =	ssyncset.done $0x0  }
0x120: {  	[sflag:s29] =	ssyncadd.s32 $0xFFFFF800  }
0x121: {  	_ =	swait.ge [sflag:s29], $0x800  }
0x122: {  	[sflag:s29] =	ssyncset.done $0x0  }
0x123: {  	[sflag:s29] =	ssyncadd.s32 $0xFFFFF800  }
0x124: {  	_ =	swait.ge [sflag:s29], $0x800  }
0x125: {  	[sflag:s29] =	ssyncset.done $0x0  }
0x126: {  	[sflag:s29] =	ssyncadd.s32 $0xFFFFF800  }
0x127: {  	_ =	swait.ge [sflag:s29], $0x800  }
0x128: {  	[sflag:s29] =	ssyncset.done $0x0  }
0x129: {  	s31 =	sadd.s32 $0x1, s31;
	[sflag:s29] =	ssyncadd.s32 $0xFFFFF800  }
0x12a: {  	p0 =	sne.s32 s31, $0x32;
	_ =	swait.ge [sflag:s29], $0x800  }
.Ltmp2:
0x12b: {  	[sflag:s29] =	ssyncset.done $0x0;
	(pc) =	sbr.rel @p0 .LBB2_4-.Ltmp2, $4  }
0x12c: {  	[sflag:s29] =	ssyncadd.s32 $0xFFFFF800  }
0x12d: {  	_ =	swait.ge [sflag:s29], $0x800  }
0x12e: {  	[sflag:s29] =	ssyncset.done $0x0  }
0x12f: {  	[sflag:s29] =	ssyncadd.s32 $0xFFFFF800  }
0x130: {  	s10 =	stileid.u32;
	[bflag:$0x0] =	sbarrier.arrive $0xFFFF  }
0x131: {  	s10 =	sshll.u32 s10, $0x6;
	s11 =	rddreg [dreg:$0x3]  }
0x132: {  	s19 =	rddreg [dreg:$0x5];
	s10 =	sor.u32 $0x1C03, s10  }
0x133: {  	[hbm:s11], [sflag:s10] =	dma.local [spmem:s19], $0x30E0  }
0x134: {  	_ =	swait.ge [sflag:s13], $0x30E0  }
0x135: {  	s25 =	rddreg [dreg:$0x6]  }
0x136: {  	s31 =	rddreg [dreg:$0x4];
	s11 =	sadd.s32 $0x1, s25  }
0x137: {  	p0 =	sne.s32 s11, s31  }
.Ltmp3:
0x138: {  	_ = 	snop;
	(pc) =	sbr.rel @p0 .LBB2_1-.Ltmp3, $3  }
0x139: {  	_ =	sdelay $0x1  }
0x13a: {  	[sflag:s13] =	ssyncset.done $0x0  }
0x13b: {  	[sflag:s13] =	ssyncadd.s32 $0xFFFFCF20  }
0x13c: {  	_ =	sfence.sel $0x180000  }
0x13d: {  	[bflag:$0x0] =	sbarrier.arrive $0xFFFF  }
0x13e: {  	_ =	strace $0x9000004D  }
0x13f: {  	s0 =	stileid.u32;
	[bflag:$0x2] =	sbarrier.arrive $0xFFFF  }
0x140: {  	p0 =	sne.s32 s0, $0x0;
	s0 =	rddreg [dreg:$0x2]  }
0x141: {  	s0 =	sadd.s32 @!p0 $0x100000, s0  }
0x142: {  	[sflag:s0] =	ssyncadd.tile.s32 @!p0 $0x1;
	_ =	shalt  }
.Lfunc_end2:
_tile_overlayer_lowered:
.L_overlay_start_2:
0x143: {  	(tag) =	ssettag $0x2  }
0x144: {  	s0 =	rddreg [dreg:$0x0];
	s2 =	stileid.u32  }
0x145: {  	s1 =	rddreg [dreg:$0x1];
	p0 =	sne.s32 s2, $0x0  }
0x146: {  	s3 =	rddreg [dreg:$0x2];
	[bflag:$0x3] =	sbarrier.arrive $0xFFFF;
	s2 =	simm.s32 @!p0 $0x1C03  }
0x147: {  	[timem:s3], [sflag:s2] =	dma.local @!p0 [hbm:s0], s1  }
0x148: {  	s0 =	simm.s32 @!p0 $0x3  }
0x149: {  	_ =	swait.ge @!p0 [sflag:s0], s1  }
0x14a: {  	s1 =	ssub.s32 @!p0 $0x0, s1;
	[sflag:s0] =	ssyncset.done @!p0 $0x0  }
0x14b: {  	[sflag:s0] =	ssyncadd.s32 @!p0 s1  }
0x14c: {  	[bflag:$0x3] =	sbarrier.arrive $0xFFFF  }
0x14d: {  	_ =	shalt  }

// kernel: kernel.9.cloned.1.call-start
scs
__scs_entry_jumppad:
0x0: {  	(pc) =	sbr.rel $0x88, $3  }
0x1: {  	(tag) =	ssettag $0x0;
	lr =	simm.s32 $0x1  }
0x2: {  	[smem:$0x3F9A] =	sst lr;
	_ =	strace $0xD0000000  }
0x3: {  	_ = 	snop  }
0x4: {  	_ = 	snop  }
0x5: {  	_ = 	snop  }
0x6: {  	_ = 	snop  }
0x7: {  	_ = 	snop  }
__scs_overlays_trampoline_lowered:
0x8: {  	[smem:$0x3FA9] =	sst s0  }
0x9: {  	[smem:$0x3FAA] =	sst s1  }
0xa: {  	[smem:$0x3FAB] =	sst s2  }
0xb: {  	[smem:$0x3FAC] =	sst s3  }
0xc: {  	[smem:$0x3FAD] =	sst s4  }
0xd: {  	[smem:$0x3FAE] =	sst s5  }
0xe: {  	[smem:$0x3FAF] =	sst s6  }
0xf: {  	[smem:$0x3FB0] =	sst s7  }
0x10: {  	[smem:$0x3FB1] =	sst s8  }
0x11: {  	[smem:$0x3FB2] =	sst s9;
	s0 =	simm.s32 @!p0 $0x0  }
0x12: {  	s1 =	sld [smem:$0x3F98];
	s0 =	simm.s32 @p0 $0x1  }
0x13: {  	[smem:$0x3FB3] =	sst s0;
	s0 =	simm.s32 @!p1 $0x0  }
0x14: {  	s2 =	sld [smem:$0x3F97];
	s0 =	simm.s32 @p1 $0x1  }
0x15: {  	[smem:$0x3FB4] =	sst s0;
	s0 =	simm.s32 @!p2 $0x0  }
0x16: {  	s3 =	sld [smem:$0x3FDB];
	s0 =	simm.s32 @p2 $0x1  }
0x17: {  	s4 =	simm.s32 $0x1BF5;
	[smem:$0x3FB6] =	sst s0  }
0x18: {  	s0 =	sld [smem:$0x3F99];
	_ =	swait.ge [sflag:s4], $0x0  }
0x19: {  	s7 =	sld [smem:$0x3F9A]  }
0x1a: {  	s8 =	sadd.s32 $0xFFFFE003, lr  }
0x1b: {  	s9 =	sadd.s32 $0xFFFFFEF7, lr;
	s5 =	simm.s32 $0xFFFFFFFF;
	p2 =	slt.u32 s8, $0xFFFFF086  }
0x1c: {  	p1 =	slt.u32 s9, $0xF7A;
	s5 =	simm.s32 @!p2 $0x0  }
0x1d: {  	s5 =	simm.s32 @p1 $0x1;
	p0 =	seq.s32 s7, s2  }
0x1e: {  	s7 =	smul.u32 @!p0 $0xF7A, s2;
	p2 =	seq.s32 @!p0 s5, $0x0  }
0x1f: {  	s9 =	smul.u32 $0xF7A, s1;
	s8 =	simm.s32 @!p0 $0x1BF5;
	p2 =	por !p2, p0  }
0x20: {  	[sflag:s8] =	ssyncset.s32 @!p0 $0xFFFFF086;
	s6 =	sadd.s32 @!p0 s3, s7;
	s7 =	simm.s32 @!p0 $0x108  }
0x21: {  	s3 =	sadd.s32 s3, s9;
	s6 =	sadd.s32 @!p0 $0x88, s6;
	s7 =	simm.s32 @p2 $0x1082  }
0x22: {  	[simem:s7], [sflag:s8] =	dma.local @!p0 [hbm:s6], $0xF7A  }
0x23: {  	s9 =	sor.u32 $0xD0000000, s2;
	s6 =	simm.s32 $0x108;
	_ =	swait.ge @!p0 [sflag:s8], $0x0  }
0x24: {  	s3 =	sadd.s32 $0x88, s3;
	s6 =	simm.s32 @!p1 $0x1082;
	[sflag:s4] =	ssyncset.s32 $0xFFFFF086  }
0x25: {  	[simem:s6], [sflag:s4] =	dma.local [hbm:s3], $0xF7A  }
0x26: {  	[smem:$0x3F9A] =	sst s1;
	(tag) =	ssettag s2;
	_ =	strace s9  }
0x27: {  	s1 =	sld [smem:$0x3FAA]  }
0x28: {  	s2 =	sld [smem:$0x3FAB]  }
0x29: {  	s4 =	sld [smem:$0x3FAD]  }
0x2a: {  	p0 =	seq.s32 s5, $0x0;
	s5 =	sld [smem:$0x3FAE]  }
0x2b: {  	s6 =	sld [smem:$0x3FAF]  }
0x2c: {  	s7 =	sld [smem:$0x3FB0]  }
0x2d: {  	s3 =	simm.s32 $0x108;
	s8 =	sld [smem:$0x3FB1]  }
0x2e: {  	s3 =	simm.s32 @!p0 $0x1082;
	s9 =	sld [smem:$0x3FB2]  }
0x2f: {  	lr =	sadd.s32 s0, s3;
	s0 =	sld [smem:$0x3FA9]  }
0x30: {  	s3 =	sld [smem:$0x3FAC]  }
0x31: {  	[smem:$0x3FB5] =	sst s10  }
0x32: {  	s10 =	sld [smem:$0x3FB3];
	_ =	sdelay $0x3  }
0x33: {  	p0 =	seq.s32 s10, $0x1;
	s10 =	sld [smem:$0x3FB5];
	_ =	sdelay $0x3  }
0x34: {  	[smem:$0x3FB5] =	sst s10  }
0x35: {  	s10 =	sld [smem:$0x3FB4];
	_ =	sdelay $0x3  }
0x36: {  	p1 =	seq.s32 s10, $0x1;
	s10 =	sld [smem:$0x3FB5];
	_ =	sdelay $0x3  }
0x37: {  	[smem:$0x3FB5] =	sst s10  }
0x38: {  	s10 =	sld [smem:$0x3FB6]  }
0x39: {  	_ = 	snop;
	(pc) =	sbr.ind lr, $3  }
0x3a: {  	_ = 	snop  }
0x3b: {  	_ = 	snop  }
0x3c: {  	p2 =	seq.s32 s10, $0x1;
	s10 =	sld [smem:$0x3FB5]  }
0x3d: {  	_ =	shalt  }
0x3e: {  	_ =	shalt  }
0x3f: {  	_ =	shalt  }
0x40: {  	_ =	shalt  }
0x41: {  	_ =	shalt  }
0x42: {  	_ =	shalt  }
0x43: {  	_ =	shalt  }
0x44: {  	_ =	shalt  }
0x45: {  	_ =	shalt  }
0x46: {  	_ =	shalt  }
0x47: {  	_ =	shalt  }
0x48: {  	_ =	shalt  }
0x49: {  	_ =	shalt  }
0x4a: {  	_ =	shalt  }
0x4b: {  	_ =	shalt  }
0x4c: {  	_ =	shalt  }
0x4d: {  	_ =	shalt  }
0x4e: {  	_ =	shalt  }
0x4f: {  	_ =	shalt  }
0x50: {  	_ =	shalt  }
0x51: {  	_ =	shalt  }
0x52: {  	_ =	shalt  }
0x53: {  	_ =	shalt  }
0x54: {  	_ =	shalt  }
0x55: {  	_ =	shalt  }
0x56: {  	_ =	shalt  }
0x57: {  	_ =	shalt  }
0x58: {  	_ =	shalt  }
0x59: {  	_ =	shalt  }
0x5a: {  	_ =	shalt  }
0x5b: {  	_ =	shalt  }
0x5c: {  	_ =	shalt  }
0x5d: {  	_ =	shalt  }
0x5e: {  	_ =	shalt  }
0x5f: {  	_ =	shalt  }
0x60: {  	_ =	shalt  }
0x61: {  	_ =	shalt  }
0x62: {  	_ =	shalt  }
0x63: {  	_ =	shalt  }
0x64: {  	_ =	shalt  }
0x65: {  	_ =	shalt  }
0x66: {  	_ =	shalt  }
0x67: {  	_ =	shalt  }
0x68: {  	_ =	shalt  }
0x69: {  	_ =	shalt  }
0x6a: {  	_ =	shalt  }
0x6b: {  	_ =	shalt  }
0x6c: {  	_ =	shalt  }
0x6d: {  	_ =	shalt  }
0x6e: {  	_ =	shalt  }
0x6f: {  	_ =	shalt  }
0x70: {  	_ =	shalt  }
0x71: {  	_ =	shalt  }
0x72: {  	_ =	shalt  }
0x73: {  	_ =	shalt  }
0x74: {  	_ =	shalt  }
0x75: {  	_ =	shalt  }
0x76: {  	_ =	shalt  }
0x77: {  	_ =	shalt  }
0x78: {  	_ =	shalt  }
0x79: {  	_ =	shalt  }
0x7a: {  	_ =	shalt  }
0x7b: {  	_ =	shalt  }
0x7c: {  	_ =	shalt  }
0x7d: {  	_ =	shalt  }
0x7e: {  	_ =	shalt  }
0x7f: {  	_ =	shalt  }
0x80: {  	_ =	shalt  }
0x81: {  	_ =	shalt  }
0x82: {  	_ =	shalt  }
0x83: {  	_ =	shalt  }
0x84: {  	_ =	shalt  }
0x85: {  	_ =	shalt  }
0x86: {  	_ =	shalt  }
0x87: {  	_ =	shalt  }
.Lfunc_end0:
.L_simem_size_0:
called_computation_lowered:
.L_overlay_start_0:
0x88: {  	s2 =	sld [smem:$0x3FD9]  }
0x89: {  	s3 =	sld [smem:$0x3FFE];
	_ =	sdelay $0x1  }
0x8a: {  	s1 =	srdreg.scid  }
0x8b: {  	s0 =	sand.u32 $0x1, s1  }
0x8c: {  	s16 =	sshll.u32 s0, $0xA;
	s2 =	sadd.s32 s3, s2  }
0x8d: {  	s2 =	sadd.s32 s2, s16  }
0x8e: {  	[smem:$0x3FC1] =	sst s2  }
0x8f: {  	_ = 	snop  }
0x90: {  	(tm) =	ssettm $0x1  }
0x91: {  	s17 =	sld [smem:$0x3FFB];
	_ =	sdelay $0x3  }
0x92: {  	_ =	strace s17  }
0x93: {  	s2 =	sld [smem:$0x3FFC];
	_ =	sdelay $0x3  }
0x94: {  	_ =	strace s2  }
0x95: {  	s2 =	sld [smem:$0x3FFD];
	_ =	sdelay $0x3  }
0x96: {  	_ =	strace s2  }
0x97: {  	_ =	strace $0x8FFFFFFF  }
0x98: {  	s18 =	sld [smem:$0x3FDB];
	_ =	sdelay $0x1  }
0x99: {  	s19 =	simm.s32 $_scs_section_size  }
0x9a: {  	s4 =	simm.s32 $_size__tile_overlayer_lowered;
	s5 =	simm.s32 $_tile_overlayer_lowered  }
0x9b: {  	s22 =	simm.s32 $0x1BFF;
	s21 =	sshll.u32 s5, $0x1;
	s2 =	sadd.s32 s19, s18  }
0x9c: {  	s6 =	simm.s32 $0x0;
	s20 =	sshll.u32 s4, $0x1;
	s4 =	sadd.s32 s21, s2  }
0x9d: {  	[timem:s6], [sflag:s22] =	dma.local [hbm:s4], s20  }
0x9e: {  	_ =	swait.ge [sflag:s22], s20  }
0x9f: {  	s3 =	ssub.s32 $0x0, s20;
	[sflag:s22] =	ssyncset.done $0x0  }
0xa0: {  	[sflag:s22] =	ssyncadd.s32 s3;
	_ =	sdelay $0x1  }
0xa1: {  	s23 =	simm.s32 $0x1B8B  }
0xa2: {  	_ =	swait.ge [sflag:s23], $0x1  }
0xa3: {  	[sflag:s23] =	ssyncset.done $0x0  }
0xa4: {  	s25 =	simm.s32 $0x1B8E;
	s24 =	sld [smem:$0x3FFE];
	[sflag:s23] =	ssyncadd.s32 $0xFFFFFFFF  }
0xa5: {  	s26 =	simm.s32 $execute0_lowered;
	[smem:$0x3FD2] =	sst s25  }
0xa6: {  	s4 =	sshll.u32 s26, $0x1;
	_ =	strace $0x80000046;
	[dreg:$0x1] =	wrdreg $0xFFFFFFFF  }
0xa7: {  	s28 =	simm.s32 $_size_execute0_lowered;
	s2 =	sadd.s32 s2, s4;
	[dreg:$0x0] =	wrdreg $0x0  }
0xa8: {  	s4 =	sshll.u32 s28, $0x1;
	[dreg:$0x2] =	wrdreg s2  }
0xa9: {  	[dreg:$0x3] =	wrdreg s4  }
0xaa: {  	[dreg:$0x4] =	wrdreg $0xC0  }
0xab: {  	_ =	task [dreg:s6], $0x5FFFF  }
0xac: {  	[dreg:$0x1] =	wrdreg $0xFFFFFFFF  }
0xad: {  	[dreg:$0x0] =	wrdreg $0x60  }
0xae: {  	[dreg:$0x2] =	wrdreg s24  }
0xaf: {  	[dreg:$0x3] =	wrdreg $0x9  }
0xb0: {  	_ =	task.clear_ibuf [dreg:s6], $0x4FFFF;
	_ =	strace $0x90000046  }
0xb1: {  	s29 =	simm.s32 $0x9;
	_ =	strace $0x80000048  }
0xb2: {  	_ =	swait.ge [sflag:s29], $0x1  }
0xb3: {  	[sflag:s29] =	ssyncadd.s32 $0xFFFFFFFF  }
0xb4: {  	_ =	strace $0x90000048  }
0xb5: {  	_ =	sfence  }
0xb6: {  	s30 =	sld [smem:$0x0];
	_ =	sdelay $0x2  }
0xb7: {  	s31 =	sshll.u32 s1, $0xD;
	s1 =	sshrl.u32 s1, $0x2  }
0xb8: {  	s3 =	sand.u32 $0x4000, s31;
	s1 =	sadd.s32 s1, s30  }
0xb9: {  	s0 =	sor.u32 s3, s0;
	s1 =	sshll.u32 s1, $0x11  }
0xba: {  	s0 =	sor.u32 s1, s0  }
0xbb: {  	s0 =	sadd.s32 $0x8F2B, s0  }
0xbc: {  	[sflag:s0] =	ssyncadd.remote.s32 $0x1  }
0xbd: {  	_ =	sfence.sel $0xFFFF  }
0xbe: {  	[dreg:$0x0] =	wrdreg $0xFFFFFFFF;
	(pc) =	sbr.abs _section_cstart, $3  }
0xbf: {  	[dreg:$0x1] =	wrdreg $0xFFFFFFFF  }
0xc0: {  	_ =	task.clear_ibuf [dreg:s6], $0x2FFFF;
	_ =	strace $0x9FFFFFFF  }
0xc1: {  	(tm) =	ssettm $0x7FFFFFFF  }
tec
execute0_lowered:
.L_overlay_start_1:
0x0: {  	(tag) =	ssettag $0x1  }
0x1: {  	s5 =	rddreg [dreg:$0x0]  }
0x2: {  	s0 =	rddreg [dreg:$0x1];
	s3 =	srdreg.scid  }
0x3: {  	s1 =	stileid.u32;
	s2 =	simm.s32 $0x0;
	s10 =	simm.s32 $0x18EA0  }
0x4: {  	s11 =	simm.s32 $0x0;
	s3 =	sand.u32 $0x1, s3;
	s4 =	sshll.u32 s1, $0x1  }
0x5: {  	[smem:$0x7FF] =	sst s2;
	s6 =	sor.u32 s3, s4;
	s8 =	ssub.s32 $0x2, s3  }
0x6: {  	_ =	strace $0x80000047;
	s7 =	smul.u32 $0x30D4, s6;
	s9 =	sshrl.u32 s8, $0x1  }
0x7: {  	s3 =	sadd.s32 $0x1800, s5;
	s4 =	sadd.s32 $0x33800, s5;
	s8 =	ssub.s32 s8, s9  }
0x8: {  	s9 =	simm.s32 $0x1;
	s7 =	sadd.s32 s7, s5;
	s5 =	smul.u32 $0xC800, s6  }
0x9: {  	v0 =	vimm.f32 $0.0e+00;
	s6 =	sadd.s32 $0x65800, s7;
	s7 =	smax.u32 s8, $0x1;
	s8 =	simm.s32 $0x186A0  }
.LBB2_1:
0xa: {  	s12 =	simm.s32 $0x0  }
.LBB2_2:
0xb: {  	p0 =	sne.s32 s12, $0x61A40  }
.Ltmp0:
0xc: {  	_ = 	snop;
	(pc) =	sbr.rel @p0 .LBB2_2-.Ltmp0, $3  }
0xd: {  	_ =	sdelay $0x1  }
0xe: {  	s13 =	sshra.s32 s12, $0x2  }
0xf: {  	s12 =	sadd.s32 $0x40, s12;
	[tilespmem:s13+$0x0] =	vst v0  }
0x10: {  	s12 =	simm.s32 $0x0  }
.LBB2_4:
0x11: {  	s13 =	sshll.u32 s12, $0xB  }
0x12: {  	s13 =	sadd.s32 s5, s13  }
0x13: {  	s13 =	sshrl.u32 s13, $0x3  }
0x14: {  	s14 =	sadd.s32 s3, s13  }
0x15: {  	[tilespmem:s8], [sflag:$0x1] =	stream.linear.gather [hbm4b:s14+s2], $0x800, $0x38;
	[tilespmem:$0x196A0] =	vst v63  }
0x16: {  	_ =	swait.ge [sflag:s9], $0x800  }
0x17: {  	[sflag:s9] =	ssyncset.done $0x0  }
0x18: {  	s13 =	sadd.s32 s4, s13;
	[sflag:s9] =	ssyncadd.s32 $0xFFFFF800  }
0x19: {  	[tilespmem:s10], [sflag:$0x1] =	stream.linear.gather [hbm4b:s13+s2], $0x800, $0x38;
	[tilespmem:$0x196A0] =	vst v63  }
0x1a: {  	_ =	swait.ge [sflag:s9], $0x800  }
0x1b: {  	s15 =	simm.s32 $0x18EC0;
	[sflag:s9] =	ssyncset.done $0x0  }
0x1c: {  	s14 =	simm.s32 $0x186C0;
	s13 =	simm.s32 $0xFFFFFFFC;
	[sflag:s9] =	ssyncadd.s32 $0xFFFFF800  }
.LBB2_5:
0x1d: {  	v1 =	vld [tilespmem:s14+$0xFFFFFFE0];
	_ =	sdelay $0x2  }
0x1e: {  	v2 =	vld [tilespmem:s15+$0xFFFFFFE0];
	_ =	sdelay $0x4  }
0x1f: {  	[tilespmem:v1+s2+$0x0] =	vst.idx.add.f32.msk $0xffff, v2  }
0x20: {  	v1 =	vld [tilespmem:s14+$0xFFFFFFF0];
	_ =	sdelay $0x2  }
0x21: {  	v2 =	vld [tilespmem:s15+$0xFFFFFFF0];
	_ =	sdelay $0x4  }
0x22: {  	[tilespmem:v1+s2+$0x0] =	vst.idx.add.f32.msk $0xffff, v2  }
0x23: {  	v1 =	vld [tilespmem:s14+$0x0];
	_ =	sdelay $0x2  }
0x24: {  	v2 =	vld [tilespmem:s15+$0x0];
	_ =	sdelay $0x4  }
0x25: {  	[tilespmem:v1+s2+$0x0] =	vst.idx.add.f32.msk $0xffff, v2  }
0x26: {  	v1 =	vld [tilespmem:s14+$0x10];
	_ =	sdelay $0x1  }
0x27: {  	s13 =	sadd.s32 $0x4, s13  }
0x28: {  	p0 =	slt.u32 s13, $0x7C;
	v2 =	vld [tilespmem:s15+$0x10]  }
.Ltmp1:
0x29: {  	_ = 	snop;
	(pc) =	sbr.rel @p0 .LBB2_5-.Ltmp1, $2  }
0x2a: {  	_ =	sdelay $0x2  }
0x2b: {  	s14 =	sadd.s32 $0x40, s14;
	s15 =	sadd.s32 $0x40, s15;
	[tilespmem:v1+s2+$0x0] =	vst.idx.add.f32.msk $0xffff, v2  }
0x2c: {  	s12 =	sadd.s32 $0x1, s12  }
0x2d: {  	p0 =	sne.s32 s12, $0x19  }
.Ltmp2:
0x2e: {  	_ = 	snop;
	(pc) =	sbr.rel @p0 .LBB2_4-.Ltmp2, $1  }
0x2f: {  	_ =	sdelay $0x3  }
0x30: {  	s11 =	sadd.s32 $0x1, s11  }
0x31: {  	p0 =	sne.s32 s11, s7  }
.Ltmp3:
0x32: {  	_ = 	snop;
	(pc) =	sbr.rel @p0 .LBB2_1-.Ltmp3, $4  }
0x33: {  	[hbm4b:s6+s2] =	stream.linear.scatter [tilespmem:s2], [sflag:$0x1], $0x186A0, $0x38;
	[tilespmem:$0x196A0] =	vst v63  }
0x34: {  	_ =	swait.ge [sflag:s9], $0x186A0  }
0x35: {  	[sflag:s9] =	ssyncset.done $0x0  }
0x36: {  	[sflag:s9] =	ssyncadd.s32 $0xFFFE7960  }
0x37: {  	_ =	sfence.sel $0x180000  }
0x38: {  	[bflag:$0x0] =	sbarrier.arrive $0xFFFF  }
0x39: {  	p0 =	sne.s32 s1, $0x0;
	_ =	strace $0x90000047  }
0x3a: {  	s0 =	sadd.s32 @!p0 $0x100000, s0;
	[bflag:$0x2] =	sbarrier.arrive $0xFFFF  }
0x3b: {  	[sflag:s0] =	ssyncadd.tile.s32 @!p0 $0x1;
	_ =	shalt  }
.Lfunc_end2:
_tile_overlayer_lowered:
.L_overlay_start_2:
0x3c: {  	(tag) =	ssettag $0x2  }
0x3d: {  	s0 =	rddreg [dreg:$0x0];
	s2 =	stileid.u32  }
0x3e: {  	s1 =	rddreg [dreg:$0x1];
	p0 =	sne.s32 s2, $0x0  }
0x3f: {  	s3 =	rddreg [dreg:$0x2];
	[bflag:$0x3] =	sbarrier.arrive $0xFFFF;
	s2 =	simm.s32 @!p0 $0x1C01  }
0x40: {  	[timem:s3], [sflag:s2] =	dma.local @!p0 [hbm:s0], s1  }
0x41: {  	s0 =	simm.s32 @!p0 $0x1  }
0x42: {  	_ =	swait.ge @!p0 [sflag:s0], s1  }
0x43: {  	s1 =	ssub.s32 @!p0 $0x0, s1;
	[sflag:s0] =	ssyncset.done @!p0 $0x0  }
0x44: {  	[sflag:s0] =	ssyncadd.s32 @!p0 s1  }
0x45: {  	[bflag:$0x3] =	sbarrier.arrive $0xFFFF  }
0x46: {  	_ =	shalt  }

</sc_bundles>
